<compile_context>
chip_gen: v7x
topology: tpu7x:2x2x1
jax: 0.10.2.dev20260603
libtpu: 0.0.44.dev20260713+nightly
codegen_flags: <defaults>
</compile_context>

<pallas_src>
import functools

import jax
import jax.numpy as jnp
from jax import lax
from jax.experimental import pallas as pl
from jax.experimental.pallas import tpu as pltpu
from jax.experimental.pallas import tpu_sc as plsc

N = 10000
E = 320000
DIN = 128
HID = 64
EMB = 32
EPS = 1e-5

NC = 2
NS = 16
NW = NC * NS
ETOT = E + N
G = 3
K4 = 28
K = G * K4
EP = NW * K * 128
NPAD = 10240
RPT = NPAD // NS
BR = 1000


def _sc_mesh():
    return plsc.VectorSubcoreMesh(core_axis_name="c", subcore_axis_name="s")


_SC_PARAMS = pltpu.CompilerParams(use_tc_tiling_on_sc=False)


def _deg_call(dst3, ones, zeros):
    @functools.partial(
        pl.kernel,
        mesh=_sc_mesh(),
        compiler_params=_SC_PARAMS,
        out_type=jax.ShapeDtypeStruct((NC, NPAD, 16), jnp.float32),
        scratch_types=[
            pltpu.VMEM((K4, G * 128), jnp.int32),
            pltpu.VMEM((G * 128, 16), jnp.float32),
            pltpu.VMEM_SHARED((NPAD, 16), jnp.float32),
            pltpu.SemaphoreType.DMA,
        ],
    )
    def deg_kernel(dst_hbm, ones_hbm, zeros_hbm, out_hbm, idx_v, ones_v,
                   acc_sh, sem):
        cid = lax.axis_index("c")
        sid = lax.axis_index("s")
        wid = cid * NS + sid
        pltpu.sync_copy(dst_hbm.at[wid], idx_v)
        pltpu.sync_copy(ones_hbm, ones_v)
        pltpu.sync_copy(zeros_hbm, acc_sh.at[pl.ds(sid * RPT, RPT)])
        plsc.subcore_barrier()

        @pl.loop(0, K4)
        def _(j):
            pltpu.async_copy(ones_v, acc_sh.at[idx_v.at[j]], sem, add=True)

        @pl.loop(0, K4)
        def _(j):
            pltpu.make_async_copy(ones_v, acc_sh.at[idx_v.at[0]], sem).wait()

        plsc.subcore_barrier()
        pltpu.sync_copy(acc_sh.at[pl.ds(sid * RPT, RPT)],
                        out_hbm.at[cid, pl.ds(sid * RPT, RPT)])

    return deg_kernel(dst3, ones, zeros)


def _gs_call(src3, dst3, table, zeros, feat):
    @functools.partial(
        pl.kernel,
        mesh=_sc_mesh(),
        compiler_params=_SC_PARAMS,
        out_type=jax.ShapeDtypeStruct((NC, NPAD, feat), jnp.float32),
        scratch_types=[
            pltpu.VMEM((K4, G * 128), jnp.int32),
            pltpu.VMEM((K4, G * 128), jnp.int32),
            pltpu.VMEM((G * 128, feat), jnp.float32),
            pltpu.VMEM((G * 128, feat), jnp.float32),
            pltpu.VMEM_SHARED((NPAD, feat), jnp.float32),
            pltpu.SemaphoreType.DMA,
            pltpu.SemaphoreType.DMA,
            pltpu.SemaphoreType.DMA,
            pltpu.SemaphoreType.DMA,
        ],
    )
    def gs_kernel(src_hbm, dst_hbm, table_hbm, zeros_hbm, out_hbm,
                  src_v, dst_v, rows_a, rows_b, acc_sh, gsa, gsb, ssa, ssb):
        cid = lax.axis_index("c")
        sid = lax.axis_index("s")
        wid = cid * NS + sid
        pltpu.sync_copy(src_hbm.at[wid], src_v)
        pltpu.sync_copy(dst_hbm.at[wid], dst_v)
        pltpu.sync_copy(zeros_hbm, acc_sh.at[pl.ds(sid * RPT, RPT)])
        plsc.subcore_barrier()

        def gstart(j, buf, sem):
            pltpu.async_copy(table_hbm.at[src_v.at[j]], buf, sem)

        def gwait(buf, sem):
            pltpu.make_async_copy(table_hbm.at[src_v.at[0]], buf, sem).wait()

        def sstart(j, buf, sem):
            pltpu.async_copy(buf, acc_sh.at[dst_v.at[j]], sem, add=True)

        def swait(buf, sem):
            pltpu.make_async_copy(buf, acc_sh.at[dst_v.at[0]], sem).wait()

        gstart(0, rows_a, gsa)

        @pl.loop(0, K4 // 2)
        def _(t):
            j0 = 2 * t
            j1 = j0 + 1
            gwait(rows_a, gsa)

            @pl.when(t > 0)
            def _():
                swait(rows_b, ssb)

            gstart(j1, rows_b, gsb)
            sstart(j0, rows_a, ssa)
            gwait(rows_b, gsb)
            swait(rows_a, ssa)

            @pl.when(j1 + 1 < K4)
            def _():
                gstart(j1 + 1, rows_a, gsa)

            sstart(j1, rows_b, ssb)

        swait(rows_b, ssb)
        plsc.subcore_barrier()
        pltpu.sync_copy(acc_sh.at[pl.ds(sid * RPT, RPT)],
                        out_hbm.at[cid, pl.ds(sid * RPT, RPT)])

    return gs_kernel(src3, dst3, table, zeros)


def _dis_of(degp_ref):
    deg = degp_ref[0, :, 0] + degp_ref[1, :, 0]
    return lax.rsqrt(deg)[:, None]


def _mm1_body(x_ref, w_ref, degp_ref, o_ref):
    o_ref[...] = jnp.dot(x_ref[...], w_ref[...],
                         preferred_element_type=jnp.float32,
                         precision=lax.Precision.HIGHEST) * _dis_of(degp_ref)


def _mm1_call(x, W1, degp):
    return pl.pallas_call(
        _mm1_body,
        grid=(N // BR,),
        in_specs=[
            pl.BlockSpec((BR, DIN), lambda i: (i, 0)),
            pl.BlockSpec((DIN, HID), lambda i: (0, 0)),
            pl.BlockSpec((NC, BR, 16), lambda i: (0, i, 0)),
        ],
        out_specs=pl.BlockSpec((BR, HID), lambda i: (i, 0)),
        out_shape=jax.ShapeDtypeStruct((N, HID), jnp.float32),
    )(x, W1, degp)


def _fuse_body(accp_ref, degp_ref, b_ref, g_ref, be_ref, rm_ref, rv_ref,
               w_ref, o_ref):
    dis = _dis_of(degp_ref)
    conv = (accp_ref[0] + accp_ref[1]) * dis + b_ref[...]
    h = (conv - rm_ref[...]) * lax.rsqrt(rv_ref[...] + EPS) * g_ref[...] \
        + be_ref[...]
    h = jnp.maximum(h, 0.0)
    o_ref[...] = jnp.dot(h, w_ref[...],
                         preferred_element_type=jnp.float32,
                         precision=lax.Precision.HIGHEST) * dis


def _fuse_call(accp, degp, b, g, be, rm, rv, W, fout):
    vec = lambda a: a.reshape(1, HID)
    return pl.pallas_call(
        _fuse_body,
        grid=(N // BR,),
        in_specs=[
            pl.BlockSpec((NC, BR, HID), lambda i: (0, i, 0)),
            pl.BlockSpec((NC, BR, 16), lambda i: (0, i, 0)),
            pl.BlockSpec((1, HID), lambda i: (0, 0)),
            pl.BlockSpec((1, HID), lambda i: (0, 0)),
            pl.BlockSpec((1, HID), lambda i: (0, 0)),
            pl.BlockSpec((1, HID), lambda i: (0, 0)),
            pl.BlockSpec((1, HID), lambda i: (0, 0)),
            pl.BlockSpec((HID, fout), lambda i: (0, 0)),
        ],
        out_specs=pl.BlockSpec((BR, fout), lambda i: (i, 0)),
        out_shape=jax.ShapeDtypeStruct((N, fout), jnp.float32),
    )(accp, degp, vec(b), vec(g), vec(be), vec(rm), vec(rv), W)


def _final_body(accp_ref, degp_ref, b_ref, o_ref):
    o_ref[...] = (accp_ref[0] + accp_ref[1]) * _dis_of(degp_ref) + b_ref[...]


def _final_call(accp, degp, b3):
    return pl.pallas_call(
        _final_body,
        grid=(N // BR,),
        in_specs=[
            pl.BlockSpec((NC, BR, EMB), lambda i: (0, i, 0)),
            pl.BlockSpec((NC, BR, 16), lambda i: (0, i, 0)),
            pl.BlockSpec((1, EMB), lambda i: (0, 0)),
        ],
        out_specs=pl.BlockSpec((BR, EMB), lambda i: (i, 0)),
        out_shape=jax.ShapeDtypeStruct((N, EMB), jnp.float32),
    )(accp, degp, b3.reshape(1, EMB))


def kernel(x, edge_index, W1, b1, g1, be1, rm1, rv1,
           W2, b2, g2, be2, rm2, rv2, W3, b3):
    loops = jnp.arange(N, dtype=jnp.int32)
    pad = EP - ETOT
    pad_iota = jnp.arange(pad, dtype=jnp.int32)
    src = jnp.concatenate([edge_index[0], loops, pad_iota % N])
    dst = jnp.concatenate([edge_index[1], loops, N + pad_iota % (NPAD - N)])
    src3 = src.reshape(NW, K4, G * 128)
    dst3 = dst.reshape(NW, K4, G * 128)

    ones16 = jnp.ones((G * 128, 16), jnp.float32)
    zeros16 = jnp.zeros((RPT, 16), jnp.float32)
    zerosH = jnp.zeros((RPT, HID), jnp.float32)
    zerosE = jnp.zeros((RPT, EMB), jnp.float32)

    degp = _deg_call(dst3, ones16, zeros16)
    y1 = _mm1_call(x, W1, degp)
    acc1 = _gs_call(src3, dst3, y1, zerosH, HID)
    y2 = _fuse_call(acc1, degp, b1, g1, be1, rm1, rv1, W2, HID)
    acc2 = _gs_call(src3, dst3, y2, zerosH, HID)
    y3 = _fuse_call(acc2, degp, b2, g2, be2, rm2, rv2, W3, EMB)
    acc3 = _gs_call(src3, dst3, y3, zerosE, EMB)
    return _final_call(acc3, degp, b3)

# --- scband reference (transcript-rebuilt; emitter-appended) ---
"""Pipeline reference for scband-contrastive-gcn-74869869903876 (READ-ONLY COPY).

The authoritative reference and input builder live on the scoring server;
editing this copy changes nothing except your own understanding.
"""

import jax, jax.numpy as jnp
import numpy as np

N = 10000
E = 320000
DIN = 128
HID = 64
EMB = 32
EPS = 1e-5


def setup_inputs(seed: int = 0) -> dict:
    key = jax.random.key(seed)
    ks = jax.random.split(key, 20)
    x = jax.random.normal(ks[0], (N, DIN), dtype=jnp.float32)
    edge_index = jax.random.randint(ks[1], (2, E), 0, N, dtype=jnp.int32)
    W1 = jax.random.normal(ks[2], (DIN, HID), dtype=jnp.float32) * (1.0 / np.sqrt(DIN))
    b1 = jnp.zeros((HID,), dtype=jnp.float32)
    g1 = jnp.ones((HID,), dtype=jnp.float32)
    be1 = jnp.zeros((HID,), dtype=jnp.float32)
    rm1 = jnp.zeros((HID,), dtype=jnp.float32)
    rv1 = jnp.ones((HID,), dtype=jnp.float32)
    W2 = jax.random.normal(ks[3], (HID, HID), dtype=jnp.float32) * (1.0 / np.sqrt(HID))
    b2 = jnp.zeros((HID,), dtype=jnp.float32)
    g2 = jnp.ones((HID,), dtype=jnp.float32)
    be2 = jnp.zeros((HID,), dtype=jnp.float32)
    rm2 = jnp.zeros((HID,), dtype=jnp.float32)
    rv2 = jnp.ones((HID,), dtype=jnp.float32)
    W3 = jax.random.normal(ks[4], (HID, EMB), dtype=jnp.float32) * (1.0 / np.sqrt(HID))
    b3 = jnp.zeros((EMB,), dtype=jnp.float32)
    return {"x": x, "edge_index": edge_index, "W1": W1, "b1": b1, "g1": g1, "be1": be1,
            "rm1": rm1, "rv1": rv1, "W2": W2, "b2": b2, "g2": g2, "be2": be2,
            "rm2": rm2, "rv2": rv2, "W3": W3, "b3": b3}


def _gcn_conv(x, src, dst, W, b, n):
    # GCNConv with symmetric normalization; self-loops already in src/dst
    xw = x @ W
    deg = jnp.zeros((n,), dtype=xw.dtype).at[dst].add(1.0)
    dis = jnp.where(deg > 0, 1.0 / jnp.sqrt(deg), 0.0)
    norm = dis[src] * dis[dst]
    msg = xw[src] * norm[:, None]
    out = jnp.zeros((n, xw.shape[1]), dtype=xw.dtype).at[dst].add(msg)
    return out + b


def _bn(x, g, be, rm, rv):
    # eval-mode BatchNorm1d with running stats
    return (x - rm) / jnp.sqrt(rv + EPS) * g + be


def reference(x, edge_index, W1, b1, g1, be1, rm1, rv1, W2, b2, g2, be2, rm2, rv2, W3, b3):
    n = x.shape[0]
    loops = jnp.arange(n, dtype=edge_index.dtype)
    src = jnp.concatenate([edge_index[0], loops])
    dst = jnp.concatenate([edge_index[1], loops])
    # layer 1
    h = _gcn_conv(x, src, dst, W1, b1, n)
    h = _bn(h, g1, be1, rm1, rv1)
    h = jax.nn.relu(h)
    # dropout: eval mode -> identity
    # layer 2
    h = _gcn_conv(h, src, dst, W2, b2, n)
    h = _bn(h, g2, be2, rm2, rv2)
    h = jax.nn.relu(h)
    # layer 3 (no bn/act)
    h = _gcn_conv(h, src, dst, W3, b3, n)
    return h

if __name__ == "__main__":
    import jax
    _d = setup_inputs()
    print(jax.jit(kernel)(*tuple(_d.values())))

</pallas_src>

<mosaic_0001>
#map = affine_map<(d0, d1) -> (0, 0, 0)>
#map1 = affine_map<(d0, d1) -> (0, 0)>
module attributes {stable_mosaic.version = 14 : i64} {
  func.func @gs_kernel(%arg0: i32, %arg1: i32, %arg2: memref<32x28x384xi32, #tpu.memory_space<hbm>>, %arg3: memref<32x28x384xi32, #tpu.memory_space<hbm>>, %arg4: memref<10000x64xf32, #tpu.memory_space<hbm>>, %arg5: memref<640x64xf32, #tpu.memory_space<hbm>>, %arg6: memref<2x10240x64xf32, #tpu.memory_space<hbm>>, %arg7: memref<28x384xi32, #tpu.memory_space<vmem>>, %arg8: memref<28x384xi32, #tpu.memory_space<vmem>>, %arg9: memref<384x64xf32, #tpu.memory_space<vmem>>, %arg10: memref<384x64xf32, #tpu.memory_space<vmem>>, %arg11: memref<10240x64xf32, #tpu.memory_space<vmem_shared>>, %arg12: memref<!tpu.dma_semaphore, #tpu.memory_space<semaphore_mem>>, %arg13: memref<!tpu.dma_semaphore, #tpu.memory_space<semaphore_mem>>, %arg14: memref<!tpu.dma_semaphore, #tpu.memory_space<semaphore_mem>>, %arg15: memref<!tpu.dma_semaphore, #tpu.memory_space<semaphore_mem>>) attributes {dimension_semantics = [#tpu.dimension_semantics<core_parallel>, #tpu.dimension_semantics<subcore_parallel>], iteration_bounds = array<i64: 2, 16>, scalar_prefetch = 0 : i64, scratch_operands = 9 : i64, tpu.core_type = #tpu.core_type<sc_vector_subcore>, window_params = [{transform_indices = #map}, {transform_indices = #map}, {transform_indices = #map1}, {transform_indices = #map1}, {transform_indices = #map}]} {
    %mul3A = arith.constant 16 : i32
    %mul3A_0 = arith.muli %arg0, %mul3A : i32
    %add3A = arith.addi %mul3A_0, %arg1 : i32
    "tpu.region"() ({
      %run_scoped3A = tpu.sem_alloc : memref<!tpu.dma_semaphore, #tpu.memory_space<semaphore_mem>>
      %dma_start3A_24 = arith.constant 0 : i32
      %dma_start3A_25 = arith.constant 0 : i32
      %dma_start3A_26 = tpu.memref_slice %arg2[%add3A, %dma_start3A_24, %dma_start3A_25] : memref<32x28x384xi32, #tpu.memory_space<hbm>> -> memref<1x28x384xi32, #tpu.memory_space<hbm>>
      %dma_start3A_27 = tpu.memref_squeeze %dma_start3A_26 : memref<1x28x384xi32, #tpu.memory_space<hbm>> -> memref<28x384xi32, #tpu.memory_space<hbm>>
      %dma_start3A_28 = arith.constant 0 : i32
      %dma_start3A_29 = arith.constant 0 : i32
      %dma_start3A_30 = tpu.memref_slice %arg2[%add3A, %dma_start3A_28, %dma_start3A_29] : memref<32x28x384xi32, #tpu.memory_space<hbm>> -> memref<1x28x384xi32, #tpu.memory_space<hbm>>
      %dma_start3A_31 = tpu.memref_squeeze %dma_start3A_30 : memref<1x28x384xi32, #tpu.memory_space<hbm>> -> memref<28x384xi32, #tpu.memory_space<hbm>>
      tpu.enqueue_dma source(%dma_start3A_31 : memref<28x384xi32, #tpu.memory_space<hbm>>) target(%arg7 : memref<28x384xi32, #tpu.memory_space<vmem>>) target_semaphore(%run_scoped3A : memref<!tpu.dma_semaphore, #tpu.memory_space<semaphore_mem>>)
      %dma_wait3A_32 = arith.constant 0 : i32
      %dma_wait3A_33 = arith.constant 0 : i32
      %dma_wait3A_34 = tpu.memref_slice %arg2[%add3A, %dma_wait3A_32, %dma_wait3A_33] : memref<32x28x384xi32, #tpu.memory_space<hbm>> -> memref<1x28x384xi32, #tpu.memory_space<hbm>>
      %dma_wait3A_35 = tpu.memref_squeeze %dma_wait3A_34 : memref<1x28x384xi32, #tpu.memory_space<hbm>> -> memref<28x384xi32, #tpu.memory_space<hbm>>
      %dma_wait3A_36 = arith.constant 0 : i32
      %dma_wait3A_37 = arith.constant 0 : i32
      %dma_wait3A_38 = tpu.memref_slice %arg2[%add3A, %dma_wait3A_36, %dma_wait3A_37] : memref<32x28x384xi32, #tpu.memory_space<hbm>> -> memref<1x28x384xi32, #tpu.memory_space<hbm>>
      %dma_wait3A_39 = tpu.memref_squeeze %dma_wait3A_38 : memref<1x28x384xi32, #tpu.memory_space<hbm>> -> memref<28x384xi32, #tpu.memory_space<hbm>>
      tpu.wait_dma2 semaphore(%run_scoped3A : memref<!tpu.dma_semaphore, #tpu.memory_space<semaphore_mem>>) src(%dma_wait3A_39 : memref<28x384xi32, #tpu.memory_space<hbm>>) dst(%arg7 : memref<28x384xi32, #tpu.memory_space<vmem>>)
      tpu.yield
    }) : () -> ()
    "tpu.region"() ({
      %run_scoped3A = tpu.sem_alloc : memref<!tpu.dma_semaphore, #tpu.memory_space<semaphore_mem>>
      %dma_start3A_24 = arith.constant 0 : i32
      %dma_start3A_25 = arith.constant 0 : i32
      %dma_start3A_26 = tpu.memref_slice %arg3[%add3A, %dma_start3A_24, %dma_start3A_25] : memref<32x28x384xi32, #tpu.memory_space<hbm>> -> memref<1x28x384xi32, #tpu.memory_space<hbm>>
      %dma_start3A_27 = tpu.memref_squeeze %dma_start3A_26 : memref<1x28x384xi32, #tpu.memory_space<hbm>> -> memref<28x384xi32, #tpu.memory_space<hbm>>
      %dma_start3A_28 = arith.constant 0 : i32
      %dma_start3A_29 = arith.constant 0 : i32
      %dma_start3A_30 = tpu.memref_slice %arg3[%add3A, %dma_start3A_28, %dma_start3A_29] : memref<32x28x384xi32, #tpu.memory_space<hbm>> -> memref<1x28x384xi32, #tpu.memory_space<hbm>>
      %dma_start3A_31 = tpu.memref_squeeze %dma_start3A_30 : memref<1x28x384xi32, #tpu.memory_space<hbm>> -> memref<28x384xi32, #tpu.memory_space<hbm>>
      tpu.enqueue_dma source(%dma_start3A_31 : memref<28x384xi32, #tpu.memory_space<hbm>>) target(%arg8 : memref<28x384xi32, #tpu.memory_space<vmem>>) target_semaphore(%run_scoped3A : memref<!tpu.dma_semaphore, #tpu.memory_space<semaphore_mem>>)
      %dma_wait3A_32 = arith.constant 0 : i32
      %dma_wait3A_33 = arith.constant 0 : i32
      %dma_wait3A_34 = tpu.memref_slice %arg3[%add3A, %dma_wait3A_32, %dma_wait3A_33] : memref<32x28x384xi32, #tpu.memory_space<hbm>> -> memref<1x28x384xi32, #tpu.memory_space<hbm>>
      %dma_wait3A_35 = tpu.memref_squeeze %dma_wait3A_34 : memref<1x28x384xi32, #tpu.memory_space<hbm>> -> memref<28x384xi32, #tpu.memory_space<hbm>>
      %dma_wait3A_36 = arith.constant 0 : i32
      %dma_wait3A_37 = arith.constant 0 : i32
      %dma_wait3A_38 = tpu.memref_slice %arg3[%add3A, %dma_wait3A_36, %dma_wait3A_37] : memref<32x28x384xi32, #tpu.memory_space<hbm>> -> memref<1x28x384xi32, #tpu.memory_space<hbm>>
      %dma_wait3A_39 = tpu.memref_squeeze %dma_wait3A_38 : memref<1x28x384xi32, #tpu.memory_space<hbm>> -> memref<28x384xi32, #tpu.memory_space<hbm>>
      tpu.wait_dma2 semaphore(%run_scoped3A : memref<!tpu.dma_semaphore, #tpu.memory_space<semaphore_mem>>) src(%dma_wait3A_39 : memref<28x384xi32, #tpu.memory_space<hbm>>) dst(%arg8 : memref<28x384xi32, #tpu.memory_space<vmem>>)
      tpu.yield
    }) : () -> ()
    %mul3A_1 = arith.constant 640 : i32
    %mul3A_2 = arith.muli %arg1, %mul3A_1 : i32
    "tpu.region"() ({
      %run_scoped3A = tpu.sem_alloc : memref<!tpu.dma_semaphore, #tpu.memory_space<semaphore_mem>>
      %dma_start3A_24 = arith.constant 0 : i32
      %dma_start3A_25 = tpu.memref_slice %arg11[%mul3A_2, %dma_start3A_24] : memref<10240x64xf32, #tpu.memory_space<vmem_shared>> -> memref<640x64xf32, #tpu.memory_space<vmem_shared>>
      tpu.enqueue_dma source(%arg5 : memref<640x64xf32, #tpu.memory_space<hbm>>) target(%dma_start3A_25 : memref<640x64xf32, #tpu.memory_space<vmem_shared>>) target_semaphore(%run_scoped3A : memref<!tpu.dma_semaphore, #tpu.memory_space<semaphore_mem>>)
      %dma_wait3A_26 = arith.constant 0 : i32
      %dma_wait3A_27 = tpu.memref_slice %arg11[%mul3A_2, %dma_wait3A_26] : memref<10240x64xf32, #tpu.memory_space<vmem_shared>> -> memref<640x64xf32, #tpu.memory_space<vmem_shared>>
      tpu.wait_dma2 semaphore(%run_scoped3A : memref<!tpu.dma_semaphore, #tpu.memory_space<semaphore_mem>>) src(%arg5 : memref<640x64xf32, #tpu.memory_space<hbm>>) dst(%dma_wait3A_27 : memref<640x64xf32, #tpu.memory_space<vmem_shared>>)
      tpu.yield
    }) : () -> ()
    %barrier3A = arith.constant 0 : index
    tpu.barrier barrier_id(%barrier3A)
    %dma_start3A = arith.constant 0 : i32
    %dma_start3A_3 = arith.constant 0 : i32
    %dma_start3A_4 = tpu.memref_slice %arg7[%dma_start3A, %dma_start3A_3] : memref<28x384xi32, #tpu.memory_space<vmem>> -> memref<1x384xi32, #tpu.memory_space<vmem>>
    %dma_start3A_5 = tpu.memref_squeeze %dma_start3A_4 : memref<1x384xi32, #tpu.memory_space<vmem>> -> memref<384xi32, #tpu.memory_space<vmem>>
    %dma_start3A_6 = arith.constant 0 : i32
    %dma_start3A_7 = arith.constant 0 : i32
    %dma_start3A_8 = tpu.memref_slice %arg4[%dma_start3A_6, %dma_start3A_7] : memref<10000x64xf32, #tpu.memory_space<hbm>> -> memref<10000x64xf32, #tpu.memory_space<hbm>>
    tpu.enqueue_indirect_dma source(%dma_start3A_8 : memref<10000x64xf32, #tpu.memory_space<hbm>>) target(%arg9 : memref<384x64xf32, #tpu.memory_space<vmem>>) offsets(%dma_start3A_5 : memref<384xi32, #tpu.memory_space<vmem>>) semaphore(%arg12 : memref<!tpu.dma_semaphore, #tpu.memory_space<semaphore_mem>>)
    %scan3A = arith.constant 0 : i32
    %scan3A_9 = arith.constant 14 : i32
    %scan3A_10 = arith.addi %scan3A, %scan3A_9 : i32
    %scan3A_11 = arith.constant 1 : i32
    scf.for %scan3A_24 = %scan3A to %scan3A_10 step %scan3A_11  : i32 {
      %mul3A_25 = arith.constant 1 : i32
      %mul3A_26 = arith.muli %scan3A_24, %mul3A_25 : i32
      %add3A_27 = arith.constant 0 : i32
      %add3A_28 = arith.addi %add3A_27, %mul3A_26 : i32
      %mul3A_29 = arith.constant 2 : i32
      %mul3A_30 = arith.muli %mul3A_29, %add3A_28 : i32
      %add3A_31 = arith.constant 1 : i32
      %add3A_32 = arith.addi %mul3A_30, %add3A_31 : i32
      %dma_wait3A_33 = arith.constant 0 : i32
      %dma_wait3A_34 = arith.constant 0 : i32
      %dma_wait3A_35 = tpu.memref_slice %arg7[%dma_wait3A_33, %dma_wait3A_34] : memref<28x384xi32, #tpu.memory_space<vmem>> -> memref<1x384xi32, #tpu.memory_space<vmem>>
      %dma_wait3A_36 = tpu.memref_squeeze %dma_wait3A_35 : memref<1x384xi32, #tpu.memory_space<vmem>> -> memref<384xi32, #tpu.memory_space<vmem>>
      %dma_wait3A_37 = arith.constant 0 : i32
      %dma_wait3A_38 = arith.constant 0 : i32
      %dma_wait3A_39 = tpu.memref_slice %arg4[%dma_wait3A_37, %dma_wait3A_38] : memref<10000x64xf32, #tpu.memory_space<hbm>> -> memref<10000x64xf32, #tpu.memory_space<hbm>>
      tpu.wait_indirect_dma semaphore(%arg12 : memref<!tpu.dma_semaphore, #tpu.memory_space<semaphore_mem>>) src(%dma_wait3A_39 : memref<10000x64xf32, #tpu.memory_space<hbm>>) dst(%arg9 : memref<384x64xf32, #tpu.memory_space<vmem>>)
      %gt3A = arith.constant 0 : i32
      %gt3A_40 = arith.cmpi sgt, %add3A_28, %gt3A : i32
      %convert_element_type3A = arith.extui %gt3A_40 : i1 to i32
      %cond3A = arith.constant 0 : i32
      %cond3A_41 = arith.cmpi ne, %convert_element_type3A, %cond3A : i32
      scf.if %cond3A_41 {
        %dma_wait3A_80 = arith.constant 0 : i32
        %dma_wait3A_81 = arith.constant 0 : i32
        %dma_wait3A_82 = tpu.memref_slice %arg8[%dma_wait3A_80, %dma_wait3A_81] : memref<28x384xi32, #tpu.memory_space<vmem>> -> memref<1x384xi32, #tpu.memory_space<vmem>>
        %dma_wait3A_83 = tpu.memref_squeeze %dma_wait3A_82 : memref<1x384xi32, #tpu.memory_space<vmem>> -> memref<384xi32, #tpu.memory_space<vmem>>
        %dma_wait3A_84 = arith.constant 0 : i32
        %dma_wait3A_85 = arith.constant 0 : i32
        %dma_wait3A_86 = tpu.memref_slice %arg11[%dma_wait3A_84, %dma_wait3A_85] : memref<10240x64xf32, #tpu.memory_space<vmem_shared>> -> memref<10240x64xf32, #tpu.memory_space<vmem_shared>>
        tpu.wait_indirect_dma semaphore(%arg15 : memref<!tpu.dma_semaphore, #tpu.memory_space<semaphore_mem>>) src(%arg10 : memref<384x64xf32, #tpu.memory_space<vmem>>) dst(%dma_wait3A_86 : memref<10240x64xf32, #tpu.memory_space<vmem_shared>>)
      } else {
      }
      %dma_start3A_42 = arith.constant 0 : i32
      %dma_start3A_43 = tpu.memref_slice %arg7[%add3A_32, %dma_start3A_42] : memref<28x384xi32, #tpu.memory_space<vmem>> -> memref<1x384xi32, #tpu.memory_space<vmem>>
      %dma_start3A_44 = tpu.memref_squeeze %dma_start3A_43 : memref<1x384xi32, #tpu.memory_space<vmem>> -> memref<384xi32, #tpu.memory_space<vmem>>
      %dma_start3A_45 = arith.constant 0 : i32
      %dma_start3A_46 = arith.constant 0 : i32
      %dma_start3A_47 = tpu.memref_slice %arg4[%dma_start3A_45, %dma_start3A_46] : memref<10000x64xf32, #tpu.memory_space<hbm>> -> memref<10000x64xf32, #tpu.memory_space<hbm>>
      tpu.enqueue_indirect_dma source(%dma_start3A_47 : memref<10000x64xf32, #tpu.memory_space<hbm>>) target(%arg10 : memref<384x64xf32, #tpu.memory_space<vmem>>) offsets(%dma_start3A_44 : memref<384xi32, #tpu.memory_space<vmem>>) semaphore(%arg13 : memref<!tpu.dma_semaphore, #tpu.memory_space<semaphore_mem>>)
      %dma_start3A_48 = arith.constant 0 : i32
      %dma_start3A_49 = tpu.memref_slice %arg8[%mul3A_30, %dma_start3A_48] : memref<28x384xi32, #tpu.memory_space<vmem>> -> memref<1x384xi32, #tpu.memory_space<vmem>>
      %dma_start3A_50 = tpu.memref_squeeze %dma_start3A_49 : memref<1x384xi32, #tpu.memory_space<vmem>> -> memref<384xi32, #tpu.memory_space<vmem>>
      %dma_start3A_51 = arith.constant 0 : i32
      %dma_start3A_52 = arith.constant 0 : i32
      %dma_start3A_53 = tpu.memref_slice %arg11[%dma_start3A_51, %dma_start3A_52] : memref<10240x64xf32, #tpu.memory_space<vmem_shared>> -> memref<10240x64xf32, #tpu.memory_space<vmem_shared>>
      tpu.enqueue_indirect_dma source(%arg9 : memref<384x64xf32, #tpu.memory_space<vmem>>) target(%dma_start3A_53 : memref<10240x64xf32, #tpu.memory_space<vmem_shared>>) offsets(%dma_start3A_50 : memref<384xi32, #tpu.memory_space<vmem>>) semaphore(%arg14 : memref<!tpu.dma_semaphore, #tpu.memory_space<semaphore_mem>>) {add = true}
      %dma_wait3A_54 = arith.constant 0 : i32
      %dma_wait3A_55 = arith.constant 0 : i32
      %dma_wait3A_56 = tpu.memref_slice %arg7[%dma_wait3A_54, %dma_wait3A_55] : memref<28x384xi32, #tpu.memory_space<vmem>> -> memref<1x384xi32, #tpu.memory_space<vmem>>
      %dma_wait3A_57 = tpu.memref_squeeze %dma_wait3A_56 : memref<1x384xi32, #tpu.memory_space<vmem>> -> memref<384xi32, #tpu.memory_space<vmem>>
      %dma_wait3A_58 = arith.constant 0 : i32
      %dma_wait3A_59 = arith.constant 0 : i32
      %dma_wait3A_60 = tpu.memref_slice %arg4[%dma_wait3A_58, %dma_wait3A_59] : memref<10000x64xf32, #tpu.memory_space<hbm>> -> memref<10000x64xf32, #tpu.memory_space<hbm>>
      tpu.wait_indirect_dma semaphore(%arg13 : memref<!tpu.dma_semaphore, #tpu.memory_space<semaphore_mem>>) src(%dma_wait3A_60 : memref<10000x64xf32, #tpu.memory_space<hbm>>) dst(%arg10 : memref<384x64xf32, #tpu.memory_space<vmem>>)
      %dma_wait3A_61 = arith.constant 0 : i32
      %dma_wait3A_62 = arith.constant 0 : i32
      %dma_wait3A_63 = tpu.memref_slice %arg8[%dma_wait3A_61, %dma_wait3A_62] : memref<28x384xi32, #tpu.memory_space<vmem>> -> memref<1x384xi32, #tpu.memory_space<vmem>>
      %dma_wait3A_64 = tpu.memref_squeeze %dma_wait3A_63 : memref<1x384xi32, #tpu.memory_space<vmem>> -> memref<384xi32, #tpu.memory_space<vmem>>
      %dma_wait3A_65 = arith.constant 0 : i32
      %dma_wait3A_66 = arith.constant 0 : i32
      %dma_wait3A_67 = tpu.memref_slice %arg11[%dma_wait3A_65, %dma_wait3A_66] : memref<10240x64xf32, #tpu.memory_space<vmem_shared>> -> memref<10240x64xf32, #tpu.memory_space<vmem_shared>>
      tpu.wait_indirect_dma semaphore(%arg14 : memref<!tpu.dma_semaphore, #tpu.memory_space<semaphore_mem>>) src(%arg9 : memref<384x64xf32, #tpu.memory_space<vmem>>) dst(%dma_wait3A_67 : memref<10240x64xf32, #tpu.memory_space<vmem_shared>>)
      %add3A_68 = arith.constant 1 : i32
      %add3A_69 = arith.addi %add3A_32, %add3A_68 : i32
      %lt3A = arith.constant 28 : i32
      %lt3A_70 = arith.cmpi slt, %add3A_69, %lt3A : i32
      %convert_element_type3A_71 = arith.extui %lt3A_70 : i1 to i32
      %cond3A_72 = arith.constant 0 : i32
      %cond3A_73 = arith.cmpi ne, %convert_element_type3A_71, %cond3A_72 : i32
      scf.if %cond3A_73 {
        %add3A_80 = arith.constant 1 : i32
        %add3A_81 = arith.addi %add3A_32, %add3A_80 : i32
        %dma_start3A_82 = arith.constant 0 : i32
        %dma_start3A_83 = tpu.memref_slice %arg7[%add3A_81, %dma_start3A_82] : memref<28x384xi32, #tpu.memory_space<vmem>> -> memref<1x384xi32, #tpu.memory_space<vmem>>
        %dma_start3A_84 = tpu.memref_squeeze %dma_start3A_83 : memref<1x384xi32, #tpu.memory_space<vmem>> -> memref<384xi32, #tpu.memory_space<vmem>>
        %dma_start3A_85 = arith.constant 0 : i32
        %dma_start3A_86 = arith.constant 0 : i32
        %dma_start3A_87 = tpu.memref_slice %arg4[%dma_start3A_85, %dma_start3A_86] : memref<10000x64xf32, #tpu.memory_space<hbm>> -> memref<10000x64xf32, #tpu.memory_space<hbm>>
        tpu.enqueue_indirect_dma source(%dma_start3A_87 : memref<10000x64xf32, #tpu.memory_space<hbm>>) target(%arg9 : memref<384x64xf32, #tpu.memory_space<vmem>>) offsets(%dma_start3A_84 : memref<384xi32, #tpu.memory_space<vmem>>) semaphore(%arg12 : memref<!tpu.dma_semaphore, #tpu.memory_space<semaphore_mem>>)
      } else {
      }
      %dma_start3A_74 = arith.constant 0 : i32
      %dma_start3A_75 = tpu.memref_slice %arg8[%add3A_32, %dma_start3A_74] : memref<28x384xi32, #tpu.memory_space<vmem>> -> memref<1x384xi32, #tpu.memory_space<vmem>>
      %dma_start3A_76 = tpu.memref_squeeze %dma_start3A_75 : memref<1x384xi32, #tpu.memory_space<vmem>> -> memref<384xi32, #tpu.memory_space<vmem>>
      %dma_start3A_77 = arith.constant 0 : i32
      %dma_start3A_78 = arith.constant 0 : i32
      %dma_start3A_79 = tpu.memref_slice %arg11[%dma_start3A_77, %dma_start3A_78] : memref<10240x64xf32, #tpu.memory_space<vmem_shared>> -> memref<10240x64xf32, #tpu.memory_space<vmem_shared>>
      tpu.enqueue_indirect_dma source(%arg10 : memref<384x64xf32, #tpu.memory_space<vmem>>) target(%dma_start3A_79 : memref<10240x64xf32, #tpu.memory_space<vmem_shared>>) offsets(%dma_start3A_76 : memref<384xi32, #tpu.memory_space<vmem>>) semaphore(%arg15 : memref<!tpu.dma_semaphore, #tpu.memory_space<semaphore_mem>>) {add = true}
    }
    %scan3A_12 = arith.constant 14 : i32
    %dma_wait3A = arith.constant 0 : i32
    %dma_wait3A_13 = arith.constant 0 : i32
    %dma_wait3A_14 = tpu.memref_slice %arg8[%dma_wait3A, %dma_wait3A_13] : memref<28x384xi32, #tpu.memory_space<vmem>> -> memref<1x384xi32, #tpu.memory_space<vmem>>
    %dma_wait3A_15 = tpu.memref_squeeze %dma_wait3A_14 : memref<1x384xi32, #tpu.memory_space<vmem>> -> memref<384xi32, #tpu.memory_space<vmem>>
    %dma_wait3A_16 = arith.constant 0 : i32
    %dma_wait3A_17 = arith.constant 0 : i32
    %dma_wait3A_18 = tpu.memref_slice %arg11[%dma_wait3A_16, %dma_wait3A_17] : memref<10240x64xf32, #tpu.memory_space<vmem_shared>> -> memref<10240x64xf32, #tpu.memory_space<vmem_shared>>
    tpu.wait_indirect_dma semaphore(%arg15 : memref<!tpu.dma_semaphore, #tpu.memory_space<semaphore_mem>>) src(%arg10 : memref<384x64xf32, #tpu.memory_space<vmem>>) dst(%dma_wait3A_18 : memref<10240x64xf32, #tpu.memory_space<vmem_shared>>)
    %barrier3A_19 = arith.constant 0 : index
    tpu.barrier barrier_id(%barrier3A_19)
    %mul3A_20 = arith.constant 640 : i32
    %mul3A_21 = arith.muli %arg1, %mul3A_20 : i32
    %mul3A_22 = arith.constant 640 : i32
    %mul3A_23 = arith.muli %arg1, %mul3A_22 : i32
    "tpu.region"() ({
      %run_scoped3A = tpu.sem_alloc : memref<!tpu.dma_semaphore, #tpu.memory_space<semaphore_mem>>
      %dma_start3A_24 = arith.constant 0 : i32
      %dma_start3A_25 = tpu.memref_slice %arg6[%arg0, %mul3A_23, %dma_start3A_24] : memref<2x10240x64xf32, #tpu.memory_space<hbm>> -> memref<1x640x64xf32, #tpu.memory_space<hbm>>
      %dma_start3A_26 = tpu.memref_squeeze %dma_start3A_25 : memref<1x640x64xf32, #tpu.memory_space<hbm>> -> memref<640x64xf32, #tpu.memory_space<hbm>>
      %dma_start3A_27 = arith.constant 0 : i32
      %dma_start3A_28 = tpu.memref_slice %arg11[%mul3A_21, %dma_start3A_27] : memref<10240x64xf32, #tpu.memory_space<vmem_shared>> -> memref<640x64xf32, #tpu.memory_space<vmem_shared>>
      tpu.enqueue_dma source(%dma_start3A_28 : memref<640x64xf32, #tpu.memory_space<vmem_shared>>) target(%dma_start3A_26 : memref<640x64xf32, #tpu.memory_space<hbm>>) target_semaphore(%run_scoped3A : memref<!tpu.dma_semaphore, #tpu.memory_space<semaphore_mem>>)
      %dma_wait3A_29 = arith.constant 0 : i32
      %dma_wait3A_30 = tpu.memref_slice %arg6[%arg0, %mul3A_23, %dma_wait3A_29] : memref<2x10240x64xf32, #tpu.memory_space<hbm>> -> memref<1x640x64xf32, #tpu.memory_space<hbm>>
      %dma_wait3A_31 = tpu.memref_squeeze %dma_wait3A_30 : memref<1x640x64xf32, #tpu.memory_space<hbm>> -> memref<640x64xf32, #tpu.memory_space<hbm>>
      %dma_wait3A_32 = arith.constant 0 : i32
      %dma_wait3A_33 = tpu.memref_slice %arg11[%mul3A_21, %dma_wait3A_32] : memref<10240x64xf32, #tpu.memory_space<vmem_shared>> -> memref<640x64xf32, #tpu.memory_space<vmem_shared>>
      tpu.wait_dma2 semaphore(%run_scoped3A : memref<!tpu.dma_semaphore, #tpu.memory_space<semaphore_mem>>) src(%dma_wait3A_33 : memref<640x64xf32, #tpu.memory_space<vmem_shared>>) dst(%dma_wait3A_31 : memref<640x64xf32, #tpu.memory_space<hbm>>)
      tpu.yield
    }) : () -> ()
    return
  }
}

#map = affine_map<(d0, d1) -> (0, 0, 0)>
#map1 = affine_map<(d0, d1) -> (0, 0)>
module attributes {stable_mosaic.version = 14 : i64} {
  func.func @deg_kernel(%arg0: i32, %arg1: i32, %arg2: memref<32x28x384xi32, #tpu.memory_space<hbm>>, %arg3: memref<384x16xf32, #tpu.memory_space<hbm>>, %arg4: memref<640x16xf32, #tpu.memory_space<hbm>>, %arg5: memref<2x10240x16xf32, #tpu.memory_space<hbm>>, %arg6: memref<28x384xi32, #tpu.memory_space<vmem>>, %arg7: memref<384x16xf32, #tpu.memory_space<vmem>>, %arg8: memref<10240x16xf32, #tpu.memory_space<vmem_shared>>, %arg9: memref<!tpu.dma_semaphore, #tpu.memory_space<semaphore_mem>>) attributes {dimension_semantics = [#tpu.dimension_semantics<core_parallel>, #tpu.dimension_semantics<subcore_parallel>], iteration_bounds = array<i64: 2, 16>, scalar_prefetch = 0 : i64, scratch_operands = 4 : i64, tpu.core_type = #tpu.core_type<sc_vector_subcore>, window_params = [{transform_indices = #map}, {transform_indices = #map1}, {transform_indices = #map1}, {transform_indices = #map}]} {
    %mul3A = arith.constant 16 : i32
    %mul3A_0 = arith.muli %arg0, %mul3A : i32
    %add3A = arith.addi %mul3A_0, %arg1 : i32
    "tpu.region"() ({
      %run_scoped3A = tpu.sem_alloc : memref<!tpu.dma_semaphore, #tpu.memory_space<semaphore_mem>>
      %dma_start3A = arith.constant 0 : i32
      %dma_start3A_17 = arith.constant 0 : i32
      %dma_start3A_18 = tpu.memref_slice %arg2[%add3A, %dma_start3A, %dma_start3A_17] : memref<32x28x384xi32, #tpu.memory_space<hbm>> -> memref<1x28x384xi32, #tpu.memory_space<hbm>>
      %dma_start3A_19 = tpu.memref_squeeze %dma_start3A_18 : memref<1x28x384xi32, #tpu.memory_space<hbm>> -> memref<28x384xi32, #tpu.memory_space<hbm>>
      %dma_start3A_20 = arith.constant 0 : i32
      %dma_start3A_21 = arith.constant 0 : i32
      %dma_start3A_22 = tpu.memref_slice %arg2[%add3A, %dma_start3A_20, %dma_start3A_21] : memref<32x28x384xi32, #tpu.memory_space<hbm>> -> memref<1x28x384xi32, #tpu.memory_space<hbm>>
      %dma_start3A_23 = tpu.memref_squeeze %dma_start3A_22 : memref<1x28x384xi32, #tpu.memory_space<hbm>> -> memref<28x384xi32, #tpu.memory_space<hbm>>
      tpu.enqueue_dma source(%dma_start3A_23 : memref<28x384xi32, #tpu.memory_space<hbm>>) target(%arg6 : memref<28x384xi32, #tpu.memory_space<vmem>>) target_semaphore(%run_scoped3A : memref<!tpu.dma_semaphore, #tpu.memory_space<semaphore_mem>>)
      %dma_wait3A = arith.constant 0 : i32
      %dma_wait3A_24 = arith.constant 0 : i32
      %dma_wait3A_25 = tpu.memref_slice %arg2[%add3A, %dma_wait3A, %dma_wait3A_24] : memref<32x28x384xi32, #tpu.memory_space<hbm>> -> memref<1x28x384xi32, #tpu.memory_space<hbm>>
      %dma_wait3A_26 = tpu.memref_squeeze %dma_wait3A_25 : memref<1x28x384xi32, #tpu.memory_space<hbm>> -> memref<28x384xi32, #tpu.memory_space<hbm>>
      %dma_wait3A_27 = arith.constant 0 : i32
      %dma_wait3A_28 = arith.constant 0 : i32
      %dma_wait3A_29 = tpu.memref_slice %arg2[%add3A, %dma_wait3A_27, %dma_wait3A_28] : memref<32x28x384xi32, #tpu.memory_space<hbm>> -> memref<1x28x384xi32, #tpu.memory_space<hbm>>
      %dma_wait3A_30 = tpu.memref_squeeze %dma_wait3A_29 : memref<1x28x384xi32, #tpu.memory_space<hbm>> -> memref<28x384xi32, #tpu.memory_space<hbm>>
      tpu.wait_dma2 semaphore(%run_scoped3A : memref<!tpu.dma_semaphore, #tpu.memory_space<semaphore_mem>>) src(%dma_wait3A_30 : memref<28x384xi32, #tpu.memory_space<hbm>>) dst(%arg6 : memref<28x384xi32, #tpu.memory_space<vmem>>)
      tpu.yield
    }) : () -> ()
    "tpu.region"() ({
      %run_scoped3A = tpu.sem_alloc : memref<!tpu.dma_semaphore, #tpu.memory_space<semaphore_mem>>
      tpu.enqueue_dma source(%arg3 : memref<384x16xf32, #tpu.memory_space<hbm>>) target(%arg7 : memref<384x16xf32, #tpu.memory_space<vmem>>) target_semaphore(%run_scoped3A : memref<!tpu.dma_semaphore, #tpu.memory_space<semaphore_mem>>)
      tpu.wait_dma2 semaphore(%run_scoped3A : memref<!tpu.dma_semaphore, #tpu.memory_space<semaphore_mem>>) src(%arg3 : memref<384x16xf32, #tpu.memory_space<hbm>>) dst(%arg7 : memref<384x16xf32, #tpu.memory_space<vmem>>)
      tpu.yield
    }) : () -> ()
    %mul3A_1 = arith.constant 640 : i32
    %mul3A_2 = arith.muli %arg1, %mul3A_1 : i32
    "tpu.region"() ({
      %run_scoped3A = tpu.sem_alloc : memref<!tpu.dma_semaphore, #tpu.memory_space<semaphore_mem>>
      %dma_start3A = arith.constant 0 : i32
      %dma_start3A_17 = tpu.memref_slice %arg8[%mul3A_2, %dma_start3A] : memref<10240x16xf32, #tpu.memory_space<vmem_shared>> -> memref<640x16xf32, #tpu.memory_space<vmem_shared>>
      tpu.enqueue_dma source(%arg4 : memref<640x16xf32, #tpu.memory_space<hbm>>) target(%dma_start3A_17 : memref<640x16xf32, #tpu.memory_space<vmem_shared>>) target_semaphore(%run_scoped3A : memref<!tpu.dma_semaphore, #tpu.memory_space<semaphore_mem>>)
      %dma_wait3A = arith.constant 0 : i32
      %dma_wait3A_18 = tpu.memref_slice %arg8[%mul3A_2, %dma_wait3A] : memref<10240x16xf32, #tpu.memory_space<vmem_shared>> -> memref<640x16xf32, #tpu.memory_space<vmem_shared>>
      tpu.wait_dma2 semaphore(%run_scoped3A : memref<!tpu.dma_semaphore, #tpu.memory_space<semaphore_mem>>) src(%arg4 : memref<640x16xf32, #tpu.memory_space<hbm>>) dst(%dma_wait3A_18 : memref<640x16xf32, #tpu.memory_space<vmem_shared>>)
      tpu.yield
    }) : () -> ()
    %barrier3A = arith.constant 0 : index
    tpu.barrier barrier_id(%barrier3A)
    %scan3A = arith.constant 0 : i32
    %scan3A_3 = arith.constant 28 : i32
    %scan3A_4 = arith.addi %scan3A, %scan3A_3 : i32
    %scan3A_5 = arith.constant 1 : i32
    scf.for %scan3A_17 = %scan3A to %scan3A_4 step %scan3A_5  : i32 {
      %mul3A_18 = arith.constant 1 : i32
      %mul3A_19 = arith.muli %scan3A_17, %mul3A_18 : i32
      %add3A_20 = arith.constant 0 : i32
      %add3A_21 = arith.addi %add3A_20, %mul3A_19 : i32
      %dma_start3A = arith.constant 0 : i32
      %dma_start3A_22 = tpu.memref_slice %arg6[%add3A_21, %dma_start3A] : memref<28x384xi32, #tpu.memory_space<vmem>> -> memref<1x384xi32, #tpu.memory_space<vmem>>
      %dma_start3A_23 = tpu.memref_squeeze %dma_start3A_22 : memref<1x384xi32, #tpu.memory_space<vmem>> -> memref<384xi32, #tpu.memory_space<vmem>>
      %dma_start3A_24 = arith.constant 0 : i32
      %dma_start3A_25 = arith.constant 0 : i32
      %dma_start3A_26 = tpu.memref_slice %arg8[%dma_start3A_24, %dma_start3A_25] : memref<10240x16xf32, #tpu.memory_space<vmem_shared>> -> memref<10240x16xf32, #tpu.memory_space<vmem_shared>>
      tpu.enqueue_indirect_dma source(%arg7 : memref<384x16xf32, #tpu.memory_space<vmem>>) target(%dma_start3A_26 : memref<10240x16xf32, #tpu.memory_space<vmem_shared>>) offsets(%dma_start3A_23 : memref<384xi32, #tpu.memory_space<vmem>>) semaphore(%arg9 : memref<!tpu.dma_semaphore, #tpu.memory_space<semaphore_mem>>) {add = true}
    }
    %scan3A_6 = arith.constant 28 : i32
    %scan3A_7 = arith.constant 0 : i32
    %scan3A_8 = arith.constant 28 : i32
    %scan3A_9 = arith.addi %scan3A_7, %scan3A_8 : i32
    %scan3A_10 = arith.constant 1 : i32
    scf.for %scan3A_17 = %scan3A_7 to %scan3A_9 step %scan3A_10  : i32 {
      %mul3A_18 = arith.constant 1 : i32
      %mul3A_19 = arith.muli %scan3A_17, %mul3A_18 : i32
      %add3A_20 = arith.constant 0 : i32
      %add3A_21 = arith.addi %add3A_20, %mul3A_19 : i32
      %dma_wait3A = arith.constant 0 : i32
      %dma_wait3A_22 = arith.constant 0 : i32
      %dma_wait3A_23 = tpu.memref_slice %arg6[%dma_wait3A, %dma_wait3A_22] : memref<28x384xi32, #tpu.memory_space<vmem>> -> memref<1x384xi32, #tpu.memory_space<vmem>>
      %dma_wait3A_24 = tpu.memref_squeeze %dma_wait3A_23 : memref<1x384xi32, #tpu.memory_space<vmem>> -> memref<384xi32, #tpu.memory_space<vmem>>
      %dma_wait3A_25 = arith.constant 0 : i32
      %dma_wait3A_26 = arith.constant 0 : i32
      %dma_wait3A_27 = tpu.memref_slice %arg8[%dma_wait3A_25, %dma_wait3A_26] : memref<10240x16xf32, #tpu.memory_space<vmem_shared>> -> memref<10240x16xf32, #tpu.memory_space<vmem_shared>>
      tpu.wait_indirect_dma semaphore(%arg9 : memref<!tpu.dma_semaphore, #tpu.memory_space<semaphore_mem>>) src(%arg7 : memref<384x16xf32, #tpu.memory_space<vmem>>) dst(%dma_wait3A_27 : memref<10240x16xf32, #tpu.memory_space<vmem_shared>>)
    }
    %scan3A_11 = arith.constant 28 : i32
    %barrier3A_12 = arith.constant 0 : index
    tpu.barrier barrier_id(%barrier3A_12)
    %mul3A_13 = arith.constant 640 : i32
    %mul3A_14 = arith.muli %arg1, %mul3A_13 : i32
    %mul3A_15 = arith.constant 640 : i32
    %mul3A_16 = arith.muli %arg1, %mul3A_15 : i32
    "tpu.region"() ({
      %run_scoped3A = tpu.sem_alloc : memref<!tpu.dma_semaphore, #tpu.memory_space<semaphore_mem>>
      %dma_start3A = arith.constant 0 : i32
      %dma_start3A_17 = tpu.memref_slice %arg5[%arg0, %mul3A_16, %dma_start3A] : memref<2x10240x16xf32, #tpu.memory_space<hbm>> -> memref<1x640x16xf32, #tpu.memory_space<hbm>>
      %dma_start3A_18 = tpu.memref_squeeze %dma_start3A_17 : memref<1x640x16xf32, #tpu.memory_space<hbm>> -> memref<640x16xf32, #tpu.memory_space<hbm>>
      %dma_start3A_19 = arith.constant 0 : i32
      %dma_start3A_20 = tpu.memref_slice %arg8[%mul3A_14, %dma_start3A_19] : memref<10240x16xf32, #tpu.memory_space<vmem_shared>> -> memref<640x16xf32, #tpu.memory_space<vmem_shared>>
      tpu.enqueue_dma source(%dma_start3A_20 : memref<640x16xf32, #tpu.memory_space<vmem_shared>>) target(%dma_start3A_18 : memref<640x16xf32, #tpu.memory_space<hbm>>) target_semaphore(%run_scoped3A : memref<!tpu.dma_semaphore, #tpu.memory_space<semaphore_mem>>)
      %dma_wait3A = arith.constant 0 : i32
      %dma_wait3A_21 = tpu.memref_slice %arg5[%arg0, %mul3A_16, %dma_wait3A] : memref<2x10240x16xf32, #tpu.memory_space<hbm>> -> memref<1x640x16xf32, #tpu.memory_space<hbm>>
      %dma_wait3A_22 = tpu.memref_squeeze %dma_wait3A_21 : memref<1x640x16xf32, #tpu.memory_space<hbm>> -> memref<640x16xf32, #tpu.memory_space<hbm>>
      %dma_wait3A_23 = arith.constant 0 : i32
      %dma_wait3A_24 = tpu.memref_slice %arg8[%mul3A_14, %dma_wait3A_23] : memref<10240x16xf32, #tpu.memory_space<vmem_shared>> -> memref<640x16xf32, #tpu.memory_space<vmem_shared>>
      tpu.wait_dma2 semaphore(%run_scoped3A : memref<!tpu.dma_semaphore, #tpu.memory_space<semaphore_mem>>) src(%dma_wait3A_24 : memref<640x16xf32, #tpu.memory_space<vmem_shared>>) dst(%dma_wait3A_22 : memref<640x16xf32, #tpu.memory_space<hbm>>)
      tpu.yield
    }) : () -> ()
    return
  }
}

#map = affine_map<(d0, d1) -> (0, 0, 0)>
#map1 = affine_map<(d0, d1) -> (0, 0)>
module attributes {stable_mosaic.version = 14 : i64} {
  func.func @gs_kernel(%arg0: i32, %arg1: i32, %arg2: memref<32x28x384xi32, #tpu.memory_space<hbm>>, %arg3: memref<32x28x384xi32, #tpu.memory_space<hbm>>, %arg4: memref<10000x64xf32, #tpu.memory_space<hbm>>, %arg5: memref<640x64xf32, #tpu.memory_space<hbm>>, %arg6: memref<2x10240x64xf32, #tpu.memory_space<hbm>>, %arg7: memref<28x384xi32, #tpu.memory_space<vmem>>, %arg8: memref<28x384xi32, #tpu.memory_space<vmem>>, %arg9: memref<384x64xf32, #tpu.memory_space<vmem>>, %arg10: memref<384x64xf32, #tpu.memory_space<vmem>>, %arg11: memref<10240x64xf32, #tpu.memory_space<vmem_shared>>, %arg12: memref<!tpu.dma_semaphore, #tpu.memory_space<semaphore_mem>>, %arg13: memref<!tpu.dma_semaphore, #tpu.memory_space<semaphore_mem>>, %arg14: memref<!tpu.dma_semaphore, #tpu.memory_space<semaphore_mem>>, %arg15: memref<!tpu.dma_semaphore, #tpu.memory_space<semaphore_mem>>) attributes {dimension_semantics = [#tpu.dimension_semantics<core_parallel>, #tpu.dimension_semantics<subcore_parallel>], iteration_bounds = array<i64: 2, 16>, scalar_prefetch = 0 : i64, scratch_operands = 9 : i64, tpu.core_type = #tpu.core_type<sc_vector_subcore>, window_params = [{transform_indices = #map}, {transform_indices = #map}, {transform_indices = #map1}, {transform_indices = #map1}, {transform_indices = #map}]} {
    %mul3A = arith.constant 16 : i32
    %mul3A_0 = arith.muli %arg0, %mul3A : i32
    %add3A = arith.addi %mul3A_0, %arg1 : i32
    "tpu.region"() ({
      %run_scoped3A = tpu.sem_alloc : memref<!tpu.dma_semaphore, #tpu.memory_space<semaphore_mem>>
      %dma_start3A_24 = arith.constant 0 : i32
      %dma_start3A_25 = arith.constant 0 : i32
      %dma_start3A_26 = tpu.memref_slice %arg2[%add3A, %dma_start3A_24, %dma_start3A_25] : memref<32x28x384xi32, #tpu.memory_space<hbm>> -> memref<1x28x384xi32, #tpu.memory_space<hbm>>
      %dma_start3A_27 = tpu.memref_squeeze %dma_start3A_26 : memref<1x28x384xi32, #tpu.memory_space<hbm>> -> memref<28x384xi32, #tpu.memory_space<hbm>>
      %dma_start3A_28 = arith.constant 0 : i32
      %dma_start3A_29 = arith.constant 0 : i32
      %dma_start3A_30 = tpu.memref_slice %arg2[%add3A, %dma_start3A_28, %dma_start3A_29] : memref<32x28x384xi32, #tpu.memory_space<hbm>> -> memref<1x28x384xi32, #tpu.memory_space<hbm>>
      %dma_start3A_31 = tpu.memref_squeeze %dma_start3A_30 : memref<1x28x384xi32, #tpu.memory_space<hbm>> -> memref<28x384xi32, #tpu.memory_space<hbm>>
      tpu.enqueue_dma source(%dma_start3A_31 : memref<28x384xi32, #tpu.memory_space<hbm>>) target(%arg7 : memref<28x384xi32, #tpu.memory_space<vmem>>) target_semaphore(%run_scoped3A : memref<!tpu.dma_semaphore, #tpu.memory_space<semaphore_mem>>)
      %dma_wait3A_32 = arith.constant 0 : i32
      %dma_wait3A_33 = arith.constant 0 : i32
      %dma_wait3A_34 = tpu.memref_slice %arg2[%add3A, %dma_wait3A_32, %dma_wait3A_33] : memref<32x28x384xi32, #tpu.memory_space<hbm>> -> memref<1x28x384xi32, #tpu.memory_space<hbm>>
      %dma_wait3A_35 = tpu.memref_squeeze %dma_wait3A_34 : memref<1x28x384xi32, #tpu.memory_space<hbm>> -> memref<28x384xi32, #tpu.memory_space<hbm>>
      %dma_wait3A_36 = arith.constant 0 : i32
      %dma_wait3A_37 = arith.constant 0 : i32
      %dma_wait3A_38 = tpu.memref_slice %arg2[%add3A, %dma_wait3A_36, %dma_wait3A_37] : memref<32x28x384xi32, #tpu.memory_space<hbm>> -> memref<1x28x384xi32, #tpu.memory_space<hbm>>
      %dma_wait3A_39 = tpu.memref_squeeze %dma_wait3A_38 : memref<1x28x384xi32, #tpu.memory_space<hbm>> -> memref<28x384xi32, #tpu.memory_space<hbm>>
      tpu.wait_dma2 semaphore(%run_scoped3A : memref<!tpu.dma_semaphore, #tpu.memory_space<semaphore_mem>>) src(%dma_wait3A_39 : memref<28x384xi32, #tpu.memory_space<hbm>>) dst(%arg7 : memref<28x384xi32, #tpu.memory_space<vmem>>)
      tpu.yield
    }) : () -> ()
    "tpu.region"() ({
      %run_scoped3A = tpu.sem_alloc : memref<!tpu.dma_semaphore, #tpu.memory_space<semaphore_mem>>
      %dma_start3A_24 = arith.constant 0 : i32
      %dma_start3A_25 = arith.constant 0 : i32
      %dma_start3A_26 = tpu.memref_slice %arg3[%add3A, %dma_start3A_24, %dma_start3A_25] : memref<32x28x384xi32, #tpu.memory_space<hbm>> -> memref<1x28x384xi32, #tpu.memory_space<hbm>>
      %dma_start3A_27 = tpu.memref_squeeze %dma_start3A_26 : memref<1x28x384xi32, #tpu.memory_space<hbm>> -> memref<28x384xi32, #tpu.memory_space<hbm>>
      %dma_start3A_28 = arith.constant 0 : i32
      %dma_start3A_29 = arith.constant 0 : i32
      %dma_start3A_30 = tpu.memref_slice %arg3[%add3A, %dma_start3A_28, %dma_start3A_29] : memref<32x28x384xi32, #tpu.memory_space<hbm>> -> memref<1x28x384xi32, #tpu.memory_space<hbm>>
      %dma_start3A_31 = tpu.memref_squeeze %dma_start3A_30 : memref<1x28x384xi32, #tpu.memory_space<hbm>> -> memref<28x384xi32, #tpu.memory_space<hbm>>
      tpu.enqueue_dma source(%dma_start3A_31 : memref<28x384xi32, #tpu.memory_space<hbm>>) target(%arg8 : memref<28x384xi32, #tpu.memory_space<vmem>>) target_semaphore(%run_scoped3A : memref<!tpu.dma_semaphore, #tpu.memory_space<semaphore_mem>>)
      %dma_wait3A_32 = arith.constant 0 : i32
      %dma_wait3A_33 = arith.constant 0 : i32
      %dma_wait3A_34 = tpu.memref_slice %arg3[%add3A, %dma_wait3A_32, %dma_wait3A_33] : memref<32x28x384xi32, #tpu.memory_space<hbm>> -> memref<1x28x384xi32, #tpu.memory_space<hbm>>
      %dma_wait3A_35 = tpu.memref_squeeze %dma_wait3A_34 : memref<1x28x384xi32, #tpu.memory_space<hbm>> -> memref<28x384xi32, #tpu.memory_space<hbm>>
      %dma_wait3A_36 = arith.constant 0 : i32
      %dma_wait3A_37 = arith.constant 0 : i32
      %dma_wait3A_38 = tpu.memref_slice %arg3[%add3A, %dma_wait3A_36, %dma_wait3A_37] : memref<32x28x384xi32, #tpu.memory_space<hbm>> -> memref<1x28x384xi32, #tpu.memory_space<hbm>>
      %dma_wait3A_39 = tpu.memref_squeeze %dma_wait3A_38 : memref<1x28x384xi32, #tpu.memory_space<hbm>> -> memref<28x384xi32, #tpu.memory_space<hbm>>
      tpu.wait_dma2 semaphore(%run_scoped3A : memref<!tpu.dma_semaphore, #tpu.memory_space<semaphore_mem>>) src(%dma_wait3A_39 : memref<28x384xi32, #tpu.memory_space<hbm>>) dst(%arg8 : memref<28x384xi32, #tpu.memory_space<vmem>>)
      tpu.yield
    }) : () -> ()
    %mul3A_1 = arith.constant 640 : i32
    %mul3A_2 = arith.muli %arg1, %mul3A_1 : i32
    "tpu.region"() ({
      %run_scoped3A = tpu.sem_alloc : memref<!tpu.dma_semaphore, #tpu.memory_space<semaphore_mem>>
      %dma_start3A_24 = arith.constant 0 : i32
      %dma_start3A_25 = tpu.memref_slice %arg11[%mul3A_2, %dma_start3A_24] : memref<10240x64xf32, #tpu.memory_space<vmem_shared>> -> memref<640x64xf32, #tpu.memory_space<vmem_shared>>
      tpu.enqueue_dma source(%arg5 : memref<640x64xf32, #tpu.memory_space<hbm>>) target(%dma_start3A_25 : memref<640x64xf32, #tpu.memory_space<vmem_shared>>) target_semaphore(%run_scoped3A : memref<!tpu.dma_semaphore, #tpu.memory_space<semaphore_mem>>)
      %dma_wait3A_26 = arith.constant 0 : i32
      %dma_wait3A_27 = tpu.memref_slice %arg11[%mul3A_2, %dma_wait3A_26] : memref<10240x64xf32, #tpu.memory_space<vmem_shared>> -> memref<640x64xf32, #tpu.memory_space<vmem_shared>>
      tpu.wait_dma2 semaphore(%run_scoped3A : memref<!tpu.dma_semaphore, #tpu.memory_space<semaphore_mem>>) src(%arg5 : memref<640x64xf32, #tpu.memory_space<hbm>>) dst(%dma_wait3A_27 : memref<640x64xf32, #tpu.memory_space<vmem_shared>>)
      tpu.yield
    }) : () -> ()
    %barrier3A = arith.constant 0 : index
    tpu.barrier barrier_id(%barrier3A)
    %dma_start3A = arith.constant 0 : i32
    %dma_start3A_3 = arith.constant 0 : i32
    %dma_start3A_4 = tpu.memref_slice %arg7[%dma_start3A, %dma_start3A_3] : memref<28x384xi32, #tpu.memory_space<vmem>> -> memref<1x384xi32, #tpu.memory_space<vmem>>
    %dma_start3A_5 = tpu.memref_squeeze %dma_start3A_4 : memref<1x384xi32, #tpu.memory_space<vmem>> -> memref<384xi32, #tpu.memory_space<vmem>>
    %dma_start3A_6 = arith.constant 0 : i32
    %dma_start3A_7 = arith.constant 0 : i32
    %dma_start3A_8 = tpu.memref_slice %arg4[%dma_start3A_6, %dma_start3A_7] : memref<10000x64xf32, #tpu.memory_space<hbm>> -> memref<10000x64xf32, #tpu.memory_space<hbm>>
    tpu.enqueue_indirect_dma source(%dma_start3A_8 : memref<10000x64xf32, #tpu.memory_space<hbm>>) target(%arg9 : memref<384x64xf32, #tpu.memory_space<vmem>>) offsets(%dma_start3A_5 : memref<384xi32, #tpu.memory_space<vmem>>) semaphore(%arg12 : memref<!tpu.dma_semaphore, #tpu.memory_space<semaphore_mem>>)
    %scan3A = arith.constant 0 : i32
    %scan3A_9 = arith.constant 14 : i32
    %scan3A_10 = arith.addi %scan3A, %scan3A_9 : i32
    %scan3A_11 = arith.constant 1 : i32
    scf.for %scan3A_24 = %scan3A to %scan3A_10 step %scan3A_11  : i32 {
      %mul3A_25 = arith.constant 1 : i32
      %mul3A_26 = arith.muli %scan3A_24, %mul3A_25 : i32
      %add3A_27 = arith.constant 0 : i32
      %add3A_28 = arith.addi %add3A_27, %mul3A_26 : i32
      %mul3A_29 = arith.constant 2 : i32
      %mul3A_30 = arith.muli %mul3A_29, %add3A_28 : i32
      %add3A_31 = arith.constant 1 : i32
      %add3A_32 = arith.addi %mul3A_30, %add3A_31 : i32
      %dma_wait3A_33 = arith.constant 0 : i32
      %dma_wait3A_34 = arith.constant 0 : i32
      %dma_wait3A_35 = tpu.memref_slice %arg7[%dma_wait3A_33, %dma_wait3A_34] : memref<28x384xi32, #tpu.memory_space<vmem>> -> memref<1x384xi32, #tpu.memory_space<vmem>>
      %dma_wait3A_36 = tpu.memref_squeeze %dma_wait3A_35 : memref<1x384xi32, #tpu.memory_space<vmem>> -> memref<384xi32, #tpu.memory_space<vmem>>
      %dma_wait3A_37 = arith.constant 0 : i32
      %dma_wait3A_38 = arith.constant 0 : i32
      %dma_wait3A_39 = tpu.memref_slice %arg4[%dma_wait3A_37, %dma_wait3A_38] : memref<10000x64xf32, #tpu.memory_space<hbm>> -> memref<10000x64xf32, #tpu.memory_space<hbm>>
      tpu.wait_indirect_dma semaphore(%arg12 : memref<!tpu.dma_semaphore, #tpu.memory_space<semaphore_mem>>) src(%dma_wait3A_39 : memref<10000x64xf32, #tpu.memory_space<hbm>>) dst(%arg9 : memref<384x64xf32, #tpu.memory_space<vmem>>)
      %gt3A = arith.constant 0 : i32
      %gt3A_40 = arith.cmpi sgt, %add3A_28, %gt3A : i32
      %convert_element_type3A = arith.extui %gt3A_40 : i1 to i32
      %cond3A = arith.constant 0 : i32
      %cond3A_41 = arith.cmpi ne, %convert_element_type3A, %cond3A : i32
      scf.if %cond3A_41 {
        %dma_wait3A_80 = arith.constant 0 : i32
        %dma_wait3A_81 = arith.constant 0 : i32
        %dma_wait3A_82 = tpu.memref_slice %arg8[%dma_wait3A_80, %dma_wait3A_81] : memref<28x384xi32, #tpu.memory_space<vmem>> -> memref<1x384xi32, #tpu.memory_space<vmem>>
        %dma_wait3A_83 = tpu.memref_squeeze %dma_wait3A_82 : memref<1x384xi32, #tpu.memory_space<vmem>> -> memref<384xi32, #tpu.memory_space<vmem>>
        %dma_wait3A_84 = arith.constant 0 : i32
        %dma_wait3A_85 = arith.constant 0 : i32
        %dma_wait3A_86 = tpu.memref_slice %arg11[%dma_wait3A_84, %dma_wait3A_85] : memref<10240x64xf32, #tpu.memory_space<vmem_shared>> -> memref<10240x64xf32, #tpu.memory_space<vmem_shared>>
        tpu.wait_indirect_dma semaphore(%arg15 : memref<!tpu.dma_semaphore, #tpu.memory_space<semaphore_mem>>) src(%arg10 : memref<384x64xf32, #tpu.memory_space<vmem>>) dst(%dma_wait3A_86 : memref<10240x64xf32, #tpu.memory_space<vmem_shared>>)
      } else {
      }
      %dma_start3A_42 = arith.constant 0 : i32
      %dma_start3A_43 = tpu.memref_slice %arg7[%add3A_32, %dma_start3A_42] : memref<28x384xi32, #tpu.memory_space<vmem>> -> memref<1x384xi32, #tpu.memory_space<vmem>>
      %dma_start3A_44 = tpu.memref_squeeze %dma_start3A_43 : memref<1x384xi32, #tpu.memory_space<vmem>> -> memref<384xi32, #tpu.memory_space<vmem>>
      %dma_start3A_45 = arith.constant 0 : i32
      %dma_start3A_46 = arith.constant 0 : i32
      %dma_start3A_47 = tpu.memref_slice %arg4[%dma_start3A_45, %dma_start3A_46] : memref<10000x64xf32, #tpu.memory_space<hbm>> -> memref<10000x64xf32, #tpu.memory_space<hbm>>
      tpu.enqueue_indirect_dma source(%dma_start3A_47 : memref<10000x64xf32, #tpu.memory_space<hbm>>) target(%arg10 : memref<384x64xf32, #tpu.memory_space<vmem>>) offsets(%dma_start3A_44 : memref<384xi32, #tpu.memory_space<vmem>>) semaphore(%arg13 : memref<!tpu.dma_semaphore, #tpu.memory_space<semaphore_mem>>)
      %dma_start3A_48 = arith.constant 0 : i32
      %dma_start3A_49 = tpu.memref_slice %arg8[%mul3A_30, %dma_start3A_48] : memref<28x384xi32, #tpu.memory_space<vmem>> -> memref<1x384xi32, #tpu.memory_space<vmem>>
      %dma_start3A_50 = tpu.memref_squeeze %dma_start3A_49 : memref<1x384xi32, #tpu.memory_space<vmem>> -> memref<384xi32, #tpu.memory_space<vmem>>
      %dma_start3A_51 = arith.constant 0 : i32
      %dma_start3A_52 = arith.constant 0 : i32
      %dma_start3A_53 = tpu.memref_slice %arg11[%dma_start3A_51, %dma_start3A_52] : memref<10240x64xf32, #tpu.memory_space<vmem_shared>> -> memref<10240x64xf32, #tpu.memory_space<vmem_shared>>
      tpu.enqueue_indirect_dma source(%arg9 : memref<384x64xf32, #tpu.memory_space<vmem>>) target(%dma_start3A_53 : memref<10240x64xf32, #tpu.memory_space<vmem_shared>>) offsets(%dma_start3A_50 : memref<384xi32, #tpu.memory_space<vmem>>) semaphore(%arg14 : memref<!tpu.dma_semaphore, #tpu.memory_space<semaphore_mem>>) {add = true}
      %dma_wait3A_54 = arith.constant 0 : i32
      %dma_wait3A_55 = arith.constant 0 : i32
      %dma_wait3A_56 = tpu.memref_slice %arg7[%dma_wait3A_54, %dma_wait3A_55] : memref<28x384xi32, #tpu.memory_space<vmem>> -> memref<1x384xi32, #tpu.memory_space<vmem>>
      %dma_wait3A_57 = tpu.memref_squeeze %dma_wait3A_56 : memref<1x384xi32, #tpu.memory_space<vmem>> -> memref<384xi32, #tpu.memory_space<vmem>>
      %dma_wait3A_58 = arith.constant 0 : i32
      %dma_wait3A_59 = arith.constant 0 : i32
      %dma_wait3A_60 = tpu.memref_slice %arg4[%dma_wait3A_58, %dma_wait3A_59] : memref<10000x64xf32, #tpu.memory_space<hbm>> -> memref<10000x64xf32, #tpu.memory_space<hbm>>
      tpu.wait_indirect_dma semaphore(%arg13 : memref<!tpu.dma_semaphore, #tpu.memory_space<semaphore_mem>>) src(%dma_wait3A_60 : memref<10000x64xf32, #tpu.memory_space<hbm>>) dst(%arg10 : memref<384x64xf32, #tpu.memory_space<vmem>>)
      %dma_wait3A_61 = arith.constant 0 : i32
      %dma_wait3A_62 = arith.constant 0 : i32
      %dma_wait3A_63 = tpu.memref_slice %arg8[%dma_wait3A_61, %dma_wait3A_62] : memref<28x384xi32, #tpu.memory_space<vmem>> -> memref<1x384xi32, #tpu.memory_space<vmem>>
      %dma_wait3A_64 = tpu.memref_squeeze %dma_wait3A_63 : memref<1x384xi32, #tpu.memory_space<vmem>> -> memref<384xi32, #tpu.memory_space<vmem>>
      %dma_wait3A_65 = arith.constant 0 : i32
      %dma_wait3A_66 = arith.constant 0 : i32
      %dma_wait3A_67 = tpu.memref_slice %arg11[%dma_wait3A_65, %dma_wait3A_66] : memref<10240x64xf32, #tpu.memory_space<vmem_shared>> -> memref<10240x64xf32, #tpu.memory_space<vmem_shared>>
      tpu.wait_indirect_dma semaphore(%arg14 : memref<!tpu.dma_semaphore, #tpu.memory_space<semaphore_mem>>) src(%arg9 : memref<384x64xf32, #tpu.memory_space<vmem>>) dst(%dma_wait3A_67 : memref<10240x64xf32, #tpu.memory_space<vmem_shared>>)
      %add3A_68 = arith.constant 1 : i32
      %add3A_69 = arith.addi %add3A_32, %add3A_68 : i32
      %lt3A = arith.constant 28 : i32
      %lt3A_70 = arith.cmpi slt, %add3A_69, %lt3A : i32
      %convert_element_type3A_71 = arith.extui %lt3A_70 : i1 to i32
      %cond3A_72 = arith.constant 0 : i32
      %cond3A_73 = arith.cmpi ne, %convert_element_type3A_71, %cond3A_72 : i32
      scf.if %cond3A_73 {
        %add3A_80 = arith.constant 1 : i32
        %add3A_81 = arith.addi %add3A_32, %add3A_80 : i32
        %dma_start3A_82 = arith.constant 0 : i32
        %dma_start3A_83 = tpu.memref_slice %arg7[%add3A_81, %dma_start3A_82] : memref<28x384xi32, #tpu.memory_space<vmem>> -> memref<1x384xi32, #tpu.memory_space<vmem>>
        %dma_start3A_84 = tpu.memref_squeeze %dma_start3A_83 : memref<1x384xi32, #tpu.memory_space<vmem>> -> memref<384xi32, #tpu.memory_space<vmem>>
        %dma_start3A_85 = arith.constant 0 : i32
        %dma_start3A_86 = arith.constant 0 : i32
        %dma_start3A_87 = tpu.memref_slice %arg4[%dma_start3A_85, %dma_start3A_86] : memref<10000x64xf32, #tpu.memory_space<hbm>> -> memref<10000x64xf32, #tpu.memory_space<hbm>>
        tpu.enqueue_indirect_dma source(%dma_start3A_87 : memref<10000x64xf32, #tpu.memory_space<hbm>>) target(%arg9 : memref<384x64xf32, #tpu.memory_space<vmem>>) offsets(%dma_start3A_84 : memref<384xi32, #tpu.memory_space<vmem>>) semaphore(%arg12 : memref<!tpu.dma_semaphore, #tpu.memory_space<semaphore_mem>>)
      } else {
      }
      %dma_start3A_74 = arith.constant 0 : i32
      %dma_start3A_75 = tpu.memref_slice %arg8[%add3A_32, %dma_start3A_74] : memref<28x384xi32, #tpu.memory_space<vmem>> -> memref<1x384xi32, #tpu.memory_space<vmem>>
      %dma_start3A_76 = tpu.memref_squeeze %dma_start3A_75 : memref<1x384xi32, #tpu.memory_space<vmem>> -> memref<384xi32, #tpu.memory_space<vmem>>
      %dma_start3A_77 = arith.constant 0 : i32
      %dma_start3A_78 = arith.constant 0 : i32
      %dma_start3A_79 = tpu.memref_slice %arg11[%dma_start3A_77, %dma_start3A_78] : memref<10240x64xf32, #tpu.memory_space<vmem_shared>> -> memref<10240x64xf32, #tpu.memory_space<vmem_shared>>
      tpu.enqueue_indirect_dma source(%arg10 : memref<384x64xf32, #tpu.memory_space<vmem>>) target(%dma_start3A_79 : memref<10240x64xf32, #tpu.memory_space<vmem_shared>>) offsets(%dma_start3A_76 : memref<384xi32, #tpu.memory_space<vmem>>) semaphore(%arg15 : memref<!tpu.dma_semaphore, #tpu.memory_space<semaphore_mem>>) {add = true}
    }
    %scan3A_12 = arith.constant 14 : i32
    %dma_wait3A = arith.constant 0 : i32
    %dma_wait3A_13 = arith.constant 0 : i32
    %dma_wait3A_14 = tpu.memref_slice %arg8[%dma_wait3A, %dma_wait3A_13] : memref<28x384xi32, #tpu.memory_space<vmem>> -> memref<1x384xi32, #tpu.memory_space<vmem>>
    %dma_wait3A_15 = tpu.memref_squeeze %dma_wait3A_14 : memref<1x384xi32, #tpu.memory_space<vmem>> -> memref<384xi32, #tpu.memory_space<vmem>>
    %dma_wait3A_16 = arith.constant 0 : i32
    %dma_wait3A_17 = arith.constant 0 : i32
    %dma_wait3A_18 = tpu.memref_slice %arg11[%dma_wait3A_16, %dma_wait3A_17] : memref<10240x64xf32, #tpu.memory_space<vmem_shared>> -> memref<10240x64xf32, #tpu.memory_space<vmem_shared>>
    tpu.wait_indirect_dma semaphore(%arg15 : memref<!tpu.dma_semaphore, #tpu.memory_space<semaphore_mem>>) src(%arg10 : memref<384x64xf32, #tpu.memory_space<vmem>>) dst(%dma_wait3A_18 : memref<10240x64xf32, #tpu.memory_space<vmem_shared>>)
    %barrier3A_19 = arith.constant 0 : index
    tpu.barrier barrier_id(%barrier3A_19)
    %mul3A_20 = arith.constant 640 : i32
    %mul3A_21 = arith.muli %arg1, %mul3A_20 : i32
    %mul3A_22 = arith.constant 640 : i32
    %mul3A_23 = arith.muli %arg1, %mul3A_22 : i32
    "tpu.region"() ({
      %run_scoped3A = tpu.sem_alloc : memref<!tpu.dma_semaphore, #tpu.memory_space<semaphore_mem>>
      %dma_start3A_24 = arith.constant 0 : i32
      %dma_start3A_25 = tpu.memref_slice %arg6[%arg0, %mul3A_23, %dma_start3A_24] : memref<2x10240x64xf32, #tpu.memory_space<hbm>> -> memref<1x640x64xf32, #tpu.memory_space<hbm>>
      %dma_start3A_26 = tpu.memref_squeeze %dma_start3A_25 : memref<1x640x64xf32, #tpu.memory_space<hbm>> -> memref<640x64xf32, #tpu.memory_space<hbm>>
      %dma_start3A_27 = arith.constant 0 : i32
      %dma_start3A_28 = tpu.memref_slice %arg11[%mul3A_21, %dma_start3A_27] : memref<10240x64xf32, #tpu.memory_space<vmem_shared>> -> memref<640x64xf32, #tpu.memory_space<vmem_shared>>
      tpu.enqueue_dma source(%dma_start3A_28 : memref<640x64xf32, #tpu.memory_space<vmem_shared>>) target(%dma_start3A_26 : memref<640x64xf32, #tpu.memory_space<hbm>>) target_semaphore(%run_scoped3A : memref<!tpu.dma_semaphore, #tpu.memory_space<semaphore_mem>>)
      %dma_wait3A_29 = arith.constant 0 : i32
      %dma_wait3A_30 = tpu.memref_slice %arg6[%arg0, %mul3A_23, %dma_wait3A_29] : memref<2x10240x64xf32, #tpu.memory_space<hbm>> -> memref<1x640x64xf32, #tpu.memory_space<hbm>>
      %dma_wait3A_31 = tpu.memref_squeeze %dma_wait3A_30 : memref<1x640x64xf32, #tpu.memory_space<hbm>> -> memref<640x64xf32, #tpu.memory_space<hbm>>
      %dma_wait3A_32 = arith.constant 0 : i32
      %dma_wait3A_33 = tpu.memref_slice %arg11[%mul3A_21, %dma_wait3A_32] : memref<10240x64xf32, #tpu.memory_space<vmem_shared>> -> memref<640x64xf32, #tpu.memory_space<vmem_shared>>
      tpu.wait_dma2 semaphore(%run_scoped3A : memref<!tpu.dma_semaphore, #tpu.memory_space<semaphore_mem>>) src(%dma_wait3A_33 : memref<640x64xf32, #tpu.memory_space<vmem_shared>>) dst(%dma_wait3A_31 : memref<640x64xf32, #tpu.memory_space<hbm>>)
      tpu.yield
    }) : () -> ()
    return
  }
}

#map = affine_map<(d0, d1) -> (0, 0, 0)>
#map1 = affine_map<(d0, d1) -> (0, 0)>
module attributes {stable_mosaic.version = 14 : i64} {
  func.func @gs_kernel(%arg0: i32, %arg1: i32, %arg2: memref<32x28x384xi32, #tpu.memory_space<hbm>>, %arg3: memref<32x28x384xi32, #tpu.memory_space<hbm>>, %arg4: memref<10000x32xf32, #tpu.memory_space<hbm>>, %arg5: memref<640x32xf32, #tpu.memory_space<hbm>>, %arg6: memref<2x10240x32xf32, #tpu.memory_space<hbm>>, %arg7: memref<28x384xi32, #tpu.memory_space<vmem>>, %arg8: memref<28x384xi32, #tpu.memory_space<vmem>>, %arg9: memref<384x32xf32, #tpu.memory_space<vmem>>, %arg10: memref<384x32xf32, #tpu.memory_space<vmem>>, %arg11: memref<10240x32xf32, #tpu.memory_space<vmem_shared>>, %arg12: memref<!tpu.dma_semaphore, #tpu.memory_space<semaphore_mem>>, %arg13: memref<!tpu.dma_semaphore, #tpu.memory_space<semaphore_mem>>, %arg14: memref<!tpu.dma_semaphore, #tpu.memory_space<semaphore_mem>>, %arg15: memref<!tpu.dma_semaphore, #tpu.memory_space<semaphore_mem>>) attributes {dimension_semantics = [#tpu.dimension_semantics<core_parallel>, #tpu.dimension_semantics<subcore_parallel>], iteration_bounds = array<i64: 2, 16>, scalar_prefetch = 0 : i64, scratch_operands = 9 : i64, tpu.core_type = #tpu.core_type<sc_vector_subcore>, window_params = [{transform_indices = #map}, {transform_indices = #map}, {transform_indices = #map1}, {transform_indices = #map1}, {transform_indices = #map}]} {
    %mul3A = arith.constant 16 : i32
    %mul3A_0 = arith.muli %arg0, %mul3A : i32
    %add3A = arith.addi %mul3A_0, %arg1 : i32
    "tpu.region"() ({
      %run_scoped3A = tpu.sem_alloc : memref<!tpu.dma_semaphore, #tpu.memory_space<semaphore_mem>>
      %dma_start3A_24 = arith.constant 0 : i32
      %dma_start3A_25 = arith.constant 0 : i32
      %dma_start3A_26 = tpu.memref_slice %arg2[%add3A, %dma_start3A_24, %dma_start3A_25] : memref<32x28x384xi32, #tpu.memory_space<hbm>> -> memref<1x28x384xi32, #tpu.memory_space<hbm>>
      %dma_start3A_27 = tpu.memref_squeeze %dma_start3A_26 : memref<1x28x384xi32, #tpu.memory_space<hbm>> -> memref<28x384xi32, #tpu.memory_space<hbm>>
      %dma_start3A_28 = arith.constant 0 : i32
      %dma_start3A_29 = arith.constant 0 : i32
      %dma_start3A_30 = tpu.memref_slice %arg2[%add3A, %dma_start3A_28, %dma_start3A_29] : memref<32x28x384xi32, #tpu.memory_space<hbm>> -> memref<1x28x384xi32, #tpu.memory_space<hbm>>
      %dma_start3A_31 = tpu.memref_squeeze %dma_start3A_30 : memref<1x28x384xi32, #tpu.memory_space<hbm>> -> memref<28x384xi32, #tpu.memory_space<hbm>>
      tpu.enqueue_dma source(%dma_start3A_31 : memref<28x384xi32, #tpu.memory_space<hbm>>) target(%arg7 : memref<28x384xi32, #tpu.memory_space<vmem>>) target_semaphore(%run_scoped3A : memref<!tpu.dma_semaphore, #tpu.memory_space<semaphore_mem>>)
      %dma_wait3A_32 = arith.constant 0 : i32
      %dma_wait3A_33 = arith.constant 0 : i32
      %dma_wait3A_34 = tpu.memref_slice %arg2[%add3A, %dma_wait3A_32, %dma_wait3A_33] : memref<32x28x384xi32, #tpu.memory_space<hbm>> -> memref<1x28x384xi32, #tpu.memory_space<hbm>>
      %dma_wait3A_35 = tpu.memref_squeeze %dma_wait3A_34 : memref<1x28x384xi32, #tpu.memory_space<hbm>> -> memref<28x384xi32, #tpu.memory_space<hbm>>
      %dma_wait3A_36 = arith.constant 0 : i32
      %dma_wait3A_37 = arith.constant 0 : i32
      %dma_wait3A_38 = tpu.memref_slice %arg2[%add3A, %dma_wait3A_36, %dma_wait3A_37] : memref<32x28x384xi32, #tpu.memory_space<hbm>> -> memref<1x28x384xi32, #tpu.memory_space<hbm>>
      %dma_wait3A_39 = tpu.memref_squeeze %dma_wait3A_38 : memref<1x28x384xi32, #tpu.memory_space<hbm>> -> memref<28x384xi32, #tpu.memory_space<hbm>>
      tpu.wait_dma2 semaphore(%run_scoped3A : memref<!tpu.dma_semaphore, #tpu.memory_space<semaphore_mem>>) src(%dma_wait3A_39 : memref<28x384xi32, #tpu.memory_space<hbm>>) dst(%arg7 : memref<28x384xi32, #tpu.memory_space<vmem>>)
      tpu.yield
    }) : () -> ()
    "tpu.region"() ({
      %run_scoped3A = tpu.sem_alloc : memref<!tpu.dma_semaphore, #tpu.memory_space<semaphore_mem>>
      %dma_start3A_24 = arith.constant 0 : i32
      %dma_start3A_25 = arith.constant 0 : i32
      %dma_start3A_26 = tpu.memref_slice %arg3[%add3A, %dma_start3A_24, %dma_start3A_25] : memref<32x28x384xi32, #tpu.memory_space<hbm>> -> memref<1x28x384xi32, #tpu.memory_space<hbm>>
      %dma_start3A_27 = tpu.memref_squeeze %dma_start3A_26 : memref<1x28x384xi32, #tpu.memory_space<hbm>> -> memref<28x384xi32, #tpu.memory_space<hbm>>
      %dma_start3A_28 = arith.constant 0 : i32
      %dma_start3A_29 = arith.constant 0 : i32
      %dma_start3A_30 = tpu.memref_slice %arg3[%add3A, %dma_start3A_28, %dma_start3A_29] : memref<32x28x384xi32, #tpu.memory_space<hbm>> -> memref<1x28x384xi32, #tpu.memory_space<hbm>>
      %dma_start3A_31 = tpu.memref_squeeze %dma_start3A_30 : memref<1x28x384xi32, #tpu.memory_space<hbm>> -> memref<28x384xi32, #tpu.memory_space<hbm>>
      tpu.enqueue_dma source(%dma_start3A_31 : memref<28x384xi32, #tpu.memory_space<hbm>>) target(%arg8 : memref<28x384xi32, #tpu.memory_space<vmem>>) target_semaphore(%run_scoped3A : memref<!tpu.dma_semaphore, #tpu.memory_space<semaphore_mem>>)
      %dma_wait3A_32 = arith.constant 0 : i32
      %dma_wait3A_33 = arith.constant 0 : i32
      %dma_wait3A_34 = tpu.memref_slice %arg3[%add3A, %dma_wait3A_32, %dma_wait3A_33] : memref<32x28x384xi32, #tpu.memory_space<hbm>> -> memref<1x28x384xi32, #tpu.memory_space<hbm>>
      %dma_wait3A_35 = tpu.memref_squeeze %dma_wait3A_34 : memref<1x28x384xi32, #tpu.memory_space<hbm>> -> memref<28x384xi32, #tpu.memory_space<hbm>>
      %dma_wait3A_36 = arith.constant 0 : i32
      %dma_wait3A_37 = arith.constant 0 : i32
      %dma_wait3A_38 = tpu.memref_slice %arg3[%add3A, %dma_wait3A_36, %dma_wait3A_37] : memref<32x28x384xi32, #tpu.memory_space<hbm>> -> memref<1x28x384xi32, #tpu.memory_space<hbm>>
      %dma_wait3A_39 = tpu.memref_squeeze %dma_wait3A_38 : memref<1x28x384xi32, #tpu.memory_space<hbm>> -> memref<28x384xi32, #tpu.memory_space<hbm>>
      tpu.wait_dma2 semaphore(%run_scoped3A : memref<!tpu.dma_semaphore, #tpu.memory_space<semaphore_mem>>) src(%dma_wait3A_39 : memref<28x384xi32, #tpu.memory_space<hbm>>) dst(%arg8 : memref<28x384xi32, #tpu.memory_space<vmem>>)
      tpu.yield
    }) : () -> ()
    %mul3A_1 = arith.constant 640 : i32
    %mul3A_2 = arith.muli %arg1, %mul3A_1 : i32
    "tpu.region"() ({
      %run_scoped3A = tpu.sem_alloc : memref<!tpu.dma_semaphore, #tpu.memory_space<semaphore_mem>>
      %dma_start3A_24 = arith.constant 0 : i32
      %dma_start3A_25 = tpu.memref_slice %arg11[%mul3A_2, %dma_start3A_24] : memref<10240x32xf32, #tpu.memory_space<vmem_shared>> -> memref<640x32xf32, #tpu.memory_space<vmem_shared>>
      tpu.enqueue_dma source(%arg5 : memref<640x32xf32, #tpu.memory_space<hbm>>) target(%dma_start3A_25 : memref<640x32xf32, #tpu.memory_space<vmem_shared>>) target_semaphore(%run_scoped3A : memref<!tpu.dma_semaphore, #tpu.memory_space<semaphore_mem>>)
      %dma_wait3A_26 = arith.constant 0 : i32
      %dma_wait3A_27 = tpu.memref_slice %arg11[%mul3A_2, %dma_wait3A_26] : memref<10240x32xf32, #tpu.memory_space<vmem_shared>> -> memref<640x32xf32, #tpu.memory_space<vmem_shared>>
      tpu.wait_dma2 semaphore(%run_scoped3A : memref<!tpu.dma_semaphore, #tpu.memory_space<semaphore_mem>>) src(%arg5 : memref<640x32xf32, #tpu.memory_space<hbm>>) dst(%dma_wait3A_27 : memref<640x32xf32, #tpu.memory_space<vmem_shared>>)
      tpu.yield
    }) : () -> ()
    %barrier3A = arith.constant 0 : index
    tpu.barrier barrier_id(%barrier3A)
    %dma_start3A = arith.constant 0 : i32
    %dma_start3A_3 = arith.constant 0 : i32
    %dma_start3A_4 = tpu.memref_slice %arg7[%dma_start3A, %dma_start3A_3] : memref<28x384xi32, #tpu.memory_space<vmem>> -> memref<1x384xi32, #tpu.memory_space<vmem>>
    %dma_start3A_5 = tpu.memref_squeeze %dma_start3A_4 : memref<1x384xi32, #tpu.memory_space<vmem>> -> memref<384xi32, #tpu.memory_space<vmem>>
    %dma_start3A_6 = arith.constant 0 : i32
    %dma_start3A_7 = arith.constant 0 : i32
    %dma_start3A_8 = tpu.memref_slice %arg4[%dma_start3A_6, %dma_start3A_7] : memref<10000x32xf32, #tpu.memory_space<hbm>> -> memref<10000x32xf32, #tpu.memory_space<hbm>>
    tpu.enqueue_indirect_dma source(%dma_start3A_8 : memref<10000x32xf32, #tpu.memory_space<hbm>>) target(%arg9 : memref<384x32xf32, #tpu.memory_space<vmem>>) offsets(%dma_start3A_5 : memref<384xi32, #tpu.memory_space<vmem>>) semaphore(%arg12 : memref<!tpu.dma_semaphore, #tpu.memory_space<semaphore_mem>>)
    %scan3A = arith.constant 0 : i32
    %scan3A_9 = arith.constant 14 : i32
    %scan3A_10 = arith.addi %scan3A, %scan3A_9 : i32
    %scan3A_11 = arith.constant 1 : i32
    scf.for %scan3A_24 = %scan3A to %scan3A_10 step %scan3A_11  : i32 {
      %mul3A_25 = arith.constant 1 : i32
      %mul3A_26 = arith.muli %scan3A_24, %mul3A_25 : i32
      %add3A_27 = arith.constant 0 : i32
      %add3A_28 = arith.addi %add3A_27, %mul3A_26 : i32
      %mul3A_29 = arith.constant 2 : i32
      %mul3A_30 = arith.muli %mul3A_29, %add3A_28 : i32
      %add3A_31 = arith.constant 1 : i32
      %add3A_32 = arith.addi %mul3A_30, %add3A_31 : i32
      %dma_wait3A_33 = arith.constant 0 : i32
      %dma_wait3A_34 = arith.constant 0 : i32
      %dma_wait3A_35 = tpu.memref_slice %arg7[%dma_wait3A_33, %dma_wait3A_34] : memref<28x384xi32, #tpu.memory_space<vmem>> -> memref<1x384xi32, #tpu.memory_space<vmem>>
      %dma_wait3A_36 = tpu.memref_squeeze %dma_wait3A_35 : memref<1x384xi32, #tpu.memory_space<vmem>> -> memref<384xi32, #tpu.memory_space<vmem>>
      %dma_wait3A_37 = arith.constant 0 : i32
      %dma_wait3A_38 = arith.constant 0 : i32
      %dma_wait3A_39 = tpu.memref_slice %arg4[%dma_wait3A_37, %dma_wait3A_38] : memref<10000x32xf32, #tpu.memory_space<hbm>> -> memref<10000x32xf32, #tpu.memory_space<hbm>>
      tpu.wait_indirect_dma semaphore(%arg12 : memref<!tpu.dma_semaphore, #tpu.memory_space<semaphore_mem>>) src(%dma_wait3A_39 : memref<10000x32xf32, #tpu.memory_space<hbm>>) dst(%arg9 : memref<384x32xf32, #tpu.memory_space<vmem>>)
      %gt3A = arith.constant 0 : i32
      %gt3A_40 = arith.cmpi sgt, %add3A_28, %gt3A : i32
      %convert_element_type3A = arith.extui %gt3A_40 : i1 to i32
      %cond3A = arith.constant 0 : i32
      %cond3A_41 = arith.cmpi ne, %convert_element_type3A, %cond3A : i32
      scf.if %cond3A_41 {
        %dma_wait3A_80 = arith.constant 0 : i32
        %dma_wait3A_81 = arith.constant 0 : i32
        %dma_wait3A_82 = tpu.memref_slice %arg8[%dma_wait3A_80, %dma_wait3A_81] : memref<28x384xi32, #tpu.memory_space<vmem>> -> memref<1x384xi32, #tpu.memory_space<vmem>>
        %dma_wait3A_83 = tpu.memref_squeeze %dma_wait3A_82 : memref<1x384xi32, #tpu.memory_space<vmem>> -> memref<384xi32, #tpu.memory_space<vmem>>
        %dma_wait3A_84 = arith.constant 0 : i32
        %dma_wait3A_85 = arith.constant 0 : i32
        %dma_wait3A_86 = tpu.memref_slice %arg11[%dma_wait3A_84, %dma_wait3A_85] : memref<10240x32xf32, #tpu.memory_space<vmem_shared>> -> memref<10240x32xf32, #tpu.memory_space<vmem_shared>>
        tpu.wait_indirect_dma semaphore(%arg15 : memref<!tpu.dma_semaphore, #tpu.memory_space<semaphore_mem>>) src(%arg10 : memref<384x32xf32, #tpu.memory_space<vmem>>) dst(%dma_wait3A_86 : memref<10240x32xf32, #tpu.memory_space<vmem_shared>>)
      } else {
      }
      %dma_start3A_42 = arith.constant 0 : i32
      %dma_start3A_43 = tpu.memref_slice %arg7[%add3A_32, %dma_start3A_42] : memref<28x384xi32, #tpu.memory_space<vmem>> -> memref<1x384xi32, #tpu.memory_space<vmem>>
      %dma_start3A_44 = tpu.memref_squeeze %dma_start3A_43 : memref<1x384xi32, #tpu.memory_space<vmem>> -> memref<384xi32, #tpu.memory_space<vmem>>
      %dma_start3A_45 = arith.constant 0 : i32
      %dma_start3A_46 = arith.constant 0 : i32
      %dma_start3A_47 = tpu.memref_slice %arg4[%dma_start3A_45, %dma_start3A_46] : memref<10000x32xf32, #tpu.memory_space<hbm>> -> memref<10000x32xf32, #tpu.memory_space<hbm>>
      tpu.enqueue_indirect_dma source(%dma_start3A_47 : memref<10000x32xf32, #tpu.memory_space<hbm>>) target(%arg10 : memref<384x32xf32, #tpu.memory_space<vmem>>) offsets(%dma_start3A_44 : memref<384xi32, #tpu.memory_space<vmem>>) semaphore(%arg13 : memref<!tpu.dma_semaphore, #tpu.memory_space<semaphore_mem>>)
      %dma_start3A_48 = arith.constant 0 : i32
      %dma_start3A_49 = tpu.memref_slice %arg8[%mul3A_30, %dma_start3A_48] : memref<28x384xi32, #tpu.memory_space<vmem>> -> memref<1x384xi32, #tpu.memory_space<vmem>>
      %dma_start3A_50 = tpu.memref_squeeze %dma_start3A_49 : memref<1x384xi32, #tpu.memory_space<vmem>> -> memref<384xi32, #tpu.memory_space<vmem>>
      %dma_start3A_51 = arith.constant 0 : i32
      %dma_start3A_52 = arith.constant 0 : i32
      %dma_start3A_53 = tpu.memref_slice %arg11[%dma_start3A_51, %dma_start3A_52] : memref<10240x32xf32, #tpu.memory_space<vmem_shared>> -> memref<10240x32xf32, #tpu.memory_space<vmem_shared>>
      tpu.enqueue_indirect_dma source(%arg9 : memref<384x32xf32, #tpu.memory_space<vmem>>) target(%dma_start3A_53 : memref<10240x32xf32, #tpu.memory_space<vmem_shared>>) offsets(%dma_start3A_50 : memref<384xi32, #tpu.memory_space<vmem>>) semaphore(%arg14 : memref<!tpu.dma_semaphore, #tpu.memory_space<semaphore_mem>>) {add = true}
      %dma_wait3A_54 = arith.constant 0 : i32
      %dma_wait3A_55 = arith.constant 0 : i32
      %dma_wait3A_56 = tpu.memref_slice %arg7[%dma_wait3A_54, %dma_wait3A_55] : memref<28x384xi32, #tpu.memory_space<vmem>> -> memref<1x384xi32, #tpu.memory_space<vmem>>
      %dma_wait3A_57 = tpu.memref_squeeze %dma_wait3A_56 : memref<1x384xi32, #tpu.memory_space<vmem>> -> memref<384xi32, #tpu.memory_space<vmem>>
      %dma_wait3A_58 = arith.constant 0 : i32
      %dma_wait3A_59 = arith.constant 0 : i32
      %dma_wait3A_60 = tpu.memref_slice %arg4[%dma_wait3A_58, %dma_wait3A_59] : memref<10000x32xf32, #tpu.memory_space<hbm>> -> memref<10000x32xf32, #tpu.memory_space<hbm>>
      tpu.wait_indirect_dma semaphore(%arg13 : memref<!tpu.dma_semaphore, #tpu.memory_space<semaphore_mem>>) src(%dma_wait3A_60 : memref<10000x32xf32, #tpu.memory_space<hbm>>) dst(%arg10 : memref<384x32xf32, #tpu.memory_space<vmem>>)
      %dma_wait3A_61 = arith.constant 0 : i32
      %dma_wait3A_62 = arith.constant 0 : i32
      %dma_wait3A_63 = tpu.memref_slice %arg8[%dma_wait3A_61, %dma_wait3A_62] : memref<28x384xi32, #tpu.memory_space<vmem>> -> memref<1x384xi32, #tpu.memory_space<vmem>>
      %dma_wait3A_64 = tpu.memref_squeeze %dma_wait3A_63 : memref<1x384xi32, #tpu.memory_space<vmem>> -> memref<384xi32, #tpu.memory_space<vmem>>
      %dma_wait3A_65 = arith.constant 0 : i32
      %dma_wait3A_66 = arith.constant 0 : i32
      %dma_wait3A_67 = tpu.memref_slice %arg11[%dma_wait3A_65, %dma_wait3A_66] : memref<10240x32xf32, #tpu.memory_space<vmem_shared>> -> memref<10240x32xf32, #tpu.memory_space<vmem_shared>>
      tpu.wait_indirect_dma semaphore(%arg14 : memref<!tpu.dma_semaphore, #tpu.memory_space<semaphore_mem>>) src(%arg9 : memref<384x32xf32, #tpu.memory_space<vmem>>) dst(%dma_wait3A_67 : memref<10240x32xf32, #tpu.memory_space<vmem_shared>>)
      %add3A_68 = arith.constant 1 : i32
      %add3A_69 = arith.addi %add3A_32, %add3A_68 : i32
      %lt3A = arith.constant 28 : i32
      %lt3A_70 = arith.cmpi slt, %add3A_69, %lt3A : i32
      %convert_element_type3A_71 = arith.extui %lt3A_70 : i1 to i32
      %cond3A_72 = arith.constant 0 : i32
      %cond3A_73 = arith.cmpi ne, %convert_element_type3A_71, %cond3A_72 : i32
      scf.if %cond3A_73 {
        %add3A_80 = arith.constant 1 : i32
        %add3A_81 = arith.addi %add3A_32, %add3A_80 : i32
        %dma_start3A_82 = arith.constant 0 : i32
        %dma_start3A_83 = tpu.memref_slice %arg7[%add3A_81, %dma_start3A_82] : memref<28x384xi32, #tpu.memory_space<vmem>> -> memref<1x384xi32, #tpu.memory_space<vmem>>
        %dma_start3A_84 = tpu.memref_squeeze %dma_start3A_83 : memref<1x384xi32, #tpu.memory_space<vmem>> -> memref<384xi32, #tpu.memory_space<vmem>>
        %dma_start3A_85 = arith.constant 0 : i32
        %dma_start3A_86 = arith.constant 0 : i32
        %dma_start3A_87 = tpu.memref_slice %arg4[%dma_start3A_85, %dma_start3A_86] : memref<10000x32xf32, #tpu.memory_space<hbm>> -> memref<10000x32xf32, #tpu.memory_space<hbm>>
        tpu.enqueue_indirect_dma source(%dma_start3A_87 : memref<10000x32xf32, #tpu.memory_space<hbm>>) target(%arg9 : memref<384x32xf32, #tpu.memory_space<vmem>>) offsets(%dma_start3A_84 : memref<384xi32, #tpu.memory_space<vmem>>) semaphore(%arg12 : memref<!tpu.dma_semaphore, #tpu.memory_space<semaphore_mem>>)
      } else {
      }
      %dma_start3A_74 = arith.constant 0 : i32
      %dma_start3A_75 = tpu.memref_slice %arg8[%add3A_32, %dma_start3A_74] : memref<28x384xi32, #tpu.memory_space<vmem>> -> memref<1x384xi32, #tpu.memory_space<vmem>>
      %dma_start3A_76 = tpu.memref_squeeze %dma_start3A_75 : memref<1x384xi32, #tpu.memory_space<vmem>> -> memref<384xi32, #tpu.memory_space<vmem>>
      %dma_start3A_77 = arith.constant 0 : i32
      %dma_start3A_78 = arith.constant 0 : i32
      %dma_start3A_79 = tpu.memref_slice %arg11[%dma_start3A_77, %dma_start3A_78] : memref<10240x32xf32, #tpu.memory_space<vmem_shared>> -> memref<10240x32xf32, #tpu.memory_space<vmem_shared>>
      tpu.enqueue_indirect_dma source(%arg10 : memref<384x32xf32, #tpu.memory_space<vmem>>) target(%dma_start3A_79 : memref<10240x32xf32, #tpu.memory_space<vmem_shared>>) offsets(%dma_start3A_76 : memref<384xi32, #tpu.memory_space<vmem>>) semaphore(%arg15 : memref<!tpu.dma_semaphore, #tpu.memory_space<semaphore_mem>>) {add = true}
    }
    %scan3A_12 = arith.constant 14 : i32
    %dma_wait3A = arith.constant 0 : i32
    %dma_wait3A_13 = arith.constant 0 : i32
    %dma_wait3A_14 = tpu.memref_slice %arg8[%dma_wait3A, %dma_wait3A_13] : memref<28x384xi32, #tpu.memory_space<vmem>> -> memref<1x384xi32, #tpu.memory_space<vmem>>
    %dma_wait3A_15 = tpu.memref_squeeze %dma_wait3A_14 : memref<1x384xi32, #tpu.memory_space<vmem>> -> memref<384xi32, #tpu.memory_space<vmem>>
    %dma_wait3A_16 = arith.constant 0 : i32
    %dma_wait3A_17 = arith.constant 0 : i32
    %dma_wait3A_18 = tpu.memref_slice %arg11[%dma_wait3A_16, %dma_wait3A_17] : memref<10240x32xf32, #tpu.memory_space<vmem_shared>> -> memref<10240x32xf32, #tpu.memory_space<vmem_shared>>
    tpu.wait_indirect_dma semaphore(%arg15 : memref<!tpu.dma_semaphore, #tpu.memory_space<semaphore_mem>>) src(%arg10 : memref<384x32xf32, #tpu.memory_space<vmem>>) dst(%dma_wait3A_18 : memref<10240x32xf32, #tpu.memory_space<vmem_shared>>)
    %barrier3A_19 = arith.constant 0 : index
    tpu.barrier barrier_id(%barrier3A_19)
    %mul3A_20 = arith.constant 640 : i32
    %mul3A_21 = arith.muli %arg1, %mul3A_20 : i32
    %mul3A_22 = arith.constant 640 : i32
    %mul3A_23 = arith.muli %arg1, %mul3A_22 : i32
    "tpu.region"() ({
      %run_scoped3A = tpu.sem_alloc : memref<!tpu.dma_semaphore, #tpu.memory_space<semaphore_mem>>
      %dma_start3A_24 = arith.constant 0 : i32
      %dma_start3A_25 = tpu.memref_slice %arg6[%arg0, %mul3A_23, %dma_start3A_24] : memref<2x10240x32xf32, #tpu.memory_space<hbm>> -> memref<1x640x32xf32, #tpu.memory_space<hbm>>
      %dma_start3A_26 = tpu.memref_squeeze %dma_start3A_25 : memref<1x640x32xf32, #tpu.memory_space<hbm>> -> memref<640x32xf32, #tpu.memory_space<hbm>>
      %dma_start3A_27 = arith.constant 0 : i32
      %dma_start3A_28 = tpu.memref_slice %arg11[%mul3A_21, %dma_start3A_27] : memref<10240x32xf32, #tpu.memory_space<vmem_shared>> -> memref<640x32xf32, #tpu.memory_space<vmem_shared>>
      tpu.enqueue_dma source(%dma_start3A_28 : memref<640x32xf32, #tpu.memory_space<vmem_shared>>) target(%dma_start3A_26 : memref<640x32xf32, #tpu.memory_space<hbm>>) target_semaphore(%run_scoped3A : memref<!tpu.dma_semaphore, #tpu.memory_space<semaphore_mem>>)
      %dma_wait3A_29 = arith.constant 0 : i32
      %dma_wait3A_30 = tpu.memref_slice %arg6[%arg0, %mul3A_23, %dma_wait3A_29] : memref<2x10240x32xf32, #tpu.memory_space<hbm>> -> memref<1x640x32xf32, #tpu.memory_space<hbm>>
      %dma_wait3A_31 = tpu.memref_squeeze %dma_wait3A_30 : memref<1x640x32xf32, #tpu.memory_space<hbm>> -> memref<640x32xf32, #tpu.memory_space<hbm>>
      %dma_wait3A_32 = arith.constant 0 : i32
      %dma_wait3A_33 = tpu.memref_slice %arg11[%mul3A_21, %dma_wait3A_32] : memref<10240x32xf32, #tpu.memory_space<vmem_shared>> -> memref<640x32xf32, #tpu.memory_space<vmem_shared>>
      tpu.wait_dma2 semaphore(%run_scoped3A : memref<!tpu.dma_semaphore, #tpu.memory_space<semaphore_mem>>) src(%dma_wait3A_33 : memref<640x32xf32, #tpu.memory_space<vmem_shared>>) dst(%dma_wait3A_31 : memref<640x32xf32, #tpu.memory_space<hbm>>)
      tpu.yield
    }) : () -> ()
    return
  }
}

module attributes {stable_mosaic.version = 14 : i64} {
  func.func @_mm1_body(%arg0: i32, %arg1: memref<1000x128xf32, #tpu.memory_space<vmem>>, %arg2: memref<128x64xf32, #tpu.memory_space<vmem>>, %arg3: memref<2x1000x16xf32, #tpu.memory_space<vmem>>, %arg4: memref<1000x64xf32, #tpu.memory_space<vmem>>) attributes {dimension_semantics = [#tpu.dimension_semantics<arbitrary>], iteration_bounds = array<i64: 10>, scalar_prefetch = 0 : i64, scratch_operands = 0 : i64, tpu.core_type = #tpu.core_type<tc>, window_params = [{transform_indices = @transform_0, window_bounds = array<i64: 1000, 128>}, {pipeline_mode = #tpu.pipeline_mode<synchronous>, transform_indices = @transform_1, window_bounds = array<i64: 128, 64>}, {transform_indices = @transform_2, window_bounds = array<i64: 2, 1000, 16>}, {transform_indices = @transform_3, window_bounds = array<i64: 1000, 64>}]} {
    %get3A = arith.constant 0 : index
    %get3A_0 = arith.constant 0 : index
    %get3A_1 = vector.load %arg1[%get3A, %get3A_0] : memref<1000x128xf32, #tpu.memory_space<vmem>>, vector<1000x128xf32>
    %get3A_2 = arith.constant 0 : index
    %get3A_3 = arith.constant 0 : index
    %get3A_4 = vector.load %arg2[%get3A_2, %get3A_3] : memref<128x64xf32, #tpu.memory_space<vmem>>, vector<128x64xf32>
    %dot_general3A = arith.constant dense<0.000000e+00> : vector<1000x64xf32>
    %dot_general3A_5 = tpu.matmul %get3A_1, %get3A_4, %dot_general3A {dimension_numbers = #tpu.dot_dimension_numbers<[1], [0], [0], [1], [0, 0, 1, 1], [], []>, precision = #tpu.contract_precision<fp32>, transpose_lhs_hint = false} : vector<1000x128xf32>, vector<128x64xf32>, vector<1000x64xf32> -> vector<1000x64xf32>
    %get3A_6 = arith.constant 0 : index
    %get3A_7 = arith.constant 0 : index
    %get3A_8 = arith.constant 0 : index
    %get3A_9 = vector.load %arg3[%get3A_6, %get3A_7, %get3A_8] : memref<2x1000x16xf32, #tpu.memory_space<vmem>>, vector<1x1000x1xf32>
    %get3A_10 = vector.shape_cast %get3A_9 : vector<1x1000x1xf32> to vector<1000xf32>
    %get3A_11 = arith.constant 1 : index
    %get3A_12 = arith.constant 0 : index
    %get3A_13 = arith.constant 0 : index
    %get3A_14 = vector.load %arg3[%get3A_11, %get3A_12, %get3A_13] : memref<2x1000x16xf32, #tpu.memory_space<vmem>>, vector<1x1000x1xf32>
    %get3A_15 = vector.shape_cast %get3A_14 : vector<1x1000x1xf32> to vector<1000xf32>
    %add3A = arith.addf %get3A_10, %get3A_15 : vector<1000xf32>
    %rsqrt3A = math.rsqrt %add3A : vector<1000xf32>
    %broadcast_in_dim3A = vector.shape_cast %rsqrt3A : vector<1000xf32> to vector<1000x1xf32>
    %mul3A = vector.broadcast %broadcast_in_dim3A : vector<1000x1xf32> to vector<1000x64xf32>
    %mul3A_16 = arith.mulf %dot_general3A_5, %mul3A : vector<1000x64xf32>
    %swap3A = arith.constant 0 : index
    %swap3A_17 = arith.constant 0 : index
    %swap3A_18 = vector.load %arg4[%swap3A, %swap3A_17] : memref<1000x64xf32, #tpu.memory_space<vmem>>, vector<1000x64xf32>
    tpu.vector_store %arg4[%swap3A, %swap3A_17], %mul3A_16 {strides = array<i32>} : memref<1000x64xf32, #tpu.memory_space<vmem>>, vector<1000x64xf32>,
    return
  }
  func.func @transform_0(%arg0: i32) -> (i32, i32) {
    %c0_i32 = arith.constant 0 : i32
    %c0_i32_0 = arith.constant 0 : i32
    return %arg0, %c0_i32 : i32, i32
  }
  func.func @transform_1(%arg0: i32) -> (i32, i32) {
    %c0_i32 = arith.constant 0 : i32
    %c0_i32_0 = arith.constant 0 : i32
    %c0_i32_1 = arith.constant 0 : i32
    return %c0_i32, %c0_i32_0 : i32, i32
  }
  func.func @transform_2(%arg0: i32) -> (i32, i32, i32) {
    %c0_i32 = arith.constant 0 : i32
    %c0_i32_0 = arith.constant 0 : i32
    %c0_i32_1 = arith.constant 0 : i32
    return %c0_i32, %arg0, %c0_i32_0 : i32, i32, i32
  }
  func.func @transform_3(%arg0: i32) -> (i32, i32) {
    %c0_i32 = arith.constant 0 : i32
    %c0_i32_0 = arith.constant 0 : i32
    return %arg0, %c0_i32 : i32, i32
  }
}

module attributes {stable_mosaic.version = 14 : i64} {
  func.func @_fuse_body(%arg0: i32, %arg1: memref<2x1000x64xf32, #tpu.memory_space<vmem>>, %arg2: memref<2x1000x16xf32, #tpu.memory_space<vmem>>, %arg3: memref<1x64xf32, #tpu.memory_space<vmem>>, %arg4: memref<1x64xf32, #tpu.memory_space<vmem>>, %arg5: memref<1x64xf32, #tpu.memory_space<vmem>>, %arg6: memref<1x64xf32, #tpu.memory_space<vmem>>, %arg7: memref<1x64xf32, #tpu.memory_space<vmem>>, %arg8: memref<64x64xf32, #tpu.memory_space<vmem>>, %arg9: memref<1000x64xf32, #tpu.memory_space<vmem>>) attributes {dimension_semantics = [#tpu.dimension_semantics<arbitrary>], iteration_bounds = array<i64: 10>, scalar_prefetch = 0 : i64, scratch_operands = 0 : i64, tpu.core_type = #tpu.core_type<tc>, window_params = [{transform_indices = @transform_0, window_bounds = array<i64: 2, 1000, 64>}, {transform_indices = @transform_1, window_bounds = array<i64: 2, 1000, 16>}, {pipeline_mode = #tpu.pipeline_mode<synchronous>, transform_indices = @transform_2, window_bounds = array<i64: 1, 64>}, {pipeline_mode = #tpu.pipeline_mode<synchronous>, transform_indices = @transform_3, window_bounds = array<i64: 1, 64>}, {pipeline_mode = #tpu.pipeline_mode<synchronous>, transform_indices = @transform_4, window_bounds = array<i64: 1, 64>}, {pipeline_mode = #tpu.pipeline_mode<synchronous>, transform_indices = @transform_5, window_bounds = array<i64: 1, 64>}, {pipeline_mode = #tpu.pipeline_mode<synchronous>, transform_indices = @transform_6, window_bounds = array<i64: 1, 64>}, {pipeline_mode = #tpu.pipeline_mode<synchronous>, transform_indices = @transform_7, window_bounds = array<i64: 64, 64>}, {transform_indices = @transform_8, window_bounds = array<i64: 1000, 64>}]} {
    %get3A = arith.constant 0 : index
    %get3A_0 = arith.constant 0 : index
    %get3A_1 = arith.constant 0 : index
    %get3A_2 = vector.load %arg2[%get3A, %get3A_0, %get3A_1] : memref<2x1000x16xf32, #tpu.memory_space<vmem>>, vector<1x1000x1xf32>
    %get3A_3 = vector.shape_cast %get3A_2 : vector<1x1000x1xf32> to vector<1000xf32>
    %get3A_4 = arith.constant 1 : index
    %get3A_5 = arith.constant 0 : index
    %get3A_6 = arith.constant 0 : index
    %get3A_7 = vector.load %arg2[%get3A_4, %get3A_5, %get3A_6] : memref<2x1000x16xf32, #tpu.memory_space<vmem>>, vector<1x1000x1xf32>
    %get3A_8 = vector.shape_cast %get3A_7 : vector<1x1000x1xf32> to vector<1000xf32>
    %add3A = arith.addf %get3A_3, %get3A_8 : vector<1000xf32>
    %rsqrt3A = math.rsqrt %add3A : vector<1000xf32>
    %broadcast_in_dim3A = vector.shape_cast %rsqrt3A : vector<1000xf32> to vector<1000x1xf32>
    %get3A_9 = arith.constant 0 : index
    %get3A_10 = arith.constant 0 : index
    %get3A_11 = arith.constant 0 : index
    %get3A_12 = vector.load %arg1[%get3A_9, %get3A_10, %get3A_11] : memref<2x1000x64xf32, #tpu.memory_space<vmem>>, vector<1x1000x64xf32>
    %get3A_13 = vector.shape_cast %get3A_12 : vector<1x1000x64xf32> to vector<1000x64xf32>
    %get3A_14 = arith.constant 1 : index
    %get3A_15 = arith.constant 0 : index
    %get3A_16 = arith.constant 0 : index
    %get3A_17 = vector.load %arg1[%get3A_14, %get3A_15, %get3A_16] : memref<2x1000x64xf32, #tpu.memory_space<vmem>>, vector<1x1000x64xf32>
    %get3A_18 = vector.shape_cast %get3A_17 : vector<1x1000x64xf32> to vector<1000x64xf32>
    %add3A_19 = arith.addf %get3A_13, %get3A_18 : vector<1000x64xf32>
    %mul3A = vector.broadcast %broadcast_in_dim3A : vector<1000x1xf32> to vector<1000x64xf32>
    %mul3A_20 = arith.mulf %add3A_19, %mul3A : vector<1000x64xf32>
    %get3A_21 = arith.constant 0 : index
    %get3A_22 = arith.constant 0 : index
    %get3A_23 = vector.load %arg3[%get3A_21, %get3A_22] : memref<1x64xf32, #tpu.memory_space<vmem>>, vector<1x64xf32>
    %add3A_24 = vector.broadcast %get3A_23 : vector<1x64xf32> to vector<1000x64xf32>
    %add3A_25 = arith.addf %mul3A_20, %add3A_24 : vector<1000x64xf32>
    %get3A_26 = arith.constant 0 : index
    %get3A_27 = arith.constant 0 : index
    %get3A_28 = vector.load %arg6[%get3A_26, %get3A_27] : memref<1x64xf32, #tpu.memory_space<vmem>>, vector<1x64xf32>
    %sub3A = vector.broadcast %get3A_28 : vector<1x64xf32> to vector<1000x64xf32>
    %sub3A_29 = arith.subf %add3A_25, %sub3A : vector<1000x64xf32>
    %get3A_30 = arith.constant 0 : index
    %get3A_31 = arith.constant 0 : index
    %get3A_32 = vector.load %arg7[%get3A_30, %get3A_31] : memref<1x64xf32, #tpu.memory_space<vmem>>, vector<1x64xf32>
    %add3A_33 = arith.constant 9.99999974E-6 : f32
    %add3A_34 = vector.broadcast %add3A_33 : f32 to vector<1x64xf32>
    %add3A_35 = arith.addf %get3A_32, %add3A_34 : vector<1x64xf32>
    %rsqrt3A_36 = math.rsqrt %add3A_35 : vector<1x64xf32>
    %mul3A_37 = vector.broadcast %rsqrt3A_36 : vector<1x64xf32> to vector<1000x64xf32>
    %mul3A_38 = arith.mulf %sub3A_29, %mul3A_37 : vector<1000x64xf32>
    %get3A_39 = arith.constant 0 : index
    %get3A_40 = arith.constant 0 : index
    %get3A_41 = vector.load %arg4[%get3A_39, %get3A_40] : memref<1x64xf32, #tpu.memory_space<vmem>>, vector<1x64xf32>
    %mul3A_42 = vector.broadcast %get3A_41 : vector<1x64xf32> to vector<1000x64xf32>
    %mul3A_43 = arith.mulf %mul3A_38, %mul3A_42 : vector<1000x64xf32>
    %get3A_44 = arith.constant 0 : index
    %get3A_45 = arith.constant 0 : index
    %get3A_46 = vector.load %arg5[%get3A_44, %get3A_45] : memref<1x64xf32, #tpu.memory_space<vmem>>, vector<1x64xf32>
    %add3A_47 = vector.broadcast %get3A_46 : vector<1x64xf32> to vector<1000x64xf32>
    %add3A_48 = arith.addf %mul3A_43, %add3A_47 : vector<1000x64xf32>
    %max3A = arith.constant 0.000000e+00 : f32
    %max3A_49 = vector.broadcast %max3A : f32 to vector<1000x64xf32>
    %max3A_50 = arith.maximumf %add3A_48, %max3A_49 : vector<1000x64xf32>
    %get3A_51 = arith.constant 0 : index
    %get3A_52 = arith.constant 0 : index
    %get3A_53 = vector.load %arg8[%get3A_51, %get3A_52] : memref<64x64xf32, #tpu.memory_space<vmem>>, vector<64x64xf32>
    %dot_general3A = arith.constant dense<0.000000e+00> : vector<1000x64xf32>
    %dot_general3A_54 = tpu.matmul %max3A_50, %get3A_53, %dot_general3A {dimension_numbers = #tpu.dot_dimension_numbers<[1], [0], [0], [1], [0, 0, 1, 1], [], []>, precision = #tpu.contract_precision<fp32>, transpose_lhs_hint = false} : vector<1000x64xf32>, vector<64x64xf32>, vector<1000x64xf32> -> vector<1000x64xf32>
    %mul3A_55 = vector.broadcast %broadcast_in_dim3A : vector<1000x1xf32> to vector<1000x64xf32>
    %mul3A_56 = arith.mulf %dot_general3A_54, %mul3A_55 : vector<1000x64xf32>
    %swap3A = arith.constant 0 : index
    %swap3A_57 = arith.constant 0 : index
    %swap3A_58 = vector.load %arg9[%swap3A, %swap3A_57] : memref<1000x64xf32, #tpu.memory_space<vmem>>, vector<1000x64xf32>
    tpu.vector_store %arg9[%swap3A, %swap3A_57], %mul3A_56 {strides = array<i32>} : memref<1000x64xf32, #tpu.memory_space<vmem>>, vector<1000x64xf32>,
    return
  }
  func.func @transform_0(%arg0: i32) -> (i32, i32, i32) {
    %c0_i32 = arith.constant 0 : i32
    %c0_i32_0 = arith.constant 0 : i32
    %c0_i32_1 = arith.constant 0 : i32
    return %c0_i32, %arg0, %c0_i32_0 : i32, i32, i32
  }
  func.func @transform_1(%arg0: i32) -> (i32, i32, i32) {
    %c0_i32 = arith.constant 0 : i32
    %c0_i32_0 = arith.constant 0 : i32
    %c0_i32_1 = arith.constant 0 : i32
    return %c0_i32, %arg0, %c0_i32_0 : i32, i32, i32
  }
  func.func @transform_2(%arg0: i32) -> (i32, i32) {
    %c0_i32 = arith.constant 0 : i32
    %c0_i32_0 = arith.constant 0 : i32
    %c0_i32_1 = arith.constant 0 : i32
    return %c0_i32, %c0_i32_0 : i32, i32
  }
  func.func @transform_3(%arg0: i32) -> (i32, i32) {
    %c0_i32 = arith.constant 0 : i32
    %c0_i32_0 = arith.constant 0 : i32
    %c0_i32_1 = arith.constant 0 : i32
    return %c0_i32, %c0_i32_0 : i32, i32
  }
  func.func @transform_4(%arg0: i32) -> (i32, i32) {
    %c0_i32 = arith.constant 0 : i32
    %c0_i32_0 = arith.constant 0 : i32
    %c0_i32_1 = arith.constant 0 : i32
    return %c0_i32, %c0_i32_0 : i32, i32
  }
  func.func @transform_5(%arg0: i32) -> (i32, i32) {
    %c0_i32 = arith.constant 0 : i32
    %c0_i32_0 = arith.constant 0 : i32
    %c0_i32_1 = arith.constant 0 : i32
    return %c0_i32, %c0_i32_0 : i32, i32
  }
  func.func @transform_6(%arg0: i32) -> (i32, i32) {
    %c0_i32 = arith.constant 0 : i32
    %c0_i32_0 = arith.constant 0 : i32
    %c0_i32_1 = arith.constant 0 : i32
    return %c0_i32, %c0_i32_0 : i32, i32
  }
  func.func @transform_7(%arg0: i32) -> (i32, i32) {
    %c0_i32 = arith.constant 0 : i32
    %c0_i32_0 = arith.constant 0 : i32
    %c0_i32_1 = arith.constant 0 : i32
    return %c0_i32, %c0_i32_0 : i32, i32
  }
  func.func @transform_8(%arg0: i32) -> (i32, i32) {
    %c0_i32 = arith.constant 0 : i32
    %c0_i32_0 = arith.constant 0 : i32
    return %arg0, %c0_i32 : i32, i32
  }
}

module attributes {stable_mosaic.version = 14 : i64} {
  func.func @_fuse_body(%arg0: i32, %arg1: memref<2x1000x64xf32, #tpu.memory_space<vmem>>, %arg2: memref<2x1000x16xf32, #tpu.memory_space<vmem>>, %arg3: memref<1x64xf32, #tpu.memory_space<vmem>>, %arg4: memref<1x64xf32, #tpu.memory_space<vmem>>, %arg5: memref<1x64xf32, #tpu.memory_space<vmem>>, %arg6: memref<1x64xf32, #tpu.memory_space<vmem>>, %arg7: memref<1x64xf32, #tpu.memory_space<vmem>>, %arg8: memref<64x32xf32, #tpu.memory_space<vmem>>, %arg9: memref<1000x32xf32, #tpu.memory_space<vmem>>) attributes {dimension_semantics = [#tpu.dimension_semantics<arbitrary>], iteration_bounds = array<i64: 10>, scalar_prefetch = 0 : i64, scratch_operands = 0 : i64, tpu.core_type = #tpu.core_type<tc>, window_params = [{transform_indices = @transform_0, window_bounds = array<i64: 2, 1000, 64>}, {transform_indices = @transform_1, window_bounds = array<i64: 2, 1000, 16>}, {pipeline_mode = #tpu.pipeline_mode<synchronous>, transform_indices = @transform_2, window_bounds = array<i64: 1, 64>}, {pipeline_mode = #tpu.pipeline_mode<synchronous>, transform_indices = @transform_3, window_bounds = array<i64: 1, 64>}, {pipeline_mode = #tpu.pipeline_mode<synchronous>, transform_indices = @transform_4, window_bounds = array<i64: 1, 64>}, {pipeline_mode = #tpu.pipeline_mode<synchronous>, transform_indices = @transform_5, window_bounds = array<i64: 1, 64>}, {pipeline_mode = #tpu.pipeline_mode<synchronous>, transform_indices = @transform_6, window_bounds = array<i64: 1, 64>}, {pipeline_mode = #tpu.pipeline_mode<synchronous>, transform_indices = @transform_7, window_bounds = array<i64: 64, 32>}, {transform_indices = @transform_8, window_bounds = array<i64: 1000, 32>}]} {
    %get3A = arith.constant 0 : index
    %get3A_0 = arith.constant 0 : index
    %get3A_1 = arith.constant 0 : index
    %get3A_2 = vector.load %arg2[%get3A, %get3A_0, %get3A_1] : memref<2x1000x16xf32, #tpu.memory_space<vmem>>, vector<1x1000x1xf32>
    %get3A_3 = vector.shape_cast %get3A_2 : vector<1x1000x1xf32> to vector<1000xf32>
    %get3A_4 = arith.constant 1 : index
    %get3A_5 = arith.constant 0 : index
    %get3A_6 = arith.constant 0 : index
    %get3A_7 = vector.load %arg2[%get3A_4, %get3A_5, %get3A_6] : memref<2x1000x16xf32, #tpu.memory_space<vmem>>, vector<1x1000x1xf32>
    %get3A_8 = vector.shape_cast %get3A_7 : vector<1x1000x1xf32> to vector<1000xf32>
    %add3A = arith.addf %get3A_3, %get3A_8 : vector<1000xf32>
    %rsqrt3A = math.rsqrt %add3A : vector<1000xf32>
    %broadcast_in_dim3A = vector.shape_cast %rsqrt3A : vector<1000xf32> to vector<1000x1xf32>
    %get3A_9 = arith.constant 0 : index
    %get3A_10 = arith.constant 0 : index
    %get3A_11 = arith.constant 0 : index
    %get3A_12 = vector.load %arg1[%get3A_9, %get3A_10, %get3A_11] : memref<2x1000x64xf32, #tpu.memory_space<vmem>>, vector<1x1000x64xf32>
    %get3A_13 = vector.shape_cast %get3A_12 : vector<1x1000x64xf32> to vector<1000x64xf32>
    %get3A_14 = arith.constant 1 : index
    %get3A_15 = arith.constant 0 : index
    %get3A_16 = arith.constant 0 : index
    %get3A_17 = vector.load %arg1[%get3A_14, %get3A_15, %get3A_16] : memref<2x1000x64xf32, #tpu.memory_space<vmem>>, vector<1x1000x64xf32>
    %get3A_18 = vector.shape_cast %get3A_17 : vector<1x1000x64xf32> to vector<1000x64xf32>
    %add3A_19 = arith.addf %get3A_13, %get3A_18 : vector<1000x64xf32>
    %mul3A = vector.broadcast %broadcast_in_dim3A : vector<1000x1xf32> to vector<1000x64xf32>
    %mul3A_20 = arith.mulf %add3A_19, %mul3A : vector<1000x64xf32>
    %get3A_21 = arith.constant 0 : index
    %get3A_22 = arith.constant 0 : index
    %get3A_23 = vector.load %arg3[%get3A_21, %get3A_22] : memref<1x64xf32, #tpu.memory_space<vmem>>, vector<1x64xf32>
    %add3A_24 = vector.broadcast %get3A_23 : vector<1x64xf32> to vector<1000x64xf32>
    %add3A_25 = arith.addf %mul3A_20, %add3A_24 : vector<1000x64xf32>
    %get3A_26 = arith.constant 0 : index
    %get3A_27 = arith.constant 0 : index
    %get3A_28 = vector.load %arg6[%get3A_26, %get3A_27] : memref<1x64xf32, #tpu.memory_space<vmem>>, vector<1x64xf32>
    %sub3A = vector.broadcast %get3A_28 : vector<1x64xf32> to vector<1000x64xf32>
    %sub3A_29 = arith.subf %add3A_25, %sub3A : vector<1000x64xf32>
    %get3A_30 = arith.constant 0 : index
    %get3A_31 = arith.constant 0 : index
    %get3A_32 = vector.load %arg7[%get3A_30, %get3A_31] : memref<1x64xf32, #tpu.memory_space<vmem>>, vector<1x64xf32>
    %add3A_33 = arith.constant 9.99999974E-6 : f32
    %add3A_34 = vector.broadcast %add3A_33 : f32 to vector<1x64xf32>
    %add3A_35 = arith.addf %get3A_32, %add3A_34 : vector<1x64xf32>
    %rsqrt3A_36 = math.rsqrt %add3A_35 : vector<1x64xf32>
    %mul3A_37 = vector.broadcast %rsqrt3A_36 : vector<1x64xf32> to vector<1000x64xf32>
    %mul3A_38 = arith.mulf %sub3A_29, %mul3A_37 : vector<1000x64xf32>
    %get3A_39 = arith.constant 0 : index
    %get3A_40 = arith.constant 0 : index
    %get3A_41 = vector.load %arg4[%get3A_39, %get3A_40] : memref<1x64xf32, #tpu.memory_space<vmem>>, vector<1x64xf32>
    %mul3A_42 = vector.broadcast %get3A_41 : vector<1x64xf32> to vector<1000x64xf32>
    %mul3A_43 = arith.mulf %mul3A_38, %mul3A_42 : vector<1000x64xf32>
    %get3A_44 = arith.constant 0 : index
    %get3A_45 = arith.constant 0 : index
    %get3A_46 = vector.load %arg5[%get3A_44, %get3A_45] : memref<1x64xf32, #tpu.memory_space<vmem>>, vector<1x64xf32>
    %add3A_47 = vector.broadcast %get3A_46 : vector<1x64xf32> to vector<1000x64xf32>
    %add3A_48 = arith.addf %mul3A_43, %add3A_47 : vector<1000x64xf32>
    %max3A = arith.constant 0.000000e+00 : f32
    %max3A_49 = vector.broadcast %max3A : f32 to vector<1000x64xf32>
    %max3A_50 = arith.maximumf %add3A_48, %max3A_49 : vector<1000x64xf32>
    %get3A_51 = arith.constant 0 : index
    %get3A_52 = arith.constant 0 : index
    %get3A_53 = vector.load %arg8[%get3A_51, %get3A_52] : memref<64x32xf32, #tpu.memory_space<vmem>>, vector<64x32xf32>
    %dot_general3A = arith.constant dense<0.000000e+00> : vector<1000x32xf32>
    %dot_general3A_54 = tpu.matmul %max3A_50, %get3A_53, %dot_general3A {dimension_numbers = #tpu.dot_dimension_numbers<[1], [0], [0], [1], [0, 0, 1, 1], [], []>, precision = #tpu.contract_precision<fp32>, transpose_lhs_hint = false} : vector<1000x64xf32>, vector<64x32xf32>, vector<1000x32xf32> -> vector<1000x32xf32>
    %mul3A_55 = vector.broadcast %broadcast_in_dim3A : vector<1000x1xf32> to vector<1000x32xf32>
    %mul3A_56 = arith.mulf %dot_general3A_54, %mul3A_55 : vector<1000x32xf32>
    %swap3A = arith.constant 0 : index
    %swap3A_57 = arith.constant 0 : index
    %swap3A_58 = vector.load %arg9[%swap3A, %swap3A_57] : memref<1000x32xf32, #tpu.memory_space<vmem>>, vector<1000x32xf32>
    tpu.vector_store %arg9[%swap3A, %swap3A_57], %mul3A_56 {strides = array<i32>} : memref<1000x32xf32, #tpu.memory_space<vmem>>, vector<1000x32xf32>,
    return
  }
  func.func @transform_0(%arg0: i32) -> (i32, i32, i32) {
    %c0_i32 = arith.constant 0 : i32
    %c0_i32_0 = arith.constant 0 : i32
    %c0_i32_1 = arith.constant 0 : i32
    return %c0_i32, %arg0, %c0_i32_0 : i32, i32, i32
  }
  func.func @transform_1(%arg0: i32) -> (i32, i32, i32) {
    %c0_i32 = arith.constant 0 : i32
    %c0_i32_0 = arith.constant 0 : i32
    %c0_i32_1 = arith.constant 0 : i32
    return %c0_i32, %arg0, %c0_i32_0 : i32, i32, i32
  }
  func.func @transform_2(%arg0: i32) -> (i32, i32) {
    %c0_i32 = arith.constant 0 : i32
    %c0_i32_0 = arith.constant 0 : i32
    %c0_i32_1 = arith.constant 0 : i32
    return %c0_i32, %c0_i32_0 : i32, i32
  }
  func.func @transform_3(%arg0: i32) -> (i32, i32) {
    %c0_i32 = arith.constant 0 : i32
    %c0_i32_0 = arith.constant 0 : i32
    %c0_i32_1 = arith.constant 0 : i32
    return %c0_i32, %c0_i32_0 : i32, i32
  }
  func.func @transform_4(%arg0: i32) -> (i32, i32) {
    %c0_i32 = arith.constant 0 : i32
    %c0_i32_0 = arith.constant 0 : i32
    %c0_i32_1 = arith.constant 0 : i32
    return %c0_i32, %c0_i32_0 : i32, i32
  }
  func.func @transform_5(%arg0: i32) -> (i32, i32) {
    %c0_i32 = arith.constant 0 : i32
    %c0_i32_0 = arith.constant 0 : i32
    %c0_i32_1 = arith.constant 0 : i32
    return %c0_i32, %c0_i32_0 : i32, i32
  }
  func.func @transform_6(%arg0: i32) -> (i32, i32) {
    %c0_i32 = arith.constant 0 : i32
    %c0_i32_0 = arith.constant 0 : i32
    %c0_i32_1 = arith.constant 0 : i32
    return %c0_i32, %c0_i32_0 : i32, i32
  }
  func.func @transform_7(%arg0: i32) -> (i32, i32) {
    %c0_i32 = arith.constant 0 : i32
    %c0_i32_0 = arith.constant 0 : i32
    %c0_i32_1 = arith.constant 0 : i32
    return %c0_i32, %c0_i32_0 : i32, i32
  }
  func.func @transform_8(%arg0: i32) -> (i32, i32) {
    %c0_i32 = arith.constant 0 : i32
    %c0_i32_0 = arith.constant 0 : i32
    return %arg0, %c0_i32 : i32, i32
  }
}

module attributes {stable_mosaic.version = 14 : i64} {
  func.func @_final_body(%arg0: i32, %arg1: memref<2x1000x32xf32, #tpu.memory_space<vmem>>, %arg2: memref<2x1000x16xf32, #tpu.memory_space<vmem>>, %arg3: memref<1x32xf32, #tpu.memory_space<vmem>>, %arg4: memref<1000x32xf32, #tpu.memory_space<vmem>>) attributes {dimension_semantics = [#tpu.dimension_semantics<arbitrary>], iteration_bounds = array<i64: 10>, scalar_prefetch = 0 : i64, scratch_operands = 0 : i64, tpu.core_type = #tpu.core_type<tc>, window_params = [{transform_indices = @transform_0, window_bounds = array<i64: 2, 1000, 32>}, {transform_indices = @transform_1, window_bounds = array<i64: 2, 1000, 16>}, {pipeline_mode = #tpu.pipeline_mode<synchronous>, transform_indices = @transform_2, window_bounds = array<i64: 1, 32>}, {transform_indices = @transform_3, window_bounds = array<i64: 1000, 32>}]} {
    %get3A = arith.constant 0 : index
    %get3A_0 = arith.constant 0 : index
    %get3A_1 = arith.constant 0 : index
    %get3A_2 = vector.load %arg1[%get3A, %get3A_0, %get3A_1] : memref<2x1000x32xf32, #tpu.memory_space<vmem>>, vector<1x1000x32xf32>
    %get3A_3 = vector.shape_cast %get3A_2 : vector<1x1000x32xf32> to vector<1000x32xf32>
    %get3A_4 = arith.constant 1 : index
    %get3A_5 = arith.constant 0 : index
    %get3A_6 = arith.constant 0 : index
    %get3A_7 = vector.load %arg1[%get3A_4, %get3A_5, %get3A_6] : memref<2x1000x32xf32, #tpu.memory_space<vmem>>, vector<1x1000x32xf32>
    %get3A_8 = vector.shape_cast %get3A_7 : vector<1x1000x32xf32> to vector<1000x32xf32>
    %add3A = arith.addf %get3A_3, %get3A_8 : vector<1000x32xf32>
    %get3A_9 = arith.constant 0 : index
    %get3A_10 = arith.constant 0 : index
    %get3A_11 = arith.constant 0 : index
    %get3A_12 = vector.load %arg2[%get3A_9, %get3A_10, %get3A_11] : memref<2x1000x16xf32, #tpu.memory_space<vmem>>, vector<1x1000x1xf32>
    %get3A_13 = vector.shape_cast %get3A_12 : vector<1x1000x1xf32> to vector<1000xf32>
    %get3A_14 = arith.constant 1 : index
    %get3A_15 = arith.constant 0 : index
    %get3A_16 = arith.constant 0 : index
    %get3A_17 = vector.load %arg2[%get3A_14, %get3A_15, %get3A_16] : memref<2x1000x16xf32, #tpu.memory_space<vmem>>, vector<1x1000x1xf32>
    %get3A_18 = vector.shape_cast %get3A_17 : vector<1x1000x1xf32> to vector<1000xf32>
    %add3A_19 = arith.addf %get3A_13, %get3A_18 : vector<1000xf32>
    %rsqrt3A = math.rsqrt %add3A_19 : vector<1000xf32>
    %broadcast_in_dim3A = vector.shape_cast %rsqrt3A : vector<1000xf32> to vector<1000x1xf32>
    %mul3A = vector.broadcast %broadcast_in_dim3A : vector<1000x1xf32> to vector<1000x32xf32>
    %mul3A_20 = arith.mulf %add3A, %mul3A : vector<1000x32xf32>
    %get3A_21 = arith.constant 0 : index
    %get3A_22 = arith.constant 0 : index
    %get3A_23 = vector.load %arg3[%get3A_21, %get3A_22] : memref<1x32xf32, #tpu.memory_space<vmem>>, vector<1x32xf32>
    %add3A_24 = vector.broadcast %get3A_23 : vector<1x32xf32> to vector<1000x32xf32>
    %add3A_25 = arith.addf %mul3A_20, %add3A_24 : vector<1000x32xf32>
    %swap3A = arith.constant 0 : index
    %swap3A_26 = arith.constant 0 : index
    %swap3A_27 = vector.load %arg4[%swap3A, %swap3A_26] : memref<1000x32xf32, #tpu.memory_space<vmem>>, vector<1000x32xf32>
    tpu.vector_store %arg4[%swap3A, %swap3A_26], %add3A_25 {strides = array<i32>} : memref<1000x32xf32, #tpu.memory_space<vmem>>, vector<1000x32xf32>,
    return
  }
  func.func @transform_0(%arg0: i32) -> (i32, i32, i32) {
    %c0_i32 = arith.constant 0 : i32
    %c0_i32_0 = arith.constant 0 : i32
    %c0_i32_1 = arith.constant 0 : i32
    return %c0_i32, %arg0, %c0_i32_0 : i32, i32, i32
  }
  func.func @transform_1(%arg0: i32) -> (i32, i32, i32) {
    %c0_i32 = arith.constant 0 : i32
    %c0_i32_0 = arith.constant 0 : i32
    %c0_i32_1 = arith.constant 0 : i32
    return %c0_i32, %arg0, %c0_i32_0 : i32, i32, i32
  }
  func.func @transform_2(%arg0: i32) -> (i32, i32) {
    %c0_i32 = arith.constant 0 : i32
    %c0_i32_0 = arith.constant 0 : i32
    %c0_i32_1 = arith.constant 0 : i32
    return %c0_i32, %c0_i32_0 : i32, i32
  }
  func.func @transform_3(%arg0: i32) -> (i32, i32) {
    %c0_i32 = arith.constant 0 : i32
    %c0_i32_0 = arith.constant 0 : i32
    return %arg0, %c0_i32 : i32, i32
  }
}

</mosaic_0001>

<sc_bundles>
// kernel: kernel.10.cloned.1.call-start
scs
__scs_entry_jumppad:
0x0: {  	(pc) =	sbr.rel $0x88, $3  }
0x1: {  	(tag) =	ssettag $0x0;
	lr =	simm.s32 $0x1  }
0x2: {  	[smem:$0x3F91] =	sst lr;
	_ =	strace $0xD0000000  }
0x3: {  	_ = 	snop  }
0x4: {  	_ = 	snop  }
0x5: {  	_ = 	snop  }
0x6: {  	_ = 	snop  }
0x7: {  	_ = 	snop  }
__scs_overlays_trampoline_lowered:
0x8: {  	[smem:$0x3FA0] =	sst s0  }
0x9: {  	[smem:$0x3FA1] =	sst s1  }
0xa: {  	[smem:$0x3FA2] =	sst s2  }
0xb: {  	[smem:$0x3FA3] =	sst s3  }
0xc: {  	[smem:$0x3FA4] =	sst s4  }
0xd: {  	[smem:$0x3FA5] =	sst s5  }
0xe: {  	[smem:$0x3FA6] =	sst s6  }
0xf: {  	[smem:$0x3FA7] =	sst s7  }
0x10: {  	[smem:$0x3FA8] =	sst s8  }
0x11: {  	[smem:$0x3FA9] =	sst s9;
	s0 =	simm.s32 @!p0 $0x0  }
0x12: {  	s1 =	sld [smem:$0x3F8F];
	s0 =	simm.s32 @p0 $0x1  }
0x13: {  	[smem:$0x3FAA] =	sst s0;
	s0 =	simm.s32 @!p1 $0x0  }
0x14: {  	s2 =	sld [smem:$0x3F8E];
	s0 =	simm.s32 @p1 $0x1  }
0x15: {  	[smem:$0x3FAB] =	sst s0;
	s0 =	simm.s32 @!p2 $0x0  }
0x16: {  	s3 =	sld [smem:$0x3FDB];
	s0 =	simm.s32 @p2 $0x1  }
0x17: {  	s4 =	simm.s32 $0x1BF5;
	[smem:$0x3FAD] =	sst s0  }
0x18: {  	s0 =	sld [smem:$0x3F90];
	_ =	swait.ge [sflag:s4], $0x0  }
0x19: {  	s7 =	sld [smem:$0x3F91]  }
0x1a: {  	s8 =	sadd.s32 $0xFFFFE003, lr  }
0x1b: {  	s9 =	sadd.s32 $0xFFFFFEF7, lr;
	s5 =	simm.s32 $0xFFFFFFFF;
	p2 =	slt.u32 s8, $0xFFFFF086  }
0x1c: {  	p1 =	slt.u32 s9, $0xF7A;
	s5 =	simm.s32 @!p2 $0x0  }
0x1d: {  	s5 =	simm.s32 @p1 $0x1;
	p0 =	seq.s32 s7, s2  }
0x1e: {  	s7 =	smul.u32 @!p0 $0xF7A, s2;
	p2 =	seq.s32 @!p0 s5, $0x0  }
0x1f: {  	s9 =	smul.u32 $0xF7A, s1;
	s8 =	simm.s32 @!p0 $0x1BF5;
	p2 =	por !p2, p0  }
0x20: {  	[sflag:s8] =	ssyncset.s32 @!p0 $0xFFFFF086;
	s6 =	sadd.s32 @!p0 s3, s7;
	s7 =	simm.s32 @!p0 $0x108  }
0x21: {  	s3 =	sadd.s32 s3, s9;
	s6 =	sadd.s32 @!p0 $0x88, s6;
	s7 =	simm.s32 @p2 $0x1082  }
0x22: {  	[simem:s7], [sflag:s8] =	dma.local @!p0 [hbm:s6], $0xF7A  }
0x23: {  	s9 =	sor.u32 $0xD0000000, s2;
	s6 =	simm.s32 $0x108;
	_ =	swait.ge @!p0 [sflag:s8], $0x0  }
0x24: {  	s3 =	sadd.s32 $0x88, s3;
	s6 =	simm.s32 @!p1 $0x1082;
	[sflag:s4] =	ssyncset.s32 $0xFFFFF086  }
0x25: {  	[simem:s6], [sflag:s4] =	dma.local [hbm:s3], $0xF7A  }
0x26: {  	[smem:$0x3F91] =	sst s1;
	(tag) =	ssettag s2;
	_ =	strace s9  }
0x27: {  	s1 =	sld [smem:$0x3FA1]  }
0x28: {  	s2 =	sld [smem:$0x3FA2]  }
0x29: {  	s4 =	sld [smem:$0x3FA4]  }
0x2a: {  	p0 =	seq.s32 s5, $0x0;
	s5 =	sld [smem:$0x3FA5]  }
0x2b: {  	s6 =	sld [smem:$0x3FA6]  }
0x2c: {  	s7 =	sld [smem:$0x3FA7]  }
0x2d: {  	s3 =	simm.s32 $0x108;
	s8 =	sld [smem:$0x3FA8]  }
0x2e: {  	s3 =	simm.s32 @!p0 $0x1082;
	s9 =	sld [smem:$0x3FA9]  }
0x2f: {  	lr =	sadd.s32 s0, s3;
	s0 =	sld [smem:$0x3FA0]  }
0x30: {  	s3 =	sld [smem:$0x3FA3]  }
0x31: {  	[smem:$0x3FAC] =	sst s10  }
0x32: {  	s10 =	sld [smem:$0x3FAA];
	_ =	sdelay $0x3  }
0x33: {  	p0 =	seq.s32 s10, $0x1;
	s10 =	sld [smem:$0x3FAC];
	_ =	sdelay $0x3  }
0x34: {  	[smem:$0x3FAC] =	sst s10  }
0x35: {  	s10 =	sld [smem:$0x3FAB];
	_ =	sdelay $0x3  }
0x36: {  	p1 =	seq.s32 s10, $0x1;
	s10 =	sld [smem:$0x3FAC];
	_ =	sdelay $0x3  }
0x37: {  	[smem:$0x3FAC] =	sst s10  }
0x38: {  	s10 =	sld [smem:$0x3FAD]  }
0x39: {  	_ = 	snop;
	(pc) =	sbr.ind lr, $3  }
0x3a: {  	_ = 	snop  }
0x3b: {  	_ = 	snop  }
0x3c: {  	p2 =	seq.s32 s10, $0x1;
	s10 =	sld [smem:$0x3FAC]  }
0x3d: {  	_ =	shalt  }
0x3e: {  	_ =	shalt  }
0x3f: {  	_ =	shalt  }
0x40: {  	_ =	shalt  }
0x41: {  	_ =	shalt  }
0x42: {  	_ =	shalt  }
0x43: {  	_ =	shalt  }
0x44: {  	_ =	shalt  }
0x45: {  	_ =	shalt  }
0x46: {  	_ =	shalt  }
0x47: {  	_ =	shalt  }
0x48: {  	_ =	shalt  }
0x49: {  	_ =	shalt  }
0x4a: {  	_ =	shalt  }
0x4b: {  	_ =	shalt  }
0x4c: {  	_ =	shalt  }
0x4d: {  	_ =	shalt  }
0x4e: {  	_ =	shalt  }
0x4f: {  	_ =	shalt  }
0x50: {  	_ =	shalt  }
0x51: {  	_ =	shalt  }
0x52: {  	_ =	shalt  }
0x53: {  	_ =	shalt  }
0x54: {  	_ =	shalt  }
0x55: {  	_ =	shalt  }
0x56: {  	_ =	shalt  }
0x57: {  	_ =	shalt  }
0x58: {  	_ =	shalt  }
0x59: {  	_ =	shalt  }
0x5a: {  	_ =	shalt  }
0x5b: {  	_ =	shalt  }
0x5c: {  	_ =	shalt  }
0x5d: {  	_ =	shalt  }
0x5e: {  	_ =	shalt  }
0x5f: {  	_ =	shalt  }
0x60: {  	_ =	shalt  }
0x61: {  	_ =	shalt  }
0x62: {  	_ =	shalt  }
0x63: {  	_ =	shalt  }
0x64: {  	_ =	shalt  }
0x65: {  	_ =	shalt  }
0x66: {  	_ =	shalt  }
0x67: {  	_ =	shalt  }
0x68: {  	_ =	shalt  }
0x69: {  	_ =	shalt  }
0x6a: {  	_ =	shalt  }
0x6b: {  	_ =	shalt  }
0x6c: {  	_ =	shalt  }
0x6d: {  	_ =	shalt  }
0x6e: {  	_ =	shalt  }
0x6f: {  	_ =	shalt  }
0x70: {  	_ =	shalt  }
0x71: {  	_ =	shalt  }
0x72: {  	_ =	shalt  }
0x73: {  	_ =	shalt  }
0x74: {  	_ =	shalt  }
0x75: {  	_ =	shalt  }
0x76: {  	_ =	shalt  }
0x77: {  	_ =	shalt  }
0x78: {  	_ =	shalt  }
0x79: {  	_ =	shalt  }
0x7a: {  	_ =	shalt  }
0x7b: {  	_ =	shalt  }
0x7c: {  	_ =	shalt  }
0x7d: {  	_ =	shalt  }
0x7e: {  	_ =	shalt  }
0x7f: {  	_ =	shalt  }
0x80: {  	_ =	shalt  }
0x81: {  	_ =	shalt  }
0x82: {  	_ =	shalt  }
0x83: {  	_ =	shalt  }
0x84: {  	_ =	shalt  }
0x85: {  	_ =	shalt  }
0x86: {  	_ =	shalt  }
0x87: {  	_ =	shalt  }
.Lfunc_end0:
.L_simem_size_0:
called_computation_lowered:
.L_overlay_start_0:
0x88: {  	s2 =	sld [smem:$0x3FD9]  }
0x89: {  	s3 =	sld [smem:$0x3FFE];
	_ =	sdelay $0x1  }
0x8a: {  	s1 =	srdreg.scid  }
0x8b: {  	s0 =	sand.u32 $0x1, s1  }
0x8c: {  	s17 =	sshll.u32 s0, $0xA;
	s2 =	sadd.s32 s3, s2  }
0x8d: {  	s2 =	sadd.s32 s2, s17  }
0x8e: {  	[smem:$0x3FB8] =	sst s2  }
0x8f: {  	_ = 	snop  }
0x90: {  	s2 =	sld [smem:$0x3FD0];
	(tm) =	ssettm $0x1  }
0x91: {  	s18 =	sld [smem:$0x3FFB];
	_ =	sdelay $0x3  }
0x92: {  	_ =	strace s18  }
0x93: {  	s3 =	sld [smem:$0x3FFC];
	_ =	sdelay $0x3  }
0x94: {  	_ =	strace s3  }
0x95: {  	s3 =	sld [smem:$0x3FFD];
	_ =	sdelay $0x3  }
0x96: {  	_ =	strace s3  }
0x97: {  	_ =	strace $0x8FFFFFFF  }
0x98: {  	s19 =	sld [smem:$0x3FDB];
	_ =	sdelay $0x1  }
0x99: {  	s4 =	simm.s32 $_scs_section_size  }
0x9a: {  	s5 =	simm.s32 $_size__tile_overlayer_lowered;
	s6 =	simm.s32 $_tile_overlayer_lowered  }
0x9b: {  	s22 =	simm.s32 $0x1BFF;
	s21 =	sshll.u32 s6, $0x1;
	s3 =	sadd.s32 s4, s19  }
0x9c: {  	s7 =	simm.s32 $0x0;
	s20 =	sshll.u32 s5, $0x1;
	s5 =	sadd.s32 s21, s3  }
0x9d: {  	[timem:s7], [sflag:s22] =	dma.local [hbm:s5], s20  }
0x9e: {  	_ =	swait.ge [sflag:s22], s20  }
0x9f: {  	s4 =	ssub.s32 $0x0, s20;
	[sflag:s22] =	ssyncset.done $0x0  }
0xa0: {  	[sflag:s22] =	ssyncadd.s32 s4;
	_ =	sdelay $0x1  }
0xa1: {  	s23 =	simm.s32 $0x1B8B  }
0xa2: {  	_ =	swait.ge [sflag:s23], $0x1  }
0xa3: {  	[sflag:s23] =	ssyncset.done $0x0  }
0xa4: {  	s25 =	simm.s32 $0x1B8E;
	s24 =	sld [smem:$0x3FFE];
	[sflag:s23] =	ssyncadd.s32 $0xFFFFFFFF  }
0xa5: {  	s26 =	simm.s32 $execute0_lowered;
	[smem:$0x3FD2] =	sst s25  }
0xa6: {  	s5 =	sshll.u32 s26, $0x1;
	_ =	strace $0x80000046;
	[dreg:$0x1] =	wrdreg $0xFFFFFFFF  }
0xa7: {  	s28 =	simm.s32 $_size_execute0_lowered;
	s3 =	sadd.s32 s3, s5;
	[dreg:$0x0] =	wrdreg $0x0  }
0xa8: {  	s5 =	sshll.u32 s28, $0x1;
	[dreg:$0x2] =	wrdreg s3  }
0xa9: {  	[dreg:$0x3] =	wrdreg s5  }
0xaa: {  	[dreg:$0x4] =	wrdreg $0xC0  }
0xab: {  	_ =	task [dreg:s7], $0x5FFFF  }
0xac: {  	[dreg:$0x1] =	wrdreg $0xFFFFFFFF  }
0xad: {  	[dreg:$0x0] =	wrdreg $0x60  }
0xae: {  	[dreg:$0x2] =	wrdreg s24  }
0xaf: {  	[dreg:$0x3] =	wrdreg s2  }
0xb0: {  	[dreg:$0x4] =	wrdreg $0x42000  }
0xb1: {  	[dreg:$0x5] =	wrdreg $0x9  }
0xb2: {  	_ =	task.clear_ibuf [dreg:s7], $0x6FFFF;
	_ =	strace $0x90000046  }
0xb3: {  	s29 =	simm.s32 $0x9;
	_ =	strace $0x80000048  }
0xb4: {  	_ =	swait.ge [sflag:s29], $0x1  }
0xb5: {  	[sflag:s29] =	ssyncadd.s32 $0xFFFFFFFF  }
0xb6: {  	_ =	strace $0x90000048  }
0xb7: {  	_ =	sfence  }
0xb8: {  	s30 =	sld [smem:$0x0];
	_ =	sdelay $0x2  }
0xb9: {  	s31 =	sshll.u32 s1, $0xD;
	s1 =	sshrl.u32 s1, $0x2  }
0xba: {  	s3 =	sand.u32 $0x4000, s31;
	s1 =	sadd.s32 s1, s30  }
0xbb: {  	s0 =	sor.u32 s3, s0;
	s1 =	sshll.u32 s1, $0x11  }
0xbc: {  	s0 =	sor.u32 s1, s0  }
0xbd: {  	s0 =	sadd.s32 $0x8F2B, s0  }
0xbe: {  	[sflag:s0] =	ssyncadd.remote.s32 $0x1  }
0xbf: {  	_ =	sfence.sel $0xFFFF  }
0xc0: {  	[dreg:$0x0] =	wrdreg $0xFFFFFFFF;
	(pc) =	sbr.abs _section_cstart, $3  }
0xc1: {  	[dreg:$0x1] =	wrdreg $0xFFFFFFFF  }
0xc2: {  	_ =	task.clear_ibuf [dreg:s7], $0x2FFFF;
	_ =	strace $0x9FFFFFFF  }
0xc3: {  	(tm) =	ssettm $0x7FFFFFFF  }
tec
execute0_lowered:
.L_overlay_start_1:
0x0: {  	(tag) =	ssettag $0x1  }
0x1: {  	s1 =	rddreg [dreg:$0x0]  }
0x2: {  	s0 =	srdreg.scid;
	s2 =	rddreg [dreg:$0x1]  }
0x3: {  	s10 =	stileid.u32;
	s6 =	rddreg [dreg:$0x2];
	s8 =	simm.s32 $0x0  }
0x4: {  	s7 =	simm.s32 $0x2A00;
	s21 =	simm.s32 $0x300;
	s23 =	simm.s32 $0x480  }
0x5: {  	s24 =	simm.s32 $0x600;
	s25 =	simm.s32 $0x780;
	s9 =	simm.s32 $0x180  }
0x6: {  	s26 =	simm.s32 $0x900;
	s12 =	simm.s32 $0xC00;
	s13 =	simm.s32 $0xD80  }
0x7: {  	s14 =	simm.s32 $0xF00;
	s15 =	simm.s32 $0x1080;
	s16 =	simm.s32 $0x1200  }
0x8: {  	p0 =	por $0x0, $0x0;
	s28 =	simm.s32 $0x2280;
	[dreg:$0x5] =	wrdreg s2  }
0x9: {  	s29 =	simm.s32 $0x2400;
	[smem:$0x7FF] =	sst s8;
	s5 =	sadd.s32 $0xD600, s1  }
0xa: {  	s30 =	simm.s32 $0x2580;
	_ =	strace $0x80000047;
	[dreg:$0x4] =	wrdreg s5  }
0xb: {  	s31 =	simm.s32 $0x2700;
	s11 =	simm.s32 $0x2880;
	[dreg:$0x8] =	wrdreg s21  }
0xc: {  	s0 =	sand.u32 $0x1, s0;
	s18 =	smul.u32 $0x2800, s10;
	[dreg:$0x9] =	wrdreg s23  }
0xd: {  	s22 =	sshll.u32 s10, $0x6;
	s3 =	sshll.u32 s0, $0x4;
	[dreg:$0xa] =	wrdreg s24  }
0xe: {  	s4 =	smul.u32 $0x28000, s0;
	s0 =	ssub.s32 $0x2, s0;
	[dreg:$0xb] =	wrdreg s25  }
0xf: {  	[dreg:$0xc] =	wrdreg s26;
	s21 =	simm.s32 $0x1980;
	s23 =	simm.s32 $0x1C80  }
0x10: {  	s24 =	simm.s32 $0x1E00;
	s25 =	simm.s32 $0x1F80;
	s26 =	simm.s32 $0x2100  }
0x11: {  	s5 =	simm.s32 $0x1;
	s17 =	sor.u32 s10, s3;
	s19 =	sshrl.u32 s0, $0x1  }
0x12: {  	s20 =	sadd.s32 s18, s6;
	s3 =	sor.u32 $0x1C02, s22;
	s0 =	ssub.s32 s0, s19  }
0x13: {  	s22 =	simm.s32 $0x1B00;
	s2 =	smul.u32 $0x540, s17;
	s0 =	smax.u32 s0, $0x1  }
0x14: {  	s4 =	sadd.s32 s18, s4;
	s17 =	simm.s32 $0x1380;
	p1 =	sne.s32 s0, $0x1  }
.Ltmp0:
0x15: {  	s4 =	sshrl.u32 s4, $0x3;
	s2 =	sadd.s32 s2, s1;
	(pc) =	sbr.rel @!p1 .LBB2_1-.Ltmp0, $4  }
0x16: {  	s18 =	simm.s32 $0x1500;
	s1 =	sadd.s32 s4, s1;
	s2 =	sadd.s32 $0x2E00, s2  }
0x17: {  	s19 =	simm.s32 $0x1680;
	s1 =	sadd.s32 $0xDA00, s1;
	[dreg:$0x6] =	wrdreg s2  }
0x18: {  	s4 =	sshrl.u32 s20, $0x3;
	s20 =	simm.s32 $0x1800;
	[dreg:$0x7] =	wrdreg s1  }
0x19: {  	s2 =	simm.s32 $0x2;
	s1 =	sadd.s32 $0xFFFFFFFF, s0;
	s0 =	rddreg [dreg:$0x6]  }
0x1a: {  	[tilespmem:s8], [sflag:$0x2] =	stream.linear.gather [hbm4b:s0+s8], $0x2A00, $0x38;
	[tilespmem:$0x6A00] =	vst v63  }
0x1b: {  	_ =	swait.ge [sflag:s2], $0x2A00  }
0x1c: {  	[sflag:s2] =	ssyncset.done $0x0  }
0x1d: {  	s10 =	rddreg [dreg:$0x4];
	[sflag:s2] =	ssyncadd.s32 $0xFFFFD600  }
0x1e: {  	[tilespmem:s7], [sflag:$0x2] =	stream.linear.gather [hbm4b:s10+s8], $0x1800, $0x38;
	[tilespmem:$0x6A00] =	vst v63  }
0x1f: {  	_ =	swait.ge [sflag:s2], $0x1800  }
0x20: {  	[sflag:s2] =	ssyncset.done $0x0  }
0x21: {  	s10 =	rddreg [dreg:$0x5];
	[sflag:s2] =	ssyncadd.s32 $0xFFFFE800  }
0x22: {  	[spmem:s4], [sflag:s3] =	dma.local [hbm:s10], $0x500  }
0x23: {  	_ =	swait.ge [sflag:s2], $0x500  }
0x24: {  	[sflag:s2] =	ssyncset.done $0x0  }
0x25: {  	[sflag:s2] =	ssyncadd.s32 $0xFFFFFB00  }
0x26: {  	[bflag:$0x0] =	sbarrier.arrive $0xFFFF  }
0x27: {  	[spmem:s6] =	stream.indirect.scatter.add.f32 [tilespmem:s7], [sflag:$0x1], $0x10, s8, s9, $0xb8;
	[tilespmem:$0x6A00] =	vst v63  }
0x28: {  	_ = 	snop  }
0x29: {  	[spmem:s6] =	stream.indirect.scatter.add.f32 [tilespmem:s7], [sflag:$0x1], $0x10, s9, s9, $0xb8;
	[tilespmem:$0x6A00] =	vst v63  }
0x2a: {  	s0 =	rddreg [dreg:$0x8]  }
0x2b: {  	[spmem:s6] =	stream.indirect.scatter.add.f32 [tilespmem:s7], [sflag:$0x1], $0x10, s0, s9, $0xb8;
	[tilespmem:$0x6A00] =	vst v63  }
0x2c: {  	s10 =	smov.u32 s1;
	s1 =	rddreg [dreg:$0x9]  }
0x2d: {  	[spmem:s6] =	stream.indirect.scatter.add.f32 [tilespmem:s7], [sflag:$0x1], $0x10, s1, s9, $0xb8;
	[tilespmem:$0x6A00] =	vst v63  }
0x2e: {  	s0 =	rddreg [dreg:$0xa]  }
0x2f: {  	[spmem:s6] =	stream.indirect.scatter.add.f32 [tilespmem:s7], [sflag:$0x1], $0x10, s0, s9, $0xb8;
	[tilespmem:$0x6A00] =	vst v63  }
0x30: {  	s1 =	rddreg [dreg:$0xb]  }
0x31: {  	[spmem:s6] =	stream.indirect.scatter.add.f32 [tilespmem:s7], [sflag:$0x1], $0x10, s1, s9, $0xb8;
	[tilespmem:$0x6A00] =	vst v63  }
0x32: {  	s0 =	rddreg [dreg:$0xc]  }
0x33: {  	[spmem:s6] =	stream.indirect.scatter.add.f32 [tilespmem:s7], [sflag:$0x1], $0x10, s0, s9, $0xb8;
	[tilespmem:$0x6A00] =	vst v63  }
0x34: {  	s1 =	simm.s32 $0xA80  }
0x35: {  	[spmem:s6] =	stream.indirect.scatter.add.f32 [tilespmem:s7], [sflag:$0x1], $0x10, s1, s9, $0xb8;
	[tilespmem:$0x6A00] =	vst v63  }
0x36: {  	_ = 	snop  }
0x37: {  	[spmem:s6] =	stream.indirect.scatter.add.f32 [tilespmem:s7], [sflag:$0x1], $0x10, s12, s9, $0xb8;
	[tilespmem:$0x6A00] =	vst v63  }
0x38: {  	_ = 	snop  }
0x39: {  	[spmem:s6] =	stream.indirect.scatter.add.f32 [tilespmem:s7], [sflag:$0x1], $0x10, s13, s9, $0xb8;
	[tilespmem:$0x6A00] =	vst v63  }
0x3a: {  	_ = 	snop  }
0x3b: {  	[spmem:s6] =	stream.indirect.scatter.add.f32 [tilespmem:s7], [sflag:$0x1], $0x10, s14, s9, $0xb8;
	[tilespmem:$0x6A00] =	vst v63  }
0x3c: {  	_ = 	snop  }
0x3d: {  	[spmem:s6] =	stream.indirect.scatter.add.f32 [tilespmem:s7], [sflag:$0x1], $0x10, s15, s9, $0xb8;
	[tilespmem:$0x6A00] =	vst v63  }
0x3e: {  	_ = 	snop  }
0x3f: {  	[spmem:s6] =	stream.indirect.scatter.add.f32 [tilespmem:s7], [sflag:$0x1], $0x10, s16, s9, $0xb8;
	[tilespmem:$0x6A00] =	vst v63  }
0x40: {  	_ = 	snop  }
0x41: {  	[spmem:s6] =	stream.indirect.scatter.add.f32 [tilespmem:s7], [sflag:$0x1], $0x10, s17, s9, $0xb8;
	[tilespmem:$0x6A00] =	vst v63  }
0x42: {  	_ = 	snop  }
0x43: {  	[spmem:s6] =	stream.indirect.scatter.add.f32 [tilespmem:s7], [sflag:$0x1], $0x10, s18, s9, $0xb8;
	[tilespmem:$0x6A00] =	vst v63  }
0x44: {  	_ = 	snop  }
0x45: {  	[spmem:s6] =	stream.indirect.scatter.add.f32 [tilespmem:s7], [sflag:$0x1], $0x10, s19, s9, $0xb8;
	[tilespmem:$0x6A00] =	vst v63  }
0x46: {  	_ = 	snop  }
0x47: {  	[spmem:s6] =	stream.indirect.scatter.add.f32 [tilespmem:s7], [sflag:$0x1], $0x10, s20, s9, $0xb8;
	[tilespmem:$0x6A00] =	vst v63  }
0x48: {  	_ = 	snop  }
0x49: {  	[spmem:s6] =	stream.indirect.scatter.add.f32 [tilespmem:s7], [sflag:$0x1], $0x10, s21, s9, $0xb8;
	[tilespmem:$0x6A00] =	vst v63  }
0x4a: {  	_ = 	snop  }
0x4b: {  	[spmem:s6] =	stream.indirect.scatter.add.f32 [tilespmem:s7], [sflag:$0x1], $0x10, s22, s9, $0xb8;
	[tilespmem:$0x6A00] =	vst v63  }
0x4c: {  	_ = 	snop  }
0x4d: {  	[spmem:s6] =	stream.indirect.scatter.add.f32 [tilespmem:s7], [sflag:$0x1], $0x10, s23, s9, $0xb8;
	[tilespmem:$0x6A00] =	vst v63  }
0x4e: {  	_ = 	snop  }
0x4f: {  	[spmem:s6] =	stream.indirect.scatter.add.f32 [tilespmem:s7], [sflag:$0x1], $0x10, s24, s9, $0xb8;
	[tilespmem:$0x6A00] =	vst v63  }
0x50: {  	_ = 	snop  }
0x51: {  	[spmem:s6] =	stream.indirect.scatter.add.f32 [tilespmem:s7], [sflag:$0x1], $0x10, s25, s9, $0xb8;
	[tilespmem:$0x6A00] =	vst v63  }
0x52: {  	_ = 	snop  }
0x53: {  	[spmem:s6] =	stream.indirect.scatter.add.f32 [tilespmem:s7], [sflag:$0x1], $0x10, s26, s9, $0xb8;
	[tilespmem:$0x6A00] =	vst v63  }
0x54: {  	_ = 	snop  }
0x55: {  	[spmem:s6] =	stream.indirect.scatter.add.f32 [tilespmem:s7], [sflag:$0x1], $0x10, s28, s9, $0xb8;
	[tilespmem:$0x6A00] =	vst v63  }
0x56: {  	_ = 	snop  }
0x57: {  	[spmem:s6] =	stream.indirect.scatter.add.f32 [tilespmem:s7], [sflag:$0x1], $0x10, s29, s9, $0xb8;
	[tilespmem:$0x6A00] =	vst v63  }
0x58: {  	_ = 	snop  }
0x59: {  	[spmem:s6] =	stream.indirect.scatter.add.f32 [tilespmem:s7], [sflag:$0x1], $0x10, s30, s9, $0xb8;
	[tilespmem:$0x6A00] =	vst v63  }
0x5a: {  	_ = 	snop  }
0x5b: {  	[spmem:s6] =	stream.indirect.scatter.add.f32 [tilespmem:s7], [sflag:$0x1], $0x10, s31, s9, $0xb8;
	[tilespmem:$0x6A00] =	vst v63  }
0x5c: {  	_ = 	snop  }
0x5d: {  	[spmem:s6] =	stream.indirect.scatter.add.f32 [tilespmem:s7], [sflag:$0x1], $0x10, s11, s9, $0xb8;
	[tilespmem:$0x6A00] =	vst v63  }
0x5e: {  	_ =	swait.ge [sflag:s5], $0x1800  }
0x5f: {  	[sflag:s5] =	ssyncset.done $0x0  }
0x60: {  	[sflag:s5] =	ssyncadd.s32 $0xFFFFE800  }
0x61: {  	_ =	swait.ge [sflag:s5], $0x1800  }
0x62: {  	[sflag:s5] =	ssyncset.done $0x0  }
0x63: {  	[sflag:s5] =	ssyncadd.s32 $0xFFFFE800  }
0x64: {  	_ =	swait.ge [sflag:s5], $0x1800  }
0x65: {  	[sflag:s5] =	ssyncset.done $0x0  }
0x66: {  	[sflag:s5] =	ssyncadd.s32 $0xFFFFE800  }
0x67: {  	_ =	swait.ge [sflag:s5], $0x1800  }
0x68: {  	[sflag:s5] =	ssyncset.done $0x0  }
0x69: {  	[sflag:s5] =	ssyncadd.s32 $0xFFFFE800  }
0x6a: {  	_ =	swait.ge [sflag:s5], $0x1800  }
0x6b: {  	[sflag:s5] =	ssyncset.done $0x0  }
0x6c: {  	[sflag:s5] =	ssyncadd.s32 $0xFFFFE800  }
0x6d: {  	_ =	swait.ge [sflag:s5], $0x1800  }
0x6e: {  	[sflag:s5] =	ssyncset.done $0x0  }
0x6f: {  	[sflag:s5] =	ssyncadd.s32 $0xFFFFE800  }
0x70: {  	_ =	swait.ge [sflag:s5], $0x1800  }
0x71: {  	[sflag:s5] =	ssyncset.done $0x0  }
0x72: {  	[sflag:s5] =	ssyncadd.s32 $0xFFFFE800  }
0x73: {  	_ =	swait.ge [sflag:s5], $0x1800  }
0x74: {  	[sflag:s5] =	ssyncset.done $0x0  }
0x75: {  	[sflag:s5] =	ssyncadd.s32 $0xFFFFE800  }
0x76: {  	_ =	swait.ge [sflag:s5], $0x1800  }
0x77: {  	[sflag:s5] =	ssyncset.done $0x0  }
0x78: {  	[sflag:s5] =	ssyncadd.s32 $0xFFFFE800  }
0x79: {  	_ =	swait.ge [sflag:s5], $0x1800  }
0x7a: {  	[sflag:s5] =	ssyncset.done $0x0  }
0x7b: {  	[sflag:s5] =	ssyncadd.s32 $0xFFFFE800  }
0x7c: {  	_ =	swait.ge [sflag:s5], $0x1800  }
0x7d: {  	[sflag:s5] =	ssyncset.done $0x0  }
0x7e: {  	[sflag:s5] =	ssyncadd.s32 $0xFFFFE800  }
0x7f: {  	_ =	swait.ge [sflag:s5], $0x1800  }
0x80: {  	[sflag:s5] =	ssyncset.done $0x0  }
0x81: {  	[sflag:s5] =	ssyncadd.s32 $0xFFFFE800  }
0x82: {  	_ =	swait.ge [sflag:s5], $0x1800  }
0x83: {  	[sflag:s5] =	ssyncset.done $0x0  }
0x84: {  	[sflag:s5] =	ssyncadd.s32 $0xFFFFE800  }
0x85: {  	_ =	swait.ge [sflag:s5], $0x1800  }
0x86: {  	[sflag:s5] =	ssyncset.done $0x0  }
0x87: {  	[sflag:s5] =	ssyncadd.s32 $0xFFFFE800  }
0x88: {  	_ =	swait.ge [sflag:s5], $0x1800  }
0x89: {  	[sflag:s5] =	ssyncset.done $0x0  }
0x8a: {  	[sflag:s5] =	ssyncadd.s32 $0xFFFFE800  }
0x8b: {  	_ =	swait.ge [sflag:s5], $0x1800  }
0x8c: {  	[sflag:s5] =	ssyncset.done $0x0  }
0x8d: {  	[sflag:s5] =	ssyncadd.s32 $0xFFFFE800  }
0x8e: {  	_ =	swait.ge [sflag:s5], $0x1800  }
0x8f: {  	[sflag:s5] =	ssyncset.done $0x0  }
0x90: {  	[sflag:s5] =	ssyncadd.s32 $0xFFFFE800  }
0x91: {  	_ =	swait.ge [sflag:s5], $0x1800  }
0x92: {  	[sflag:s5] =	ssyncset.done $0x0  }
0x93: {  	[sflag:s5] =	ssyncadd.s32 $0xFFFFE800  }
0x94: {  	_ =	swait.ge [sflag:s5], $0x1800  }
0x95: {  	[sflag:s5] =	ssyncset.done $0x0  }
0x96: {  	[sflag:s5] =	ssyncadd.s32 $0xFFFFE800  }
0x97: {  	_ =	swait.ge [sflag:s5], $0x1800  }
0x98: {  	[sflag:s5] =	ssyncset.done $0x0  }
0x99: {  	[sflag:s5] =	ssyncadd.s32 $0xFFFFE800  }
0x9a: {  	_ =	swait.ge [sflag:s5], $0x1800  }
0x9b: {  	[sflag:s5] =	ssyncset.done $0x0  }
0x9c: {  	[sflag:s5] =	ssyncadd.s32 $0xFFFFE800  }
0x9d: {  	_ =	swait.ge [sflag:s5], $0x1800  }
0x9e: {  	[sflag:s5] =	ssyncset.done $0x0  }
0x9f: {  	[sflag:s5] =	ssyncadd.s32 $0xFFFFE800  }
0xa0: {  	_ =	swait.ge [sflag:s5], $0x1800  }
0xa1: {  	[sflag:s5] =	ssyncset.done $0x0  }
0xa2: {  	[sflag:s5] =	ssyncadd.s32 $0xFFFFE800  }
0xa3: {  	_ =	swait.ge [sflag:s5], $0x1800  }
0xa4: {  	[sflag:s5] =	ssyncset.done $0x0  }
0xa5: {  	[sflag:s5] =	ssyncadd.s32 $0xFFFFE800  }
0xa6: {  	_ =	swait.ge [sflag:s5], $0x1800  }
0xa7: {  	[sflag:s5] =	ssyncset.done $0x0  }
0xa8: {  	[sflag:s5] =	ssyncadd.s32 $0xFFFFE800  }
0xa9: {  	_ =	swait.ge [sflag:s5], $0x1800  }
0xaa: {  	[sflag:s5] =	ssyncset.done $0x0  }
0xab: {  	[sflag:s5] =	ssyncadd.s32 $0xFFFFE800  }
0xac: {  	_ =	swait.ge [sflag:s5], $0x1800  }
0xad: {  	[sflag:s5] =	ssyncset.done $0x0  }
0xae: {  	[sflag:s5] =	ssyncadd.s32 $0xFFFFE800  }
0xaf: {  	_ =	swait.ge [sflag:s5], $0x1800  }
0xb0: {  	[sflag:s5] =	ssyncset.done $0x0  }
0xb1: {  	p1 =	sne.s32 s10, $0x1;
	[sflag:s5] =	ssyncadd.s32 $0xFFFFE800  }
.Ltmp1:
0xb2: {  	[bflag:$0x0] =	sbarrier.arrive $0xFFFF;
	(pc) =	sbr.rel @!p1 .LBB2_3-.Ltmp1, $4  }
0xb3: {  	s1 =	rddreg [dreg:$0x7]  }
0xb4: {  	[hbm:s1], [sflag:s3] =	dma.local [spmem:s4], $0x500  }
0xb5: {  	p0 =	por $0x1, $0x1;
	_ =	swait.ge [sflag:s2], $0x500  }
0xb6: {  	s1 =	sadd.s32 $0xFFFFFFFF, s10;
	s0 =	rddreg [dreg:$0x6];
	[sflag:s2] =	ssyncset.done $0x0  }
.LBB2_4:
0xb7: {  	[sflag:s2] =	ssyncadd.s32 $0xFFFFFB00  }
0xb8: {  	[tilespmem:s8], [sflag:$0x2] =	stream.linear.gather [hbm4b:s0+s8], $0x2A00, $0x38;
	[tilespmem:$0x6A00] =	vst v63  }
0xb9: {  	_ =	swait.ge [sflag:s2], $0x2A00  }
0xba: {  	[sflag:s2] =	ssyncset.done $0x0  }
0xbb: {  	s10 =	rddreg [dreg:$0x4];
	[sflag:s2] =	ssyncadd.s32 $0xFFFFD600  }
0xbc: {  	[tilespmem:s7], [sflag:$0x2] =	stream.linear.gather [hbm4b:s10+s8], $0x1800, $0x38;
	[tilespmem:$0x6A00] =	vst v63  }
0xbd: {  	_ =	swait.ge [sflag:s2], $0x1800  }
0xbe: {  	[sflag:s2] =	ssyncset.done $0x0  }
0xbf: {  	s10 =	rddreg [dreg:$0x5];
	[sflag:s2] =	ssyncadd.s32 $0xFFFFE800  }
0xc0: {  	[spmem:s4], [sflag:s3] =	dma.local [hbm:s10], $0x500  }
0xc1: {  	_ =	swait.ge [sflag:s2], $0x500  }
0xc2: {  	[sflag:s2] =	ssyncset.done $0x0  }
0xc3: {  	[sflag:s2] =	ssyncadd.s32 $0xFFFFFB00  }
0xc4: {  	[bflag:$0x0] =	sbarrier.arrive $0xFFFF  }
0xc5: {  	[spmem:s6] =	stream.indirect.scatter.add.f32 [tilespmem:s7], [sflag:$0x1], $0x10, s8, s9, $0xb8;
	[tilespmem:$0x6A00] =	vst v63  }
0xc6: {  	_ = 	snop  }
0xc7: {  	[spmem:s6] =	stream.indirect.scatter.add.f32 [tilespmem:s7], [sflag:$0x1], $0x10, s9, s9, $0xb8;
	[tilespmem:$0x6A00] =	vst v63  }
0xc8: {  	s0 =	rddreg [dreg:$0x8]  }
0xc9: {  	[spmem:s6] =	stream.indirect.scatter.add.f32 [tilespmem:s7], [sflag:$0x1], $0x10, s0, s9, $0xb8;
	[tilespmem:$0x6A00] =	vst v63  }
0xca: {  	s10 =	rddreg [dreg:$0x9]  }
0xcb: {  	[spmem:s6] =	stream.indirect.scatter.add.f32 [tilespmem:s7], [sflag:$0x1], $0x10, s10, s9, $0xb8;
	[tilespmem:$0x6A00] =	vst v63  }
0xcc: {  	s0 =	rddreg [dreg:$0xa]  }
0xcd: {  	[spmem:s6] =	stream.indirect.scatter.add.f32 [tilespmem:s7], [sflag:$0x1], $0x10, s0, s9, $0xb8;
	[tilespmem:$0x6A00] =	vst v63  }
0xce: {  	s10 =	rddreg [dreg:$0xb]  }
0xcf: {  	[spmem:s6] =	stream.indirect.scatter.add.f32 [tilespmem:s7], [sflag:$0x1], $0x10, s10, s9, $0xb8;
	[tilespmem:$0x6A00] =	vst v63  }
0xd0: {  	s0 =	rddreg [dreg:$0xc]  }
0xd1: {  	[spmem:s6] =	stream.indirect.scatter.add.f32 [tilespmem:s7], [sflag:$0x1], $0x10, s0, s9, $0xb8;
	[tilespmem:$0x6A00] =	vst v63  }
0xd2: {  	s10 =	simm.s32 $0xA80  }
0xd3: {  	[spmem:s6] =	stream.indirect.scatter.add.f32 [tilespmem:s7], [sflag:$0x1], $0x10, s10, s9, $0xb8;
	[tilespmem:$0x6A00] =	vst v63  }
0xd4: {  	_ = 	snop  }
0xd5: {  	[spmem:s6] =	stream.indirect.scatter.add.f32 [tilespmem:s7], [sflag:$0x1], $0x10, s12, s9, $0xb8;
	[tilespmem:$0x6A00] =	vst v63  }
0xd6: {  	_ = 	snop  }
0xd7: {  	[spmem:s6] =	stream.indirect.scatter.add.f32 [tilespmem:s7], [sflag:$0x1], $0x10, s13, s9, $0xb8;
	[tilespmem:$0x6A00] =	vst v63  }
0xd8: {  	_ = 	snop  }
0xd9: {  	[spmem:s6] =	stream.indirect.scatter.add.f32 [tilespmem:s7], [sflag:$0x1], $0x10, s14, s9, $0xb8;
	[tilespmem:$0x6A00] =	vst v63  }
0xda: {  	_ = 	snop  }
0xdb: {  	[spmem:s6] =	stream.indirect.scatter.add.f32 [tilespmem:s7], [sflag:$0x1], $0x10, s15, s9, $0xb8;
	[tilespmem:$0x6A00] =	vst v63  }
0xdc: {  	_ = 	snop  }
0xdd: {  	[spmem:s6] =	stream.indirect.scatter.add.f32 [tilespmem:s7], [sflag:$0x1], $0x10, s16, s9, $0xb8;
	[tilespmem:$0x6A00] =	vst v63  }
0xde: {  	_ = 	snop  }
0xdf: {  	[spmem:s6] =	stream.indirect.scatter.add.f32 [tilespmem:s7], [sflag:$0x1], $0x10, s17, s9, $0xb8;
	[tilespmem:$0x6A00] =	vst v63  }
0xe0: {  	_ = 	snop  }
0xe1: {  	[spmem:s6] =	stream.indirect.scatter.add.f32 [tilespmem:s7], [sflag:$0x1], $0x10, s18, s9, $0xb8;
	[tilespmem:$0x6A00] =	vst v63  }
0xe2: {  	_ = 	snop  }
0xe3: {  	[spmem:s6] =	stream.indirect.scatter.add.f32 [tilespmem:s7], [sflag:$0x1], $0x10, s19, s9, $0xb8;
	[tilespmem:$0x6A00] =	vst v63  }
0xe4: {  	_ = 	snop  }
0xe5: {  	[spmem:s6] =	stream.indirect.scatter.add.f32 [tilespmem:s7], [sflag:$0x1], $0x10, s20, s9, $0xb8;
	[tilespmem:$0x6A00] =	vst v63  }
0xe6: {  	_ = 	snop  }
0xe7: {  	[spmem:s6] =	stream.indirect.scatter.add.f32 [tilespmem:s7], [sflag:$0x1], $0x10, s21, s9, $0xb8;
	[tilespmem:$0x6A00] =	vst v63  }
0xe8: {  	_ = 	snop  }
0xe9: {  	[spmem:s6] =	stream.indirect.scatter.add.f32 [tilespmem:s7], [sflag:$0x1], $0x10, s22, s9, $0xb8;
	[tilespmem:$0x6A00] =	vst v63  }
0xea: {  	_ = 	snop  }
0xeb: {  	[spmem:s6] =	stream.indirect.scatter.add.f32 [tilespmem:s7], [sflag:$0x1], $0x10, s23, s9, $0xb8;
	[tilespmem:$0x6A00] =	vst v63  }
0xec: {  	_ = 	snop  }
0xed: {  	[spmem:s6] =	stream.indirect.scatter.add.f32 [tilespmem:s7], [sflag:$0x1], $0x10, s24, s9, $0xb8;
	[tilespmem:$0x6A00] =	vst v63  }
0xee: {  	_ = 	snop  }
0xef: {  	[spmem:s6] =	stream.indirect.scatter.add.f32 [tilespmem:s7], [sflag:$0x1], $0x10, s25, s9, $0xb8;
	[tilespmem:$0x6A00] =	vst v63  }
0xf0: {  	_ = 	snop  }
0xf1: {  	[spmem:s6] =	stream.indirect.scatter.add.f32 [tilespmem:s7], [sflag:$0x1], $0x10, s26, s9, $0xb8;
	[tilespmem:$0x6A00] =	vst v63  }
0xf2: {  	_ = 	snop  }
0xf3: {  	[spmem:s6] =	stream.indirect.scatter.add.f32 [tilespmem:s7], [sflag:$0x1], $0x10, s28, s9, $0xb8;
	[tilespmem:$0x6A00] =	vst v63  }
0xf4: {  	_ = 	snop  }
0xf5: {  	[spmem:s6] =	stream.indirect.scatter.add.f32 [tilespmem:s7], [sflag:$0x1], $0x10, s29, s9, $0xb8;
	[tilespmem:$0x6A00] =	vst v63  }
0xf6: {  	_ = 	snop  }
0xf7: {  	[spmem:s6] =	stream.indirect.scatter.add.f32 [tilespmem:s7], [sflag:$0x1], $0x10, s30, s9, $0xb8;
	[tilespmem:$0x6A00] =	vst v63  }
0xf8: {  	_ = 	snop  }
0xf9: {  	[spmem:s6] =	stream.indirect.scatter.add.f32 [tilespmem:s7], [sflag:$0x1], $0x10, s31, s9, $0xb8;
	[tilespmem:$0x6A00] =	vst v63  }
0xfa: {  	_ = 	snop  }
0xfb: {  	[spmem:s6] =	stream.indirect.scatter.add.f32 [tilespmem:s7], [sflag:$0x1], $0x10, s11, s9, $0xb8;
	[tilespmem:$0x6A00] =	vst v63  }
0xfc: {  	_ =	swait.ge [sflag:s5], $0x1800  }
0xfd: {  	[sflag:s5] =	ssyncset.done $0x0  }
0xfe: {  	[sflag:s5] =	ssyncadd.s32 $0xFFFFE800  }
0xff: {  	_ =	swait.ge [sflag:s5], $0x1800  }
0x100: {  	[sflag:s5] =	ssyncset.done $0x0  }
0x101: {  	[sflag:s5] =	ssyncadd.s32 $0xFFFFE800  }
0x102: {  	_ =	swait.ge [sflag:s5], $0x1800  }
0x103: {  	[sflag:s5] =	ssyncset.done $0x0  }
0x104: {  	[sflag:s5] =	ssyncadd.s32 $0xFFFFE800  }
0x105: {  	_ =	swait.ge [sflag:s5], $0x1800  }
0x106: {  	[sflag:s5] =	ssyncset.done $0x0  }
0x107: {  	[sflag:s5] =	ssyncadd.s32 $0xFFFFE800  }
0x108: {  	_ =	swait.ge [sflag:s5], $0x1800  }
0x109: {  	[sflag:s5] =	ssyncset.done $0x0  }
0x10a: {  	[sflag:s5] =	ssyncadd.s32 $0xFFFFE800  }
0x10b: {  	_ =	swait.ge [sflag:s5], $0x1800  }
0x10c: {  	[sflag:s5] =	ssyncset.done $0x0  }
0x10d: {  	[sflag:s5] =	ssyncadd.s32 $0xFFFFE800  }
0x10e: {  	_ =	swait.ge [sflag:s5], $0x1800  }
0x10f: {  	[sflag:s5] =	ssyncset.done $0x0  }
0x110: {  	[sflag:s5] =	ssyncadd.s32 $0xFFFFE800  }
0x111: {  	_ =	swait.ge [sflag:s5], $0x1800  }
0x112: {  	[sflag:s5] =	ssyncset.done $0x0  }
0x113: {  	[sflag:s5] =	ssyncadd.s32 $0xFFFFE800  }
0x114: {  	_ =	swait.ge [sflag:s5], $0x1800  }
0x115: {  	[sflag:s5] =	ssyncset.done $0x0  }
0x116: {  	[sflag:s5] =	ssyncadd.s32 $0xFFFFE800  }
0x117: {  	_ =	swait.ge [sflag:s5], $0x1800  }
0x118: {  	[sflag:s5] =	ssyncset.done $0x0  }
0x119: {  	[sflag:s5] =	ssyncadd.s32 $0xFFFFE800  }
0x11a: {  	_ =	swait.ge [sflag:s5], $0x1800  }
0x11b: {  	[sflag:s5] =	ssyncset.done $0x0  }
0x11c: {  	[sflag:s5] =	ssyncadd.s32 $0xFFFFE800  }
0x11d: {  	_ =	swait.ge [sflag:s5], $0x1800  }
0x11e: {  	[sflag:s5] =	ssyncset.done $0x0  }
0x11f: {  	[sflag:s5] =	ssyncadd.s32 $0xFFFFE800  }
0x120: {  	_ =	swait.ge [sflag:s5], $0x1800  }
0x121: {  	[sflag:s5] =	ssyncset.done $0x0  }
0x122: {  	[sflag:s5] =	ssyncadd.s32 $0xFFFFE800  }
0x123: {  	_ =	swait.ge [sflag:s5], $0x1800  }
0x124: {  	[sflag:s5] =	ssyncset.done $0x0  }
0x125: {  	[sflag:s5] =	ssyncadd.s32 $0xFFFFE800  }
0x126: {  	_ =	swait.ge [sflag:s5], $0x1800  }
0x127: {  	[sflag:s5] =	ssyncset.done $0x0  }
0x128: {  	[sflag:s5] =	ssyncadd.s32 $0xFFFFE800  }
0x129: {  	_ =	swait.ge [sflag:s5], $0x1800  }
0x12a: {  	[sflag:s5] =	ssyncset.done $0x0  }
0x12b: {  	[sflag:s5] =	ssyncadd.s32 $0xFFFFE800  }
0x12c: {  	_ =	swait.ge [sflag:s5], $0x1800  }
0x12d: {  	[sflag:s5] =	ssyncset.done $0x0  }
0x12e: {  	[sflag:s5] =	ssyncadd.s32 $0xFFFFE800  }
0x12f: {  	_ =	swait.ge [sflag:s5], $0x1800  }
0x130: {  	[sflag:s5] =	ssyncset.done $0x0  }
0x131: {  	[sflag:s5] =	ssyncadd.s32 $0xFFFFE800  }
0x132: {  	_ =	swait.ge [sflag:s5], $0x1800  }
0x133: {  	[sflag:s5] =	ssyncset.done $0x0  }
0x134: {  	[sflag:s5] =	ssyncadd.s32 $0xFFFFE800  }
0x135: {  	_ =	swait.ge [sflag:s5], $0x1800  }
0x136: {  	[sflag:s5] =	ssyncset.done $0x0  }
0x137: {  	[sflag:s5] =	ssyncadd.s32 $0xFFFFE800  }
0x138: {  	_ =	swait.ge [sflag:s5], $0x1800  }
0x139: {  	[sflag:s5] =	ssyncset.done $0x0  }
0x13a: {  	[sflag:s5] =	ssyncadd.s32 $0xFFFFE800  }
0x13b: {  	_ =	swait.ge [sflag:s5], $0x1800  }
0x13c: {  	[sflag:s5] =	ssyncset.done $0x0  }
0x13d: {  	[sflag:s5] =	ssyncadd.s32 $0xFFFFE800  }
0x13e: {  	_ =	swait.ge [sflag:s5], $0x1800  }
0x13f: {  	[sflag:s5] =	ssyncset.done $0x0  }
0x140: {  	[sflag:s5] =	ssyncadd.s32 $0xFFFFE800  }
0x141: {  	_ =	swait.ge [sflag:s5], $0x1800  }
0x142: {  	[sflag:s5] =	ssyncset.done $0x0  }
0x143: {  	[sflag:s5] =	ssyncadd.s32 $0xFFFFE800  }
0x144: {  	_ =	swait.ge [sflag:s5], $0x1800  }
0x145: {  	[sflag:s5] =	ssyncset.done $0x0  }
0x146: {  	[sflag:s5] =	ssyncadd.s32 $0xFFFFE800  }
0x147: {  	_ =	swait.ge [sflag:s5], $0x1800  }
0x148: {  	[sflag:s5] =	ssyncset.done $0x0  }
0x149: {  	[sflag:s5] =	ssyncadd.s32 $0xFFFFE800  }
0x14a: {  	_ =	swait.ge [sflag:s5], $0x1800  }
0x14b: {  	[sflag:s5] =	ssyncset.done $0x0  }
0x14c: {  	[sflag:s5] =	ssyncadd.s32 $0xFFFFE800  }
0x14d: {  	_ =	swait.ge [sflag:s5], $0x1800  }
0x14e: {  	[sflag:s5] =	ssyncset.done $0x0  }
0x14f: {  	p1 =	sne.s32 s1, $0x1;
	[sflag:s5] =	ssyncadd.s32 $0xFFFFE800  }
.Ltmp2:
0x150: {  	[bflag:$0x0] =	sbarrier.arrive $0xFFFF;
	(pc) =	sbr.rel @p1 .LBB2_4-.Ltmp2, $4  }
0x151: {  	s10 =	rddreg [dreg:$0x7]  }
0x152: {  	[hbm:s10], [sflag:s3] =	dma.local [spmem:s4], $0x500  }
0x153: {  	_ =	swait.ge [sflag:s2], $0x500  }
0x154: {  	s1 =	sadd.s32 $0xFFFFFFFF, s1;
	s0 =	rddreg [dreg:$0x6];
	[sflag:s2] =	ssyncset.done $0x0  }
0x155: {  	s31 =	simm.s32 $0x2700;
	s30 =	simm.s32 $0x2580;
	s29 =	simm.s32 $0x2400  }
0x156: {  	s28 =	simm.s32 $0x2280;
	s26 =	simm.s32 $0x2100;
	s25 =	simm.s32 $0x1F80  }
0x157: {  	s24 =	simm.s32 $0x1E00;
	s23 =	simm.s32 $0x1C80;
	s22 =	simm.s32 $0x1B00  }
0x158: {  	s21 =	simm.s32 $0x1980;
	s20 =	simm.s32 $0x1800;
	s19 =	simm.s32 $0x1680  }
0x159: {  	s18 =	simm.s32 $0x1500;
	s17 =	simm.s32 $0x1380;
	s16 =	simm.s32 $0x1200  }
0x15a: {  	s15 =	simm.s32 $0x1080;
	s14 =	simm.s32 $0xF00;
	s13 =	simm.s32 $0xD80  }
0x15b: {  	s12 =	simm.s32 $0xC00;
	s11 =	simm.s32 $0xA80;
	s10 =	stileid.u32  }
.LBB2_6:
0x15c: {  	[sflag:s2] =	ssyncadd.s32 @p0 $0xFFFFFB00  }
0x15d: {  	[tilespmem:s8], [sflag:$0x2] =	stream.linear.gather [hbm4b:s0+s8], $0x2A00, $0x38;
	[tilespmem:$0x6A00] =	vst v63  }
0x15e: {  	_ =	swait.ge [sflag:s2], $0x2A00  }
0x15f: {  	[sflag:s2] =	ssyncset.done $0x0  }
0x160: {  	s1 =	rddreg [dreg:$0x4];
	[sflag:s2] =	ssyncadd.s32 $0xFFFFD600  }
0x161: {  	[tilespmem:s7], [sflag:$0x2] =	stream.linear.gather [hbm4b:s1+s8], $0x1800, $0x38;
	[tilespmem:$0x6A00] =	vst v63  }
0x162: {  	_ =	swait.ge [sflag:s2], $0x1800  }
0x163: {  	[sflag:s2] =	ssyncset.done $0x0  }
0x164: {  	s1 =	rddreg [dreg:$0x5];
	[sflag:s2] =	ssyncadd.s32 $0xFFFFE800  }
0x165: {  	[spmem:s4], [sflag:s3] =	dma.local [hbm:s1], $0x500  }
0x166: {  	_ =	swait.ge [sflag:s2], $0x500  }
0x167: {  	[sflag:s2] =	ssyncset.done $0x0  }
0x168: {  	[sflag:s2] =	ssyncadd.s32 $0xFFFFFB00  }
0x169: {  	[bflag:$0x0] =	sbarrier.arrive $0xFFFF  }
0x16a: {  	[spmem:s6] =	stream.indirect.scatter.add.f32 [tilespmem:s7], [sflag:$0x1], $0x10, s8, s9, $0xb8;
	[tilespmem:$0x6A00] =	vst v63  }
0x16b: {  	_ = 	snop  }
0x16c: {  	[spmem:s6] =	stream.indirect.scatter.add.f32 [tilespmem:s7], [sflag:$0x1], $0x10, s9, s9, $0xb8;
	[tilespmem:$0x6A00] =	vst v63  }
0x16d: {  	s8 =	rddreg [dreg:$0x8]  }
0x16e: {  	[spmem:s6] =	stream.indirect.scatter.add.f32 [tilespmem:s7], [sflag:$0x1], $0x10, s8, s9, $0xb8;
	[tilespmem:$0x6A00] =	vst v63  }
0x16f: {  	s1 =	rddreg [dreg:$0x9]  }
0x170: {  	[spmem:s6] =	stream.indirect.scatter.add.f32 [tilespmem:s7], [sflag:$0x1], $0x10, s1, s9, $0xb8;
	[tilespmem:$0x6A00] =	vst v63  }
0x171: {  	s8 =	rddreg [dreg:$0xa]  }
0x172: {  	[spmem:s6] =	stream.indirect.scatter.add.f32 [tilespmem:s7], [sflag:$0x1], $0x10, s8, s9, $0xb8;
	[tilespmem:$0x6A00] =	vst v63  }
0x173: {  	s1 =	rddreg [dreg:$0xb]  }
0x174: {  	[spmem:s6] =	stream.indirect.scatter.add.f32 [tilespmem:s7], [sflag:$0x1], $0x10, s1, s9, $0xb8;
	[tilespmem:$0x6A00] =	vst v63  }
0x175: {  	s8 =	rddreg [dreg:$0xc]  }
0x176: {  	[spmem:s6] =	stream.indirect.scatter.add.f32 [tilespmem:s7], [sflag:$0x1], $0x10, s8, s9, $0xb8;
	[tilespmem:$0x6A00] =	vst v63  }
0x177: {  	_ = 	snop  }
0x178: {  	[spmem:s6] =	stream.indirect.scatter.add.f32 [tilespmem:s7], [sflag:$0x1], $0x10, s11, s9, $0xb8;
	[tilespmem:$0x6A00] =	vst v63  }
0x179: {  	_ = 	snop  }
0x17a: {  	[spmem:s6] =	stream.indirect.scatter.add.f32 [tilespmem:s7], [sflag:$0x1], $0x10, s12, s9, $0xb8;
	[tilespmem:$0x6A00] =	vst v63  }
0x17b: {  	_ = 	snop  }
0x17c: {  	[spmem:s6] =	stream.indirect.scatter.add.f32 [tilespmem:s7], [sflag:$0x1], $0x10, s13, s9, $0xb8;
	[tilespmem:$0x6A00] =	vst v63  }
0x17d: {  	_ = 	snop  }
0x17e: {  	[spmem:s6] =	stream.indirect.scatter.add.f32 [tilespmem:s7], [sflag:$0x1], $0x10, s14, s9, $0xb8;
	[tilespmem:$0x6A00] =	vst v63  }
0x17f: {  	_ = 	snop  }
0x180: {  	[spmem:s6] =	stream.indirect.scatter.add.f32 [tilespmem:s7], [sflag:$0x1], $0x10, s15, s9, $0xb8;
	[tilespmem:$0x6A00] =	vst v63  }
0x181: {  	_ = 	snop  }
0x182: {  	[spmem:s6] =	stream.indirect.scatter.add.f32 [tilespmem:s7], [sflag:$0x1], $0x10, s16, s9, $0xb8;
	[tilespmem:$0x6A00] =	vst v63  }
0x183: {  	_ = 	snop  }
0x184: {  	[spmem:s6] =	stream.indirect.scatter.add.f32 [tilespmem:s7], [sflag:$0x1], $0x10, s17, s9, $0xb8;
	[tilespmem:$0x6A00] =	vst v63  }
0x185: {  	_ = 	snop  }
0x186: {  	[spmem:s6] =	stream.indirect.scatter.add.f32 [tilespmem:s7], [sflag:$0x1], $0x10, s18, s9, $0xb8;
	[tilespmem:$0x6A00] =	vst v63  }
0x187: {  	_ = 	snop  }
0x188: {  	[spmem:s6] =	stream.indirect.scatter.add.f32 [tilespmem:s7], [sflag:$0x1], $0x10, s19, s9, $0xb8;
	[tilespmem:$0x6A00] =	vst v63  }
0x189: {  	_ = 	snop  }
0x18a: {  	[spmem:s6] =	stream.indirect.scatter.add.f32 [tilespmem:s7], [sflag:$0x1], $0x10, s20, s9, $0xb8;
	[tilespmem:$0x6A00] =	vst v63  }
0x18b: {  	_ = 	snop  }
0x18c: {  	[spmem:s6] =	stream.indirect.scatter.add.f32 [tilespmem:s7], [sflag:$0x1], $0x10, s21, s9, $0xb8;
	[tilespmem:$0x6A00] =	vst v63  }
0x18d: {  	_ = 	snop  }
0x18e: {  	[spmem:s6] =	stream.indirect.scatter.add.f32 [tilespmem:s7], [sflag:$0x1], $0x10, s22, s9, $0xb8;
	[tilespmem:$0x6A00] =	vst v63  }
0x18f: {  	_ = 	snop  }
0x190: {  	[spmem:s6] =	stream.indirect.scatter.add.f32 [tilespmem:s7], [sflag:$0x1], $0x10, s23, s9, $0xb8;
	[tilespmem:$0x6A00] =	vst v63  }
0x191: {  	_ = 	snop  }
0x192: {  	[spmem:s6] =	stream.indirect.scatter.add.f32 [tilespmem:s7], [sflag:$0x1], $0x10, s24, s9, $0xb8;
	[tilespmem:$0x6A00] =	vst v63  }
0x193: {  	_ = 	snop  }
0x194: {  	[spmem:s6] =	stream.indirect.scatter.add.f32 [tilespmem:s7], [sflag:$0x1], $0x10, s25, s9, $0xb8;
	[tilespmem:$0x6A00] =	vst v63  }
0x195: {  	_ = 	snop  }
0x196: {  	[spmem:s6] =	stream.indirect.scatter.add.f32 [tilespmem:s7], [sflag:$0x1], $0x10, s26, s9, $0xb8;
	[tilespmem:$0x6A00] =	vst v63  }
0x197: {  	_ = 	snop  }
0x198: {  	[spmem:s6] =	stream.indirect.scatter.add.f32 [tilespmem:s7], [sflag:$0x1], $0x10, s28, s9, $0xb8;
	[tilespmem:$0x6A00] =	vst v63  }
0x199: {  	_ = 	snop  }
0x19a: {  	[spmem:s6] =	stream.indirect.scatter.add.f32 [tilespmem:s7], [sflag:$0x1], $0x10, s29, s9, $0xb8;
	[tilespmem:$0x6A00] =	vst v63  }
0x19b: {  	_ = 	snop  }
0x19c: {  	[spmem:s6] =	stream.indirect.scatter.add.f32 [tilespmem:s7], [sflag:$0x1], $0x10, s30, s9, $0xb8;
	[tilespmem:$0x6A00] =	vst v63  }
0x19d: {  	_ = 	snop  }
0x19e: {  	[spmem:s6] =	stream.indirect.scatter.add.f32 [tilespmem:s7], [sflag:$0x1], $0x10, s31, s9, $0xb8;
	[tilespmem:$0x6A00] =	vst v63  }
0x19f: {  	s30 =	simm.s32 $0x2880  }
0x1a0: {  	[spmem:s6] =	stream.indirect.scatter.add.f32 [tilespmem:s7], [sflag:$0x1], $0x10, s30, s9, $0xb8;
	[tilespmem:$0x6A00] =	vst v63  }
0x1a1: {  	_ =	swait.ge [sflag:s5], $0x1800  }
0x1a2: {  	[sflag:s5] =	ssyncset.done $0x0  }
0x1a3: {  	[sflag:s5] =	ssyncadd.s32 $0xFFFFE800  }
0x1a4: {  	_ =	swait.ge [sflag:s5], $0x1800  }
0x1a5: {  	[sflag:s5] =	ssyncset.done $0x0  }
0x1a6: {  	[sflag:s5] =	ssyncadd.s32 $0xFFFFE800  }
0x1a7: {  	_ =	swait.ge [sflag:s5], $0x1800  }
0x1a8: {  	[sflag:s5] =	ssyncset.done $0x0  }
0x1a9: {  	[sflag:s5] =	ssyncadd.s32 $0xFFFFE800  }
0x1aa: {  	_ =	swait.ge [sflag:s5], $0x1800  }
0x1ab: {  	[sflag:s5] =	ssyncset.done $0x0  }
0x1ac: {  	[sflag:s5] =	ssyncadd.s32 $0xFFFFE800  }
0x1ad: {  	_ =	swait.ge [sflag:s5], $0x1800  }
0x1ae: {  	[sflag:s5] =	ssyncset.done $0x0  }
0x1af: {  	[sflag:s5] =	ssyncadd.s32 $0xFFFFE800  }
0x1b0: {  	_ =	swait.ge [sflag:s5], $0x1800  }
0x1b1: {  	[sflag:s5] =	ssyncset.done $0x0  }
0x1b2: {  	[sflag:s5] =	ssyncadd.s32 $0xFFFFE800  }
0x1b3: {  	_ =	swait.ge [sflag:s5], $0x1800  }
0x1b4: {  	[sflag:s5] =	ssyncset.done $0x0  }
0x1b5: {  	[sflag:s5] =	ssyncadd.s32 $0xFFFFE800  }
0x1b6: {  	_ =	swait.ge [sflag:s5], $0x1800  }
0x1b7: {  	[sflag:s5] =	ssyncset.done $0x0  }
0x1b8: {  	[sflag:s5] =	ssyncadd.s32 $0xFFFFE800  }
0x1b9: {  	_ =	swait.ge [sflag:s5], $0x1800  }
0x1ba: {  	[sflag:s5] =	ssyncset.done $0x0  }
0x1bb: {  	[sflag:s5] =	ssyncadd.s32 $0xFFFFE800  }
0x1bc: {  	_ =	swait.ge [sflag:s5], $0x1800  }
0x1bd: {  	[sflag:s5] =	ssyncset.done $0x0  }
0x1be: {  	[sflag:s5] =	ssyncadd.s32 $0xFFFFE800  }
0x1bf: {  	_ =	swait.ge [sflag:s5], $0x1800  }
0x1c0: {  	[sflag:s5] =	ssyncset.done $0x0  }
0x1c1: {  	[sflag:s5] =	ssyncadd.s32 $0xFFFFE800  }
0x1c2: {  	_ =	swait.ge [sflag:s5], $0x1800  }
0x1c3: {  	[sflag:s5] =	ssyncset.done $0x0  }
0x1c4: {  	[sflag:s5] =	ssyncadd.s32 $0xFFFFE800  }
0x1c5: {  	_ =	swait.ge [sflag:s5], $0x1800  }
0x1c6: {  	[sflag:s5] =	ssyncset.done $0x0  }
0x1c7: {  	[sflag:s5] =	ssyncadd.s32 $0xFFFFE800  }
0x1c8: {  	_ =	swait.ge [sflag:s5], $0x1800  }
0x1c9: {  	[sflag:s5] =	ssyncset.done $0x0  }
0x1ca: {  	[sflag:s5] =	ssyncadd.s32 $0xFFFFE800  }
0x1cb: {  	_ =	swait.ge [sflag:s5], $0x1800  }
0x1cc: {  	[sflag:s5] =	ssyncset.done $0x0  }
0x1cd: {  	[sflag:s5] =	ssyncadd.s32 $0xFFFFE800  }
0x1ce: {  	_ =	swait.ge [sflag:s5], $0x1800  }
0x1cf: {  	[sflag:s5] =	ssyncset.done $0x0  }
0x1d0: {  	[sflag:s5] =	ssyncadd.s32 $0xFFFFE800  }
0x1d1: {  	_ =	swait.ge [sflag:s5], $0x1800  }
0x1d2: {  	[sflag:s5] =	ssyncset.done $0x0  }
0x1d3: {  	[sflag:s5] =	ssyncadd.s32 $0xFFFFE800  }
0x1d4: {  	_ =	swait.ge [sflag:s5], $0x1800  }
0x1d5: {  	[sflag:s5] =	ssyncset.done $0x0  }
0x1d6: {  	[sflag:s5] =	ssyncadd.s32 $0xFFFFE800  }
0x1d7: {  	_ =	swait.ge [sflag:s5], $0x1800  }
0x1d8: {  	[sflag:s5] =	ssyncset.done $0x0  }
0x1d9: {  	[sflag:s5] =	ssyncadd.s32 $0xFFFFE800  }
0x1da: {  	_ =	swait.ge [sflag:s5], $0x1800  }
0x1db: {  	[sflag:s5] =	ssyncset.done $0x0  }
0x1dc: {  	[sflag:s5] =	ssyncadd.s32 $0xFFFFE800  }
0x1dd: {  	_ =	swait.ge [sflag:s5], $0x1800  }
0x1de: {  	[sflag:s5] =	ssyncset.done $0x0  }
0x1df: {  	[sflag:s5] =	ssyncadd.s32 $0xFFFFE800  }
0x1e0: {  	_ =	swait.ge [sflag:s5], $0x1800  }
0x1e1: {  	[sflag:s5] =	ssyncset.done $0x0  }
0x1e2: {  	[sflag:s5] =	ssyncadd.s32 $0xFFFFE800  }
0x1e3: {  	_ =	swait.ge [sflag:s5], $0x1800  }
0x1e4: {  	[sflag:s5] =	ssyncset.done $0x0  }
0x1e5: {  	[sflag:s5] =	ssyncadd.s32 $0xFFFFE800  }
0x1e6: {  	_ =	swait.ge [sflag:s5], $0x1800  }
0x1e7: {  	[sflag:s5] =	ssyncset.done $0x0  }
0x1e8: {  	[sflag:s5] =	ssyncadd.s32 $0xFFFFE800  }
0x1e9: {  	_ =	swait.ge [sflag:s5], $0x1800  }
0x1ea: {  	[sflag:s5] =	ssyncset.done $0x0  }
0x1eb: {  	[sflag:s5] =	ssyncadd.s32 $0xFFFFE800  }
0x1ec: {  	_ =	swait.ge [sflag:s5], $0x1800  }
0x1ed: {  	[sflag:s5] =	ssyncset.done $0x0  }
0x1ee: {  	[sflag:s5] =	ssyncadd.s32 $0xFFFFE800  }
0x1ef: {  	_ =	swait.ge [sflag:s5], $0x1800  }
0x1f0: {  	[sflag:s5] =	ssyncset.done $0x0  }
0x1f1: {  	[sflag:s5] =	ssyncadd.s32 $0xFFFFE800  }
0x1f2: {  	_ =	swait.ge [sflag:s5], $0x1800  }
0x1f3: {  	[sflag:s5] =	ssyncset.done $0x0  }
0x1f4: {  	[sflag:s5] =	ssyncadd.s32 $0xFFFFE800  }
0x1f5: {  	[bflag:$0x0] =	sbarrier.arrive $0xFFFF  }
0x1f6: {  	s31 =	rddreg [dreg:$0x7]  }
0x1f7: {  	[hbm:s31], [sflag:s3] =	dma.local [spmem:s4], $0x500  }
0x1f8: {  	_ =	swait.ge [sflag:s2], $0x500  }
0x1f9: {  	[sflag:s2] =	ssyncset.done $0x0  }
0x1fa: {  	[sflag:s2] =	ssyncadd.s32 $0xFFFFFB00  }
0x1fb: {  	_ =	sfence.sel $0x180000  }
0x1fc: {  	[bflag:$0x0] =	sbarrier.arrive $0xFFFF  }
0x1fd: {  	_ =	strace $0x90000047  }
0x1fe: {  	[bflag:$0x2] =	sbarrier.arrive $0xFFFF  }
0x1ff: {  	p0 =	sne.s32 s10, $0x0;
	s0 =	rddreg [dreg:$0x3]  }
0x200: {  	s0 =	sadd.s32 @!p0 $0x100000, s0  }
0x201: {  	[sflag:s0] =	ssyncadd.tile.s32 @!p0 $0x1;
	_ =	shalt  }
.LBB2_1:
0x202: {  	s31 =	simm.s32 $0x2700;
	s30 =	simm.s32 $0x2580;
	s29 =	simm.s32 $0x2400  }
0x203: {  	s28 =	simm.s32 $0x2280;
	s26 =	simm.s32 $0x2100;
	s25 =	simm.s32 $0x1F80  }
.Ltmp3:
0x204: {  	s24 =	simm.s32 $0x1E00;
	s23 =	simm.s32 $0x1C80;
	(pc) =	sbr.rel .LBB2_6-.Ltmp3, $4  }
0x205: {  	s22 =	simm.s32 $0x1B00;
	s21 =	simm.s32 $0x1980;
	s20 =	simm.s32 $0x1800  }
0x206: {  	s19 =	simm.s32 $0x1680;
	s18 =	simm.s32 $0x1500;
	s17 =	simm.s32 $0x1380  }
0x207: {  	s16 =	simm.s32 $0x1200;
	s15 =	simm.s32 $0x1080;
	s14 =	simm.s32 $0xF00  }
0x208: {  	s13 =	simm.s32 $0xD80;
	s12 =	simm.s32 $0xC00;
	s11 =	simm.s32 $0xA80  }
.LBB2_3:
0x209: {  	s31 =	simm.s32 $0x2700  }
0x20a: {  	s30 =	simm.s32 $0x2580;
	s29 =	simm.s32 $0x2400;
	s28 =	simm.s32 $0x2280  }
0x20b: {  	s26 =	simm.s32 $0x2100;
	s25 =	simm.s32 $0x1F80;
	s24 =	simm.s32 $0x1E00  }
.Ltmp4:
0x20c: {  	s23 =	simm.s32 $0x1C80;
	s22 =	simm.s32 $0x1B00;
	(pc) =	sbr.rel .LBB2_6-.Ltmp4, $4  }
0x20d: {  	s21 =	simm.s32 $0x1980;
	s20 =	simm.s32 $0x1800;
	s19 =	simm.s32 $0x1680  }
0x20e: {  	s18 =	simm.s32 $0x1500;
	s17 =	simm.s32 $0x1380;
	s16 =	simm.s32 $0x1200  }
0x20f: {  	s15 =	simm.s32 $0x1080;
	s14 =	simm.s32 $0xF00;
	s13 =	simm.s32 $0xD80  }
0x210: {  	s12 =	simm.s32 $0xC00;
	s11 =	simm.s32 $0xA80;
	s10 =	stileid.u32  }
.Lfunc_end2:
_tile_overlayer_lowered:
.L_overlay_start_2:
0x211: {  	(tag) =	ssettag $0x2  }
0x212: {  	s0 =	rddreg [dreg:$0x0];
	s2 =	stileid.u32  }
0x213: {  	s1 =	rddreg [dreg:$0x1];
	p0 =	sne.s32 s2, $0x0  }
0x214: {  	s3 =	rddreg [dreg:$0x2];
	[bflag:$0x3] =	sbarrier.arrive $0xFFFF;
	s2 =	simm.s32 @!p0 $0x1C02  }
0x215: {  	[timem:s3], [sflag:s2] =	dma.local @!p0 [hbm:s0], s1  }
0x216: {  	s0 =	simm.s32 @!p0 $0x2  }
0x217: {  	_ =	swait.ge @!p0 [sflag:s0], s1  }
0x218: {  	s1 =	ssub.s32 @!p0 $0x0, s1;
	[sflag:s0] =	ssyncset.done @!p0 $0x0  }
0x219: {  	[sflag:s0] =	ssyncadd.s32 @!p0 s1  }
0x21a: {  	[bflag:$0x3] =	sbarrier.arrive $0xFFFF  }
0x21b: {  	_ =	shalt  }

// kernel: kernel.13.cloned.1.call-start
scs
__scs_entry_jumppad:
0x0: {  	(pc) =	sbr.rel $0x88, $3  }
0x1: {  	(tag) =	ssettag $0x0;
	lr =	simm.s32 $0x1  }
0x2: {  	[smem:$0x3F91] =	sst lr;
	_ =	strace $0xD0000000  }
0x3: {  	_ = 	snop  }
0x4: {  	_ = 	snop  }
0x5: {  	_ = 	snop  }
0x6: {  	_ = 	snop  }
0x7: {  	_ = 	snop  }
__scs_overlays_trampoline_lowered:
0x8: {  	[smem:$0x3FA0] =	sst s0  }
0x9: {  	[smem:$0x3FA1] =	sst s1  }
0xa: {  	[smem:$0x3FA2] =	sst s2  }
0xb: {  	[smem:$0x3FA3] =	sst s3  }
0xc: {  	[smem:$0x3FA4] =	sst s4  }
0xd: {  	[smem:$0x3FA5] =	sst s5  }
0xe: {  	[smem:$0x3FA6] =	sst s6  }
0xf: {  	[smem:$0x3FA7] =	sst s7  }
0x10: {  	[smem:$0x3FA8] =	sst s8  }
0x11: {  	[smem:$0x3FA9] =	sst s9;
	s0 =	simm.s32 @!p0 $0x0  }
0x12: {  	s1 =	sld [smem:$0x3F8F];
	s0 =	simm.s32 @p0 $0x1  }
0x13: {  	[smem:$0x3FAA] =	sst s0;
	s0 =	simm.s32 @!p1 $0x0  }
0x14: {  	s2 =	sld [smem:$0x3F8E];
	s0 =	simm.s32 @p1 $0x1  }
0x15: {  	[smem:$0x3FAB] =	sst s0;
	s0 =	simm.s32 @!p2 $0x0  }
0x16: {  	s3 =	sld [smem:$0x3FDB];
	s0 =	simm.s32 @p2 $0x1  }
0x17: {  	s4 =	simm.s32 $0x1BF5;
	[smem:$0x3FAD] =	sst s0  }
0x18: {  	s0 =	sld [smem:$0x3F90];
	_ =	swait.ge [sflag:s4], $0x0  }
0x19: {  	s7 =	sld [smem:$0x3F91]  }
0x1a: {  	s8 =	sadd.s32 $0xFFFFE003, lr  }
0x1b: {  	s9 =	sadd.s32 $0xFFFFFEF7, lr;
	s5 =	simm.s32 $0xFFFFFFFF;
	p2 =	slt.u32 s8, $0xFFFFF086  }
0x1c: {  	p1 =	slt.u32 s9, $0xF7A;
	s5 =	simm.s32 @!p2 $0x0  }
0x1d: {  	s5 =	simm.s32 @p1 $0x1;
	p0 =	seq.s32 s7, s2  }
0x1e: {  	s7 =	smul.u32 @!p0 $0xF7A, s2;
	p2 =	seq.s32 @!p0 s5, $0x0  }
0x1f: {  	s9 =	smul.u32 $0xF7A, s1;
	s8 =	simm.s32 @!p0 $0x1BF5;
	p2 =	por !p2, p0  }
0x20: {  	[sflag:s8] =	ssyncset.s32 @!p0 $0xFFFFF086;
	s6 =	sadd.s32 @!p0 s3, s7;
	s7 =	simm.s32 @!p0 $0x108  }
0x21: {  	s3 =	sadd.s32 s3, s9;
	s6 =	sadd.s32 @!p0 $0x88, s6;
	s7 =	simm.s32 @p2 $0x1082  }
0x22: {  	[simem:s7], [sflag:s8] =	dma.local @!p0 [hbm:s6], $0xF7A  }
0x23: {  	s9 =	sor.u32 $0xD0000000, s2;
	s6 =	simm.s32 $0x108;
	_ =	swait.ge @!p0 [sflag:s8], $0x0  }
0x24: {  	s3 =	sadd.s32 $0x88, s3;
	s6 =	simm.s32 @!p1 $0x1082;
	[sflag:s4] =	ssyncset.s32 $0xFFFFF086  }
0x25: {  	[simem:s6], [sflag:s4] =	dma.local [hbm:s3], $0xF7A  }
0x26: {  	[smem:$0x3F91] =	sst s1;
	(tag) =	ssettag s2;
	_ =	strace s9  }
0x27: {  	s1 =	sld [smem:$0x3FA1]  }
0x28: {  	s2 =	sld [smem:$0x3FA2]  }
0x29: {  	s4 =	sld [smem:$0x3FA4]  }
0x2a: {  	p0 =	seq.s32 s5, $0x0;
	s5 =	sld [smem:$0x3FA5]  }
0x2b: {  	s6 =	sld [smem:$0x3FA6]  }
0x2c: {  	s7 =	sld [smem:$0x3FA7]  }
0x2d: {  	s3 =	simm.s32 $0x108;
	s8 =	sld [smem:$0x3FA8]  }
0x2e: {  	s3 =	simm.s32 @!p0 $0x1082;
	s9 =	sld [smem:$0x3FA9]  }
0x2f: {  	lr =	sadd.s32 s0, s3;
	s0 =	sld [smem:$0x3FA0]  }
0x30: {  	s3 =	sld [smem:$0x3FA3]  }
0x31: {  	[smem:$0x3FAC] =	sst s10  }
0x32: {  	s10 =	sld [smem:$0x3FAA];
	_ =	sdelay $0x3  }
0x33: {  	p0 =	seq.s32 s10, $0x1;
	s10 =	sld [smem:$0x3FAC];
	_ =	sdelay $0x3  }
0x34: {  	[smem:$0x3FAC] =	sst s10  }
0x35: {  	s10 =	sld [smem:$0x3FAB];
	_ =	sdelay $0x3  }
0x36: {  	p1 =	seq.s32 s10, $0x1;
	s10 =	sld [smem:$0x3FAC];
	_ =	sdelay $0x3  }
0x37: {  	[smem:$0x3FAC] =	sst s10  }
0x38: {  	s10 =	sld [smem:$0x3FAD]  }
0x39: {  	_ = 	snop;
	(pc) =	sbr.ind lr, $3  }
0x3a: {  	_ = 	snop  }
0x3b: {  	_ = 	snop  }
0x3c: {  	p2 =	seq.s32 s10, $0x1;
	s10 =	sld [smem:$0x3FAC]  }
0x3d: {  	_ =	shalt  }
0x3e: {  	_ =	shalt  }
0x3f: {  	_ =	shalt  }
0x40: {  	_ =	shalt  }
0x41: {  	_ =	shalt  }
0x42: {  	_ =	shalt  }
0x43: {  	_ =	shalt  }
0x44: {  	_ =	shalt  }
0x45: {  	_ =	shalt  }
0x46: {  	_ =	shalt  }
0x47: {  	_ =	shalt  }
0x48: {  	_ =	shalt  }
0x49: {  	_ =	shalt  }
0x4a: {  	_ =	shalt  }
0x4b: {  	_ =	shalt  }
0x4c: {  	_ =	shalt  }
0x4d: {  	_ =	shalt  }
0x4e: {  	_ =	shalt  }
0x4f: {  	_ =	shalt  }
0x50: {  	_ =	shalt  }
0x51: {  	_ =	shalt  }
0x52: {  	_ =	shalt  }
0x53: {  	_ =	shalt  }
0x54: {  	_ =	shalt  }
0x55: {  	_ =	shalt  }
0x56: {  	_ =	shalt  }
0x57: {  	_ =	shalt  }
0x58: {  	_ =	shalt  }
0x59: {  	_ =	shalt  }
0x5a: {  	_ =	shalt  }
0x5b: {  	_ =	shalt  }
0x5c: {  	_ =	shalt  }
0x5d: {  	_ =	shalt  }
0x5e: {  	_ =	shalt  }
0x5f: {  	_ =	shalt  }
0x60: {  	_ =	shalt  }
0x61: {  	_ =	shalt  }
0x62: {  	_ =	shalt  }
0x63: {  	_ =	shalt  }
0x64: {  	_ =	shalt  }
0x65: {  	_ =	shalt  }
0x66: {  	_ =	shalt  }
0x67: {  	_ =	shalt  }
0x68: {  	_ =	shalt  }
0x69: {  	_ =	shalt  }
0x6a: {  	_ =	shalt  }
0x6b: {  	_ =	shalt  }
0x6c: {  	_ =	shalt  }
0x6d: {  	_ =	shalt  }
0x6e: {  	_ =	shalt  }
0x6f: {  	_ =	shalt  }
0x70: {  	_ =	shalt  }
0x71: {  	_ =	shalt  }
0x72: {  	_ =	shalt  }
0x73: {  	_ =	shalt  }
0x74: {  	_ =	shalt  }
0x75: {  	_ =	shalt  }
0x76: {  	_ =	shalt  }
0x77: {  	_ =	shalt  }
0x78: {  	_ =	shalt  }
0x79: {  	_ =	shalt  }
0x7a: {  	_ =	shalt  }
0x7b: {  	_ =	shalt  }
0x7c: {  	_ =	shalt  }
0x7d: {  	_ =	shalt  }
0x7e: {  	_ =	shalt  }
0x7f: {  	_ =	shalt  }
0x80: {  	_ =	shalt  }
0x81: {  	_ =	shalt  }
0x82: {  	_ =	shalt  }
0x83: {  	_ =	shalt  }
0x84: {  	_ =	shalt  }
0x85: {  	_ =	shalt  }
0x86: {  	_ =	shalt  }
0x87: {  	_ =	shalt  }
.Lfunc_end0:
.L_simem_size_0:
called_computation.1_lowered:
.L_overlay_start_0:
0x88: {  	s2 =	sld [smem:$0x3FD9]  }
0x89: {  	s3 =	sld [smem:$0x3FFE];
	_ =	sdelay $0x1  }
0x8a: {  	s1 =	srdreg.scid  }
0x8b: {  	s0 =	sand.u32 $0x1, s1  }
0x8c: {  	s17 =	sshll.u32 s0, $0xA;
	s2 =	sadd.s32 s3, s2  }
0x8d: {  	s2 =	sadd.s32 s2, s17  }
0x8e: {  	[smem:$0x3FB8] =	sst s2  }
0x8f: {  	_ = 	snop  }
0x90: {  	s2 =	sld [smem:$0x3FD0];
	(tm) =	ssettm $0x1  }
0x91: {  	s18 =	sld [smem:$0x3FFB];
	_ =	sdelay $0x3  }
0x92: {  	_ =	strace s18  }
0x93: {  	s3 =	sld [smem:$0x3FFC];
	_ =	sdelay $0x3  }
0x94: {  	_ =	strace s3  }
0x95: {  	s3 =	sld [smem:$0x3FFD];
	_ =	sdelay $0x3  }
0x96: {  	_ =	strace s3  }
0x97: {  	_ =	strace $0x8FFFFFFF  }
0x98: {  	s19 =	sld [smem:$0x3FDB];
	_ =	sdelay $0x1  }
0x99: {  	s4 =	simm.s32 $_scs_section_size  }
0x9a: {  	s5 =	simm.s32 $_size__tile_overlayer_lowered;
	s6 =	simm.s32 $_tile_overlayer_lowered  }
0x9b: {  	s22 =	simm.s32 $0x1BFF;
	s21 =	sshll.u32 s6, $0x1;
	s3 =	sadd.s32 s4, s19  }
0x9c: {  	s7 =	simm.s32 $0x0;
	s20 =	sshll.u32 s5, $0x1;
	s5 =	sadd.s32 s21, s3  }
0x9d: {  	[timem:s7], [sflag:s22] =	dma.local [hbm:s5], s20  }
0x9e: {  	_ =	swait.ge [sflag:s22], s20  }
0x9f: {  	s4 =	ssub.s32 $0x0, s20;
	[sflag:s22] =	ssyncset.done $0x0  }
0xa0: {  	[sflag:s22] =	ssyncadd.s32 s4;
	_ =	sdelay $0x1  }
0xa1: {  	s23 =	simm.s32 $0x1B8B  }
0xa2: {  	_ =	swait.ge [sflag:s23], $0x1  }
0xa3: {  	[sflag:s23] =	ssyncset.done $0x0  }
0xa4: {  	s25 =	simm.s32 $0x1B8E;
	s24 =	sld [smem:$0x3FFE];
	[sflag:s23] =	ssyncadd.s32 $0xFFFFFFFF  }
0xa5: {  	s26 =	simm.s32 $execute0_lowered;
	[smem:$0x3FD2] =	sst s25  }
0xa6: {  	s5 =	sshll.u32 s26, $0x1;
	_ =	strace $0x80000049;
	[dreg:$0x1] =	wrdreg $0xFFFFFFFF  }
0xa7: {  	s28 =	simm.s32 $_size_execute0_lowered;
	s3 =	sadd.s32 s3, s5;
	[dreg:$0x0] =	wrdreg $0x0  }
0xa8: {  	s5 =	sshll.u32 s28, $0x1;
	[dreg:$0x2] =	wrdreg s3  }
0xa9: {  	[dreg:$0x3] =	wrdreg s5  }
0xaa: {  	[dreg:$0x4] =	wrdreg $0xC0  }
0xab: {  	_ =	task [dreg:s7], $0x5FFFF  }
0xac: {  	[dreg:$0x1] =	wrdreg $0xFFFFFFFF  }
0xad: {  	[dreg:$0x0] =	wrdreg $0x60  }
0xae: {  	[dreg:$0x2] =	wrdreg s24  }
0xaf: {  	[dreg:$0x3] =	wrdreg s2  }
0xb0: {  	[dreg:$0x4] =	wrdreg $0x114000  }
0xb1: {  	[dreg:$0x5] =	wrdreg $0x9  }
0xb2: {  	_ =	task.clear_ibuf [dreg:s7], $0x6FFFF;
	_ =	strace $0x90000049  }
0xb3: {  	s29 =	simm.s32 $0x9;
	_ =	strace $0x8000004B  }
0xb4: {  	_ =	swait.ge [sflag:s29], $0x1  }
0xb5: {  	[sflag:s29] =	ssyncadd.s32 $0xFFFFFFFF  }
0xb6: {  	_ =	strace $0x9000004B  }
0xb7: {  	_ =	sfence  }
0xb8: {  	s30 =	sld [smem:$0x0];
	_ =	sdelay $0x2  }
0xb9: {  	s31 =	sshll.u32 s1, $0xD;
	s1 =	sshrl.u32 s1, $0x2  }
0xba: {  	s3 =	sand.u32 $0x4000, s31;
	s1 =	sadd.s32 s1, s30  }
0xbb: {  	s0 =	sor.u32 s3, s0;
	s1 =	sshll.u32 s1, $0x11  }
0xbc: {  	s0 =	sor.u32 s1, s0  }
0xbd: {  	s0 =	sadd.s32 $0x8F2B, s0  }
0xbe: {  	[sflag:s0] =	ssyncadd.remote.s32 $0x1  }
0xbf: {  	_ =	sfence.sel $0xFFFF  }
0xc0: {  	[dreg:$0x0] =	wrdreg $0xFFFFFFFF;
	(pc) =	sbr.abs _section_cstart, $3  }
0xc1: {  	[dreg:$0x1] =	wrdreg $0xFFFFFFFF  }
0xc2: {  	_ =	task.clear_ibuf [dreg:s7], $0x2FFFF;
	_ =	strace $0x9FFFFFFF  }
0xc3: {  	(tm) =	ssettm $0x7FFFFFFF  }
tec
execute0_lowered:
.L_overlay_start_1:
0x0: {  	(tag) =	ssettag $0x1  }
0x1: {  	s6 =	rddreg [dreg:$0x0]  }
0x2: {  	s2 =	rddreg [dreg:$0x1];
	s0 =	srdreg.scid  }
0x3: {  	s3 =	rddreg [dreg:$0x2];
	s1 =	stileid.u32  }
0x4: {  	s4 =	simm.s32 $0x0;
	s11 =	simm.s32 $0x2A00;
	s14 =	simm.s32 $0x180  }
0x5: {  	s15 =	simm.s32 $0x5400;
	s16 =	simm.s32 $0x1;
	s17 =	simm.s32 $0xB400  }
0x6: {  	s18 =	simm.s32 $0x2;
	s19 =	simm.s32 $0x3;
	s20 =	simm.s32 $0x300  }
0x7: {  	s21 =	simm.s32 $0x2B80;
	s22 =	simm.s32 $0x4;
	s23 =	simm.s32 $0x0  }
0x8: {  	s5 =	sand.u32 $0x1, s0;
	s0 =	rddreg [dreg:$0x3];
	s8 =	smul.u32 $0xA000, s1  }
0x9: {  	[smem:$0x7FF] =	sst s4;
	s12 =	sshll.u32 s1, $0x6;
	s7 =	sshll.u32 s5, $0x4  }
0xa: {  	s9 =	smul.u32 $0xA0000, s5;
	_ =	strace $0x8000004A;
	s7 =	sor.u32 s1, s7  }
0xb: {  	s10 =	ssub.s32 $0x2, s5;
	s5 =	sadd.s32 $0x72200, s6;
	s7 =	smul.u32 $0x540, s7  }
.Ltmp0:
0xc: {  	s12 =	sor.u32 $0x1C05, s12;
	s31 =	sshrl.u32 s10, $0x1;
	(pc) =	sbr.rel .LBB2_1-.Ltmp0, $4  }
0xd: {  	s13 =	sadd.s32 s8, s3;
	s9 =	sadd.s32 s8, s9;
	s10 =	ssub.s32 s10, s31  }
0xe: {  	s13 =	sshrl.u32 s13, $0x3;
	s9 =	sshrl.u32 s9, $0x3;
	s7 =	sadd.s32 s7, s6  }
0xf: {  	s9 =	sadd.s32 s9, s6;
	s6 =	sadd.s32 $0x17A00, s7;
	s7 =	sadd.s32 $0x2E00, s7  }
0x10: {  	s8 =	sadd.s32 $0x85C00, s9;
	s9 =	smax.u32 s10, $0x1;
	s10 =	simm.s32 $0x5  }
.LBB2_4:
0x11: {  	[spmem:s3] =	stream.indirect.scatter.add.f32 [tilespmem:s17], [sflag:$0x4], $0x40, s26, s14, $0xb8;
	[tilespmem:$0x1B400] =	vst v63  }
0x12: {  	_ =	swait.ge [sflag:s22], $0x6000  }
0x13: {  	s23 =	sadd.s32 $0x1, s23;
	[sflag:s22] =	ssyncset.done $0x0  }
0x14: {  	p0 =	sne.s32 s23, s9;
	[sflag:s22] =	ssyncadd.s32 $0xFFFFA000  }
.Ltmp1:
0x15: {  	[bflag:$0x0] =	sbarrier.arrive $0xFFFF;
	(pc) =	sbr.rel @!p0 .LBB2_5-.Ltmp1, $4  }
0x16: {  	[hbm:s8], [sflag:s12] =	dma.local [spmem:s13], $0x1400  }
0x17: {  	_ =	swait.ge [sflag:s10], $0x1400  }
0x18: {  	[sflag:s10] =	ssyncset.done $0x0  }
0x19: {  	[sflag:s10] =	ssyncadd.s32 $0xFFFFEC00  }
.LBB2_1:
0x1a: {  	[tilespmem:s4], [sflag:$0x5] =	stream.linear.gather [hbm4b:s6+s4], $0x2A00, $0x38;
	[tilespmem:$0x1B400] =	vst v63  }
0x1b: {  	_ =	swait.ge [sflag:s10], $0x2A00  }
0x1c: {  	[sflag:s10] =	ssyncset.done $0x0  }
0x1d: {  	[sflag:s10] =	ssyncadd.s32 $0xFFFFD600  }
0x1e: {  	[tilespmem:s11], [sflag:$0x5] =	stream.linear.gather [hbm4b:s7+s4], $0x2A00, $0x38;
	[tilespmem:$0x1B400] =	vst v63  }
0x1f: {  	_ =	swait.ge [sflag:s10], $0x2A00  }
0x20: {  	[sflag:s10] =	ssyncset.done $0x0  }
0x21: {  	[sflag:s10] =	ssyncadd.s32 $0xFFFFD600  }
0x22: {  	[spmem:s13], [sflag:s12] =	dma.local [hbm:s2], $0x1400  }
0x23: {  	_ =	swait.ge [sflag:s10], $0x1400  }
0x24: {  	[sflag:s10] =	ssyncset.done $0x0  }
0x25: {  	[sflag:s10] =	ssyncadd.s32 $0xFFFFEC00  }
0x26: {  	[bflag:$0x0] =	sbarrier.arrive $0xFFFF  }
0x27: {  	[tilespmem:s15], [sflag:$0x1] =	stream.indirect.gather [hbm4b:s5+s14], $0x40, s4, s14, $0xb8;
	[tilespmem:$0x1B400] =	vst v63  }
0x28: {  	_ =	swait.ge [sflag:s16], $0x6000  }
0x29: {  	[sflag:s16] =	ssyncset.done $0x0  }
0x2a: {  	[sflag:s16] =	ssyncadd.s32 $0xFFFFA000  }
0x2b: {  	[tilespmem:s17], [sflag:$0x2] =	stream.indirect.gather [hbm4b:s5+s14], $0x40, s14, s14, $0xb8;
	[tilespmem:$0x1B400] =	vst v63  }
0x2c: {  	_ = 	snop  }
0x2d: {  	[spmem:s3] =	stream.indirect.scatter.add.f32 [tilespmem:s15], [sflag:$0x3], $0x40, s11, s14, $0xb8;
	[tilespmem:$0x1B400] =	vst v63  }
0x2e: {  	_ =	swait.ge [sflag:s18], $0x6000  }
0x2f: {  	[sflag:s18] =	ssyncset.done $0x0  }
0x30: {  	[sflag:s18] =	ssyncadd.s32 $0xFFFFA000  }
0x31: {  	_ =	swait.ge [sflag:s19], $0x6000  }
0x32: {  	[sflag:s19] =	ssyncset.done $0x0  }
0x33: {  	[sflag:s19] =	ssyncadd.s32 $0xFFFFA000  }
0x34: {  	[tilespmem:s15], [sflag:$0x1] =	stream.indirect.gather [hbm4b:s5+s14], $0x40, s20, s14, $0xb8;
	[tilespmem:$0x1B400] =	vst v63  }
0x35: {  	s24 =	simm.s32 $0xFFFF7000  }
0x36: {  	[spmem:s3] =	stream.indirect.scatter.add.f32 [tilespmem:s17], [sflag:$0x4], $0x40, s21, s14, $0xb8;
	[tilespmem:$0x1B400] =	vst v63  }
.LBB2_2:
0x37: {  	_ =	swait.ge [sflag:s16], $0x6000  }
0x38: {  	[sflag:s16] =	ssyncset.done $0x0  }
0x39: {  	[sflag:s16] =	ssyncadd.s32 $0xFFFFA000  }
0x3a: {  	_ =	swait.ge [sflag:s22], $0x6000  }
0x3b: {  	s25 =	sshra.s32 s24, $0x2;
	[sflag:s22] =	ssyncset.done $0x0  }
0x3c: {  	s26 =	sadd.s32 $0x2880, s25;
	[sflag:s22] =	ssyncadd.s32 $0xFFFFA000  }
0x3d: {  	[tilespmem:s17], [sflag:$0x2] =	stream.indirect.gather [hbm4b:s5+s14], $0x40, s26, s14, $0xb8;
	[tilespmem:$0x1B400] =	vst v63  }
0x3e: {  	s31 =	sadd.s32 $0x5100, s25  }
0x3f: {  	[spmem:s3] =	stream.indirect.scatter.add.f32 [tilespmem:s15], [sflag:$0x3], $0x40, s31, s14, $0xb8;
	[tilespmem:$0x1B400] =	vst v63  }
0x40: {  	p0 =	seq.s32 s24, $0x0;
	_ =	swait.ge [sflag:s18], $0x6000  }
.Ltmp2:
0x41: {  	[sflag:s18] =	ssyncset.done $0x0;
	(pc) =	sbr.rel @p0 .LBB2_4-.Ltmp2, $4  }
0x42: {  	[sflag:s18] =	ssyncadd.s32 $0xFFFFA000  }
0x43: {  	_ =	swait.ge [sflag:s19], $0x6000  }
0x44: {  	[sflag:s19] =	ssyncset.done $0x0  }
0x45: {  	s26 =	sadd.s32 $0x5280, s25;
	[sflag:s19] =	ssyncadd.s32 $0xFFFFA000  }
.Ltmp3:
0x46: {  	(pc) =	sbr.rel .LBB2_2-.Ltmp3, $4  }
0x47: {  	s25 =	sadd.s32 $0x2A00, s25  }
0x48: {  	[tilespmem:s15], [sflag:$0x1] =	stream.indirect.gather [hbm4b:s5+s14], $0x40, s25, s14, $0xb8;
	[tilespmem:$0x1B400] =	vst v63  }
0x49: {  	s24 =	sadd.s32 $0xC00, s24  }
0x4a: {  	[spmem:s3] =	stream.indirect.scatter.add.f32 [tilespmem:s17], [sflag:$0x4], $0x40, s26, s14, $0xb8;
	[tilespmem:$0x1B400] =	vst v63  }
.LBB2_5:
0x4b: {  	_ =	sfence.sel $0x180000  }
0x4c: {  	[bflag:$0x0] =	sbarrier.arrive $0xFFFF  }
0x4d: {  	p0 =	sne.s32 s1, $0x0;
	_ =	strace $0x9000004A  }
0x4e: {  	s0 =	sadd.s32 @!p0 $0x100000, s0;
	[bflag:$0x2] =	sbarrier.arrive $0xFFFF  }
0x4f: {  	[sflag:s0] =	ssyncadd.tile.s32 @!p0 $0x1;
	_ =	shalt  }
.Lfunc_end2:
_tile_overlayer_lowered:
.L_overlay_start_2:
0x50: {  	(tag) =	ssettag $0x2  }
0x51: {  	s0 =	rddreg [dreg:$0x0];
	s2 =	stileid.u32  }
0x52: {  	s1 =	rddreg [dreg:$0x1];
	p0 =	sne.s32 s2, $0x0  }
0x53: {  	s3 =	rddreg [dreg:$0x2];
	[bflag:$0x3] =	sbarrier.arrive $0xFFFF;
	s2 =	simm.s32 @!p0 $0x1C05  }
0x54: {  	[timem:s3], [sflag:s2] =	dma.local @!p0 [hbm:s0], s1  }
0x55: {  	s0 =	simm.s32 @!p0 $0x5  }
0x56: {  	_ =	swait.ge @!p0 [sflag:s0], s1  }
0x57: {  	s1 =	ssub.s32 @!p0 $0x0, s1;
	[sflag:s0] =	ssyncset.done @!p0 $0x0  }
0x58: {  	[sflag:s0] =	ssyncadd.s32 @!p0 s1  }
0x59: {  	[bflag:$0x3] =	sbarrier.arrive $0xFFFF  }
0x5a: {  	_ =	shalt  }

// kernel: kernel.16.cloned.1.call-start
scs
__scs_entry_jumppad:
0x0: {  	(pc) =	sbr.rel $0x88, $3  }
0x1: {  	(tag) =	ssettag $0x0;
	lr =	simm.s32 $0x1  }
0x2: {  	[smem:$0x3F91] =	sst lr;
	_ =	strace $0xD0000000  }
0x3: {  	_ = 	snop  }
0x4: {  	_ = 	snop  }
0x5: {  	_ = 	snop  }
0x6: {  	_ = 	snop  }
0x7: {  	_ = 	snop  }
__scs_overlays_trampoline_lowered:
0x8: {  	[smem:$0x3FA0] =	sst s0  }
0x9: {  	[smem:$0x3FA1] =	sst s1  }
0xa: {  	[smem:$0x3FA2] =	sst s2  }
0xb: {  	[smem:$0x3FA3] =	sst s3  }
0xc: {  	[smem:$0x3FA4] =	sst s4  }
0xd: {  	[smem:$0x3FA5] =	sst s5  }
0xe: {  	[smem:$0x3FA6] =	sst s6  }
0xf: {  	[smem:$0x3FA7] =	sst s7  }
0x10: {  	[smem:$0x3FA8] =	sst s8  }
0x11: {  	[smem:$0x3FA9] =	sst s9;
	s0 =	simm.s32 @!p0 $0x0  }
0x12: {  	s1 =	sld [smem:$0x3F8F];
	s0 =	simm.s32 @p0 $0x1  }
0x13: {  	[smem:$0x3FAA] =	sst s0;
	s0 =	simm.s32 @!p1 $0x0  }
0x14: {  	s2 =	sld [smem:$0x3F8E];
	s0 =	simm.s32 @p1 $0x1  }
0x15: {  	[smem:$0x3FAB] =	sst s0;
	s0 =	simm.s32 @!p2 $0x0  }
0x16: {  	s3 =	sld [smem:$0x3FDB];
	s0 =	simm.s32 @p2 $0x1  }
0x17: {  	s4 =	simm.s32 $0x1BF5;
	[smem:$0x3FAD] =	sst s0  }
0x18: {  	s0 =	sld [smem:$0x3F90];
	_ =	swait.ge [sflag:s4], $0x0  }
0x19: {  	s7 =	sld [smem:$0x3F91]  }
0x1a: {  	s8 =	sadd.s32 $0xFFFFE003, lr  }
0x1b: {  	s9 =	sadd.s32 $0xFFFFFEF7, lr;
	s5 =	simm.s32 $0xFFFFFFFF;
	p2 =	slt.u32 s8, $0xFFFFF086  }
0x1c: {  	p1 =	slt.u32 s9, $0xF7A;
	s5 =	simm.s32 @!p2 $0x0  }
0x1d: {  	s5 =	simm.s32 @p1 $0x1;
	p0 =	seq.s32 s7, s2  }
0x1e: {  	s7 =	smul.u32 @!p0 $0xF7A, s2;
	p2 =	seq.s32 @!p0 s5, $0x0  }
0x1f: {  	s9 =	smul.u32 $0xF7A, s1;
	s8 =	simm.s32 @!p0 $0x1BF5;
	p2 =	por !p2, p0  }
0x20: {  	[sflag:s8] =	ssyncset.s32 @!p0 $0xFFFFF086;
	s6 =	sadd.s32 @!p0 s3, s7;
	s7 =	simm.s32 @!p0 $0x108  }
0x21: {  	s3 =	sadd.s32 s3, s9;
	s6 =	sadd.s32 @!p0 $0x88, s6;
	s7 =	simm.s32 @p2 $0x1082  }
0x22: {  	[simem:s7], [sflag:s8] =	dma.local @!p0 [hbm:s6], $0xF7A  }
0x23: {  	s9 =	sor.u32 $0xD0000000, s2;
	s6 =	simm.s32 $0x108;
	_ =	swait.ge @!p0 [sflag:s8], $0x0  }
0x24: {  	s3 =	sadd.s32 $0x88, s3;
	s6 =	simm.s32 @!p1 $0x1082;
	[sflag:s4] =	ssyncset.s32 $0xFFFFF086  }
0x25: {  	[simem:s6], [sflag:s4] =	dma.local [hbm:s3], $0xF7A  }
0x26: {  	[smem:$0x3F91] =	sst s1;
	(tag) =	ssettag s2;
	_ =	strace s9  }
0x27: {  	s1 =	sld [smem:$0x3FA1]  }
0x28: {  	s2 =	sld [smem:$0x3FA2]  }
0x29: {  	s4 =	sld [smem:$0x3FA4]  }
0x2a: {  	p0 =	seq.s32 s5, $0x0;
	s5 =	sld [smem:$0x3FA5]  }
0x2b: {  	s6 =	sld [smem:$0x3FA6]  }
0x2c: {  	s7 =	sld [smem:$0x3FA7]  }
0x2d: {  	s3 =	simm.s32 $0x108;
	s8 =	sld [smem:$0x3FA8]  }
0x2e: {  	s3 =	simm.s32 @!p0 $0x1082;
	s9 =	sld [smem:$0x3FA9]  }
0x2f: {  	lr =	sadd.s32 s0, s3;
	s0 =	sld [smem:$0x3FA0]  }
0x30: {  	s3 =	sld [smem:$0x3FA3]  }
0x31: {  	[smem:$0x3FAC] =	sst s10  }
0x32: {  	s10 =	sld [smem:$0x3FAA];
	_ =	sdelay $0x3  }
0x33: {  	p0 =	seq.s32 s10, $0x1;
	s10 =	sld [smem:$0x3FAC];
	_ =	sdelay $0x3  }
0x34: {  	[smem:$0x3FAC] =	sst s10  }
0x35: {  	s10 =	sld [smem:$0x3FAB];
	_ =	sdelay $0x3  }
0x36: {  	p1 =	seq.s32 s10, $0x1;
	s10 =	sld [smem:$0x3FAC];
	_ =	sdelay $0x3  }
0x37: {  	[smem:$0x3FAC] =	sst s10  }
0x38: {  	s10 =	sld [smem:$0x3FAD]  }
0x39: {  	_ = 	snop;
	(pc) =	sbr.ind lr, $3  }
0x3a: {  	_ = 	snop  }
0x3b: {  	_ = 	snop  }
0x3c: {  	p2 =	seq.s32 s10, $0x1;
	s10 =	sld [smem:$0x3FAC]  }
0x3d: {  	_ =	shalt  }
0x3e: {  	_ =	shalt  }
0x3f: {  	_ =	shalt  }
0x40: {  	_ =	shalt  }
0x41: {  	_ =	shalt  }
0x42: {  	_ =	shalt  }
0x43: {  	_ =	shalt  }
0x44: {  	_ =	shalt  }
0x45: {  	_ =	shalt  }
0x46: {  	_ =	shalt  }
0x47: {  	_ =	shalt  }
0x48: {  	_ =	shalt  }
0x49: {  	_ =	shalt  }
0x4a: {  	_ =	shalt  }
0x4b: {  	_ =	shalt  }
0x4c: {  	_ =	shalt  }
0x4d: {  	_ =	shalt  }
0x4e: {  	_ =	shalt  }
0x4f: {  	_ =	shalt  }
0x50: {  	_ =	shalt  }
0x51: {  	_ =	shalt  }
0x52: {  	_ =	shalt  }
0x53: {  	_ =	shalt  }
0x54: {  	_ =	shalt  }
0x55: {  	_ =	shalt  }
0x56: {  	_ =	shalt  }
0x57: {  	_ =	shalt  }
0x58: {  	_ =	shalt  }
0x59: {  	_ =	shalt  }
0x5a: {  	_ =	shalt  }
0x5b: {  	_ =	shalt  }
0x5c: {  	_ =	shalt  }
0x5d: {  	_ =	shalt  }
0x5e: {  	_ =	shalt  }
0x5f: {  	_ =	shalt  }
0x60: {  	_ =	shalt  }
0x61: {  	_ =	shalt  }
0x62: {  	_ =	shalt  }
0x63: {  	_ =	shalt  }
0x64: {  	_ =	shalt  }
0x65: {  	_ =	shalt  }
0x66: {  	_ =	shalt  }
0x67: {  	_ =	shalt  }
0x68: {  	_ =	shalt  }
0x69: {  	_ =	shalt  }
0x6a: {  	_ =	shalt  }
0x6b: {  	_ =	shalt  }
0x6c: {  	_ =	shalt  }
0x6d: {  	_ =	shalt  }
0x6e: {  	_ =	shalt  }
0x6f: {  	_ =	shalt  }
0x70: {  	_ =	shalt  }
0x71: {  	_ =	shalt  }
0x72: {  	_ =	shalt  }
0x73: {  	_ =	shalt  }
0x74: {  	_ =	shalt  }
0x75: {  	_ =	shalt  }
0x76: {  	_ =	shalt  }
0x77: {  	_ =	shalt  }
0x78: {  	_ =	shalt  }
0x79: {  	_ =	shalt  }
0x7a: {  	_ =	shalt  }
0x7b: {  	_ =	shalt  }
0x7c: {  	_ =	shalt  }
0x7d: {  	_ =	shalt  }
0x7e: {  	_ =	shalt  }
0x7f: {  	_ =	shalt  }
0x80: {  	_ =	shalt  }
0x81: {  	_ =	shalt  }
0x82: {  	_ =	shalt  }
0x83: {  	_ =	shalt  }
0x84: {  	_ =	shalt  }
0x85: {  	_ =	shalt  }
0x86: {  	_ =	shalt  }
0x87: {  	_ =	shalt  }
.Lfunc_end0:
.L_simem_size_0:
called_computation.2_lowered:
.L_overlay_start_0:
0x88: {  	s2 =	sld [smem:$0x3FD9]  }
0x89: {  	s3 =	sld [smem:$0x3FFE];
	_ =	sdelay $0x1  }
0x8a: {  	s1 =	srdreg.scid  }
0x8b: {  	s0 =	sand.u32 $0x1, s1  }
0x8c: {  	s17 =	sshll.u32 s0, $0xA;
	s2 =	sadd.s32 s3, s2  }
0x8d: {  	s2 =	sadd.s32 s2, s17  }
0x8e: {  	[smem:$0x3FB8] =	sst s2  }
0x8f: {  	_ = 	snop  }
0x90: {  	s2 =	sld [smem:$0x3FD0];
	(tm) =	ssettm $0x1  }
0x91: {  	s18 =	sld [smem:$0x3FFB];
	_ =	sdelay $0x3  }
0x92: {  	_ =	strace s18  }
0x93: {  	s3 =	sld [smem:$0x3FFC];
	_ =	sdelay $0x3  }
0x94: {  	_ =	strace s3  }
0x95: {  	s3 =	sld [smem:$0x3FFD];
	_ =	sdelay $0x3  }
0x96: {  	_ =	strace s3  }
0x97: {  	_ =	strace $0x8FFFFFFF  }
0x98: {  	s19 =	sld [smem:$0x3FDB];
	_ =	sdelay $0x1  }
0x99: {  	s4 =	simm.s32 $_scs_section_size  }
0x9a: {  	s5 =	simm.s32 $_size__tile_overlayer_lowered;
	s6 =	simm.s32 $_tile_overlayer_lowered  }
0x9b: {  	s22 =	simm.s32 $0x1BFF;
	s21 =	sshll.u32 s6, $0x1;
	s3 =	sadd.s32 s4, s19  }
0x9c: {  	s7 =	simm.s32 $0x0;
	s20 =	sshll.u32 s5, $0x1;
	s5 =	sadd.s32 s21, s3  }
0x9d: {  	[timem:s7], [sflag:s22] =	dma.local [hbm:s5], s20  }
0x9e: {  	_ =	swait.ge [sflag:s22], s20  }
0x9f: {  	s4 =	ssub.s32 $0x0, s20;
	[sflag:s22] =	ssyncset.done $0x0  }
0xa0: {  	[sflag:s22] =	ssyncadd.s32 s4;
	_ =	sdelay $0x1  }
0xa1: {  	s23 =	simm.s32 $0x1B8B  }
0xa2: {  	_ =	swait.ge [sflag:s23], $0x1  }
0xa3: {  	[sflag:s23] =	ssyncset.done $0x0  }
0xa4: {  	s25 =	simm.s32 $0x1B8E;
	s24 =	sld [smem:$0x3FFE];
	[sflag:s23] =	ssyncadd.s32 $0xFFFFFFFF  }
0xa5: {  	s26 =	simm.s32 $execute0_lowered;
	[smem:$0x3FD2] =	sst s25  }
0xa6: {  	s5 =	sshll.u32 s26, $0x1;
	_ =	strace $0x8000004C;
	[dreg:$0x1] =	wrdreg $0xFFFFFFFF  }
0xa7: {  	s28 =	simm.s32 $_size_execute0_lowered;
	s3 =	sadd.s32 s3, s5;
	[dreg:$0x0] =	wrdreg $0x0  }
0xa8: {  	s5 =	sshll.u32 s28, $0x1;
	[dreg:$0x2] =	wrdreg s3  }
0xa9: {  	[dreg:$0x3] =	wrdreg s5  }
0xaa: {  	[dreg:$0x4] =	wrdreg $0xC0  }
0xab: {  	_ =	task [dreg:s7], $0x5FFFF  }
0xac: {  	[dreg:$0x1] =	wrdreg $0xFFFFFFFF  }
0xad: {  	[dreg:$0x0] =	wrdreg $0x60  }
0xae: {  	[dreg:$0x2] =	wrdreg s24  }
0xaf: {  	[dreg:$0x3] =	wrdreg s2  }
0xb0: {  	[dreg:$0x4] =	wrdreg $0x114000  }
0xb1: {  	[dreg:$0x5] =	wrdreg $0x9  }
0xb2: {  	_ =	task.clear_ibuf [dreg:s7], $0x6FFFF;
	_ =	strace $0x9000004C  }
0xb3: {  	s29 =	simm.s32 $0x9;
	_ =	strace $0x8000004E  }
0xb4: {  	_ =	swait.ge [sflag:s29], $0x1  }
0xb5: {  	[sflag:s29] =	ssyncadd.s32 $0xFFFFFFFF  }
0xb6: {  	_ =	strace $0x9000004E  }
0xb7: {  	_ =	sfence  }
0xb8: {  	s30 =	sld [smem:$0x0];
	_ =	sdelay $0x2  }
0xb9: {  	s31 =	sshll.u32 s1, $0xD;
	s1 =	sshrl.u32 s1, $0x2  }
0xba: {  	s3 =	sand.u32 $0x4000, s31;
	s1 =	sadd.s32 s1, s30  }
0xbb: {  	s0 =	sor.u32 s3, s0;
	s1 =	sshll.u32 s1, $0x11  }
0xbc: {  	s0 =	sor.u32 s1, s0  }
0xbd: {  	s0 =	sadd.s32 $0x8F2B, s0  }
0xbe: {  	[sflag:s0] =	ssyncadd.remote.s32 $0x1  }
0xbf: {  	_ =	sfence.sel $0xFFFF  }
0xc0: {  	[dreg:$0x0] =	wrdreg $0xFFFFFFFF;
	(pc) =	sbr.abs _section_cstart, $3  }
0xc1: {  	[dreg:$0x1] =	wrdreg $0xFFFFFFFF  }
0xc2: {  	_ =	task.clear_ibuf [dreg:s7], $0x2FFFF;
	_ =	strace $0x9FFFFFFF  }
0xc3: {  	(tm) =	ssettm $0x7FFFFFFF  }
tec
execute0_lowered:
.L_overlay_start_1:
0x0: {  	(tag) =	ssettag $0x1  }
0x1: {  	s6 =	rddreg [dreg:$0x0]  }
0x2: {  	s2 =	rddreg [dreg:$0x1];
	s0 =	srdreg.scid  }
0x3: {  	s3 =	rddreg [dreg:$0x2];
	s1 =	stileid.u32  }
0x4: {  	s4 =	simm.s32 $0x0;
	s11 =	simm.s32 $0x2A00;
	s14 =	simm.s32 $0x180  }
0x5: {  	s15 =	simm.s32 $0x5400;
	s16 =	simm.s32 $0x1;
	s17 =	simm.s32 $0xB400  }
0x6: {  	s18 =	simm.s32 $0x2;
	s19 =	simm.s32 $0x3;
	s20 =	simm.s32 $0x300  }
0x7: {  	s21 =	simm.s32 $0x2B80;
	s22 =	simm.s32 $0x4;
	s23 =	simm.s32 $0x0  }
0x8: {  	s5 =	sand.u32 $0x1, s0;
	s0 =	rddreg [dreg:$0x3];
	s8 =	smul.u32 $0xA000, s1  }
0x9: {  	[smem:$0x7FF] =	sst s4;
	s12 =	sshll.u32 s1, $0x6;
	s7 =	sshll.u32 s5, $0x4  }
0xa: {  	s9 =	smul.u32 $0xA0000, s5;
	_ =	strace $0x8000004D;
	s7 =	sor.u32 s1, s7  }
0xb: {  	s10 =	ssub.s32 $0x2, s5;
	s5 =	sadd.s32 $0x72200, s6;
	s7 =	smul.u32 $0x540, s7  }
.Ltmp0:
0xc: {  	s12 =	sor.u32 $0x1C05, s12;
	s31 =	sshrl.u32 s10, $0x1;
	(pc) =	sbr.rel .LBB2_1-.Ltmp0, $4  }
0xd: {  	s13 =	sadd.s32 s8, s3;
	s9 =	sadd.s32 s8, s9;
	s10 =	ssub.s32 s10, s31  }
0xe: {  	s13 =	sshrl.u32 s13, $0x3;
	s9 =	sshrl.u32 s9, $0x3;
	s7 =	sadd.s32 s7, s6  }
0xf: {  	s9 =	sadd.s32 s9, s6;
	s6 =	sadd.s32 $0x17A00, s7;
	s7 =	sadd.s32 $0x2E00, s7  }
0x10: {  	s8 =	sadd.s32 $0x85C00, s9;
	s9 =	smax.u32 s10, $0x1;
	s10 =	simm.s32 $0x5  }
.LBB2_4:
0x11: {  	[spmem:s3] =	stream.indirect.scatter.add.f32 [tilespmem:s17], [sflag:$0x4], $0x40, s26, s14, $0xb8;
	[tilespmem:$0x1B400] =	vst v63  }
0x12: {  	_ =	swait.ge [sflag:s22], $0x6000  }
0x13: {  	s23 =	sadd.s32 $0x1, s23;
	[sflag:s22] =	ssyncset.done $0x0  }
0x14: {  	p0 =	sne.s32 s23, s9;
	[sflag:s22] =	ssyncadd.s32 $0xFFFFA000  }
.Ltmp1:
0x15: {  	[bflag:$0x0] =	sbarrier.arrive $0xFFFF;
	(pc) =	sbr.rel @!p0 .LBB2_5-.Ltmp1, $4  }
0x16: {  	[hbm:s8], [sflag:s12] =	dma.local [spmem:s13], $0x1400  }
0x17: {  	_ =	swait.ge [sflag:s10], $0x1400  }
0x18: {  	[sflag:s10] =	ssyncset.done $0x0  }
0x19: {  	[sflag:s10] =	ssyncadd.s32 $0xFFFFEC00  }
.LBB2_1:
0x1a: {  	[tilespmem:s4], [sflag:$0x5] =	stream.linear.gather [hbm4b:s6+s4], $0x2A00, $0x38;
	[tilespmem:$0x1B400] =	vst v63  }
0x1b: {  	_ =	swait.ge [sflag:s10], $0x2A00  }
0x1c: {  	[sflag:s10] =	ssyncset.done $0x0  }
0x1d: {  	[sflag:s10] =	ssyncadd.s32 $0xFFFFD600  }
0x1e: {  	[tilespmem:s11], [sflag:$0x5] =	stream.linear.gather [hbm4b:s7+s4], $0x2A00, $0x38;
	[tilespmem:$0x1B400] =	vst v63  }
0x1f: {  	_ =	swait.ge [sflag:s10], $0x2A00  }
0x20: {  	[sflag:s10] =	ssyncset.done $0x0  }
0x21: {  	[sflag:s10] =	ssyncadd.s32 $0xFFFFD600  }
0x22: {  	[spmem:s13], [sflag:s12] =	dma.local [hbm:s2], $0x1400  }
0x23: {  	_ =	swait.ge [sflag:s10], $0x1400  }
0x24: {  	[sflag:s10] =	ssyncset.done $0x0  }
0x25: {  	[sflag:s10] =	ssyncadd.s32 $0xFFFFEC00  }
0x26: {  	[bflag:$0x0] =	sbarrier.arrive $0xFFFF  }
0x27: {  	[tilespmem:s15], [sflag:$0x1] =	stream.indirect.gather [hbm4b:s5+s14], $0x40, s4, s14, $0xb8;
	[tilespmem:$0x1B400] =	vst v63  }
0x28: {  	_ =	swait.ge [sflag:s16], $0x6000  }
0x29: {  	[sflag:s16] =	ssyncset.done $0x0  }
0x2a: {  	[sflag:s16] =	ssyncadd.s32 $0xFFFFA000  }
0x2b: {  	[tilespmem:s17], [sflag:$0x2] =	stream.indirect.gather [hbm4b:s5+s14], $0x40, s14, s14, $0xb8;
	[tilespmem:$0x1B400] =	vst v63  }
0x2c: {  	_ = 	snop  }
0x2d: {  	[spmem:s3] =	stream.indirect.scatter.add.f32 [tilespmem:s15], [sflag:$0x3], $0x40, s11, s14, $0xb8;
	[tilespmem:$0x1B400] =	vst v63  }
0x2e: {  	_ =	swait.ge [sflag:s18], $0x6000  }
0x2f: {  	[sflag:s18] =	ssyncset.done $0x0  }
0x30: {  	[sflag:s18] =	ssyncadd.s32 $0xFFFFA000  }
0x31: {  	_ =	swait.ge [sflag:s19], $0x6000  }
0x32: {  	[sflag:s19] =	ssyncset.done $0x0  }
0x33: {  	[sflag:s19] =	ssyncadd.s32 $0xFFFFA000  }
0x34: {  	[tilespmem:s15], [sflag:$0x1] =	stream.indirect.gather [hbm4b:s5+s14], $0x40, s20, s14, $0xb8;
	[tilespmem:$0x1B400] =	vst v63  }
0x35: {  	s24 =	simm.s32 $0xFFFF7000  }
0x36: {  	[spmem:s3] =	stream.indirect.scatter.add.f32 [tilespmem:s17], [sflag:$0x4], $0x40, s21, s14, $0xb8;
	[tilespmem:$0x1B400] =	vst v63  }
.LBB2_2:
0x37: {  	_ =	swait.ge [sflag:s16], $0x6000  }
0x38: {  	[sflag:s16] =	ssyncset.done $0x0  }
0x39: {  	[sflag:s16] =	ssyncadd.s32 $0xFFFFA000  }
0x3a: {  	_ =	swait.ge [sflag:s22], $0x6000  }
0x3b: {  	s25 =	sshra.s32 s24, $0x2;
	[sflag:s22] =	ssyncset.done $0x0  }
0x3c: {  	s26 =	sadd.s32 $0x2880, s25;
	[sflag:s22] =	ssyncadd.s32 $0xFFFFA000  }
0x3d: {  	[tilespmem:s17], [sflag:$0x2] =	stream.indirect.gather [hbm4b:s5+s14], $0x40, s26, s14, $0xb8;
	[tilespmem:$0x1B400] =	vst v63  }
0x3e: {  	s31 =	sadd.s32 $0x5100, s25  }
0x3f: {  	[spmem:s3] =	stream.indirect.scatter.add.f32 [tilespmem:s15], [sflag:$0x3], $0x40, s31, s14, $0xb8;
	[tilespmem:$0x1B400] =	vst v63  }
0x40: {  	p0 =	seq.s32 s24, $0x0;
	_ =	swait.ge [sflag:s18], $0x6000  }
.Ltmp2:
0x41: {  	[sflag:s18] =	ssyncset.done $0x0;
	(pc) =	sbr.rel @p0 .LBB2_4-.Ltmp2, $4  }
0x42: {  	[sflag:s18] =	ssyncadd.s32 $0xFFFFA000  }
0x43: {  	_ =	swait.ge [sflag:s19], $0x6000  }
0x44: {  	[sflag:s19] =	ssyncset.done $0x0  }
0x45: {  	s26 =	sadd.s32 $0x5280, s25;
	[sflag:s19] =	ssyncadd.s32 $0xFFFFA000  }
.Ltmp3:
0x46: {  	(pc) =	sbr.rel .LBB2_2-.Ltmp3, $4  }
0x47: {  	s25 =	sadd.s32 $0x2A00, s25  }
0x48: {  	[tilespmem:s15], [sflag:$0x1] =	stream.indirect.gather [hbm4b:s5+s14], $0x40, s25, s14, $0xb8;
	[tilespmem:$0x1B400] =	vst v63  }
0x49: {  	s24 =	sadd.s32 $0xC00, s24  }
0x4a: {  	[spmem:s3] =	stream.indirect.scatter.add.f32 [tilespmem:s17], [sflag:$0x4], $0x40, s26, s14, $0xb8;
	[tilespmem:$0x1B400] =	vst v63  }
.LBB2_5:
0x4b: {  	_ =	sfence.sel $0x180000  }
0x4c: {  	[bflag:$0x0] =	sbarrier.arrive $0xFFFF  }
0x4d: {  	p0 =	sne.s32 s1, $0x0;
	_ =	strace $0x9000004D  }
0x4e: {  	s0 =	sadd.s32 @!p0 $0x100000, s0;
	[bflag:$0x2] =	sbarrier.arrive $0xFFFF  }
0x4f: {  	[sflag:s0] =	ssyncadd.tile.s32 @!p0 $0x1;
	_ =	shalt  }
.Lfunc_end2:
_tile_overlayer_lowered:
.L_overlay_start_2:
0x50: {  	(tag) =	ssettag $0x2  }
0x51: {  	s0 =	rddreg [dreg:$0x0];
	s2 =	stileid.u32  }
0x52: {  	s1 =	rddreg [dreg:$0x1];
	p0 =	sne.s32 s2, $0x0  }
0x53: {  	s3 =	rddreg [dreg:$0x2];
	[bflag:$0x3] =	sbarrier.arrive $0xFFFF;
	s2 =	simm.s32 @!p0 $0x1C05  }
0x54: {  	[timem:s3], [sflag:s2] =	dma.local @!p0 [hbm:s0], s1  }
0x55: {  	s0 =	simm.s32 @!p0 $0x5  }
0x56: {  	_ =	swait.ge @!p0 [sflag:s0], s1  }
0x57: {  	s1 =	ssub.s32 @!p0 $0x0, s1;
	[sflag:s0] =	ssyncset.done @!p0 $0x0  }
0x58: {  	[sflag:s0] =	ssyncadd.s32 @!p0 s1  }
0x59: {  	[bflag:$0x3] =	sbarrier.arrive $0xFFFF  }
0x5a: {  	_ =	shalt  }

// kernel: kernel.19.cloned.1.call-start
scs
__scs_entry_jumppad:
0x0: {  	(pc) =	sbr.rel $0x88, $3  }
0x1: {  	(tag) =	ssettag $0x0;
	lr =	simm.s32 $0x1  }
0x2: {  	[smem:$0x3F91] =	sst lr;
	_ =	strace $0xD0000000  }
0x3: {  	_ = 	snop  }
0x4: {  	_ = 	snop  }
0x5: {  	_ = 	snop  }
0x6: {  	_ = 	snop  }
0x7: {  	_ = 	snop  }
__scs_overlays_trampoline_lowered:
0x8: {  	[smem:$0x3FA0] =	sst s0  }
0x9: {  	[smem:$0x3FA1] =	sst s1  }
0xa: {  	[smem:$0x3FA2] =	sst s2  }
0xb: {  	[smem:$0x3FA3] =	sst s3  }
0xc: {  	[smem:$0x3FA4] =	sst s4  }
0xd: {  	[smem:$0x3FA5] =	sst s5  }
0xe: {  	[smem:$0x3FA6] =	sst s6  }
0xf: {  	[smem:$0x3FA7] =	sst s7  }
0x10: {  	[smem:$0x3FA8] =	sst s8  }
0x11: {  	[smem:$0x3FA9] =	sst s9;
	s0 =	simm.s32 @!p0 $0x0  }
0x12: {  	s1 =	sld [smem:$0x3F8F];
	s0 =	simm.s32 @p0 $0x1  }
0x13: {  	[smem:$0x3FAA] =	sst s0;
	s0 =	simm.s32 @!p1 $0x0  }
0x14: {  	s2 =	sld [smem:$0x3F8E];
	s0 =	simm.s32 @p1 $0x1  }
0x15: {  	[smem:$0x3FAB] =	sst s0;
	s0 =	simm.s32 @!p2 $0x0  }
0x16: {  	s3 =	sld [smem:$0x3FDB];
	s0 =	simm.s32 @p2 $0x1  }
0x17: {  	s4 =	simm.s32 $0x1BF5;
	[smem:$0x3FAD] =	sst s0  }
0x18: {  	s0 =	sld [smem:$0x3F90];
	_ =	swait.ge [sflag:s4], $0x0  }
0x19: {  	s7 =	sld [smem:$0x3F91]  }
0x1a: {  	s8 =	sadd.s32 $0xFFFFE003, lr  }
0x1b: {  	s9 =	sadd.s32 $0xFFFFFEF7, lr;
	s5 =	simm.s32 $0xFFFFFFFF;
	p2 =	slt.u32 s8, $0xFFFFF086  }
0x1c: {  	p1 =	slt.u32 s9, $0xF7A;
	s5 =	simm.s32 @!p2 $0x0  }
0x1d: {  	s5 =	simm.s32 @p1 $0x1;
	p0 =	seq.s32 s7, s2  }
0x1e: {  	s7 =	smul.u32 @!p0 $0xF7A, s2;
	p2 =	seq.s32 @!p0 s5, $0x0  }
0x1f: {  	s9 =	smul.u32 $0xF7A, s1;
	s8 =	simm.s32 @!p0 $0x1BF5;
	p2 =	por !p2, p0  }
0x20: {  	[sflag:s8] =	ssyncset.s32 @!p0 $0xFFFFF086;
	s6 =	sadd.s32 @!p0 s3, s7;
	s7 =	simm.s32 @!p0 $0x108  }
0x21: {  	s3 =	sadd.s32 s3, s9;
	s6 =	sadd.s32 @!p0 $0x88, s6;
	s7 =	simm.s32 @p2 $0x1082  }
0x22: {  	[simem:s7], [sflag:s8] =	dma.local @!p0 [hbm:s6], $0xF7A  }
0x23: {  	s9 =	sor.u32 $0xD0000000, s2;
	s6 =	simm.s32 $0x108;
	_ =	swait.ge @!p0 [sflag:s8], $0x0  }
0x24: {  	s3 =	sadd.s32 $0x88, s3;
	s6 =	simm.s32 @!p1 $0x1082;
	[sflag:s4] =	ssyncset.s32 $0xFFFFF086  }
0x25: {  	[simem:s6], [sflag:s4] =	dma.local [hbm:s3], $0xF7A  }
0x26: {  	[smem:$0x3F91] =	sst s1;
	(tag) =	ssettag s2;
	_ =	strace s9  }
0x27: {  	s1 =	sld [smem:$0x3FA1]  }
0x28: {  	s2 =	sld [smem:$0x3FA2]  }
0x29: {  	s4 =	sld [smem:$0x3FA4]  }
0x2a: {  	p0 =	seq.s32 s5, $0x0;
	s5 =	sld [smem:$0x3FA5]  }
0x2b: {  	s6 =	sld [smem:$0x3FA6]  }
0x2c: {  	s7 =	sld [smem:$0x3FA7]  }
0x2d: {  	s3 =	simm.s32 $0x108;
	s8 =	sld [smem:$0x3FA8]  }
0x2e: {  	s3 =	simm.s32 @!p0 $0x1082;
	s9 =	sld [smem:$0x3FA9]  }
0x2f: {  	lr =	sadd.s32 s0, s3;
	s0 =	sld [smem:$0x3FA0]  }
0x30: {  	s3 =	sld [smem:$0x3FA3]  }
0x31: {  	[smem:$0x3FAC] =	sst s10  }
0x32: {  	s10 =	sld [smem:$0x3FAA];
	_ =	sdelay $0x3  }
0x33: {  	p0 =	seq.s32 s10, $0x1;
	s10 =	sld [smem:$0x3FAC];
	_ =	sdelay $0x3  }
0x34: {  	[smem:$0x3FAC] =	sst s10  }
0x35: {  	s10 =	sld [smem:$0x3FAB];
	_ =	sdelay $0x3  }
0x36: {  	p1 =	seq.s32 s10, $0x1;
	s10 =	sld [smem:$0x3FAC];
	_ =	sdelay $0x3  }
0x37: {  	[smem:$0x3FAC] =	sst s10  }
0x38: {  	s10 =	sld [smem:$0x3FAD]  }
0x39: {  	_ = 	snop;
	(pc) =	sbr.ind lr, $3  }
0x3a: {  	_ = 	snop  }
0x3b: {  	_ = 	snop  }
0x3c: {  	p2 =	seq.s32 s10, $0x1;
	s10 =	sld [smem:$0x3FAC]  }
0x3d: {  	_ =	shalt  }
0x3e: {  	_ =	shalt  }
0x3f: {  	_ =	shalt  }
0x40: {  	_ =	shalt  }
0x41: {  	_ =	shalt  }
0x42: {  	_ =	shalt  }
0x43: {  	_ =	shalt  }
0x44: {  	_ =	shalt  }
0x45: {  	_ =	shalt  }
0x46: {  	_ =	shalt  }
0x47: {  	_ =	shalt  }
0x48: {  	_ =	shalt  }
0x49: {  	_ =	shalt  }
0x4a: {  	_ =	shalt  }
0x4b: {  	_ =	shalt  }
0x4c: {  	_ =	shalt  }
0x4d: {  	_ =	shalt  }
0x4e: {  	_ =	shalt  }
0x4f: {  	_ =	shalt  }
0x50: {  	_ =	shalt  }
0x51: {  	_ =	shalt  }
0x52: {  	_ =	shalt  }
0x53: {  	_ =	shalt  }
0x54: {  	_ =	shalt  }
0x55: {  	_ =	shalt  }
0x56: {  	_ =	shalt  }
0x57: {  	_ =	shalt  }
0x58: {  	_ =	shalt  }
0x59: {  	_ =	shalt  }
0x5a: {  	_ =	shalt  }
0x5b: {  	_ =	shalt  }
0x5c: {  	_ =	shalt  }
0x5d: {  	_ =	shalt  }
0x5e: {  	_ =	shalt  }
0x5f: {  	_ =	shalt  }
0x60: {  	_ =	shalt  }
0x61: {  	_ =	shalt  }
0x62: {  	_ =	shalt  }
0x63: {  	_ =	shalt  }
0x64: {  	_ =	shalt  }
0x65: {  	_ =	shalt  }
0x66: {  	_ =	shalt  }
0x67: {  	_ =	shalt  }
0x68: {  	_ =	shalt  }
0x69: {  	_ =	shalt  }
0x6a: {  	_ =	shalt  }
0x6b: {  	_ =	shalt  }
0x6c: {  	_ =	shalt  }
0x6d: {  	_ =	shalt  }
0x6e: {  	_ =	shalt  }
0x6f: {  	_ =	shalt  }
0x70: {  	_ =	shalt  }
0x71: {  	_ =	shalt  }
0x72: {  	_ =	shalt  }
0x73: {  	_ =	shalt  }
0x74: {  	_ =	shalt  }
0x75: {  	_ =	shalt  }
0x76: {  	_ =	shalt  }
0x77: {  	_ =	shalt  }
0x78: {  	_ =	shalt  }
0x79: {  	_ =	shalt  }
0x7a: {  	_ =	shalt  }
0x7b: {  	_ =	shalt  }
0x7c: {  	_ =	shalt  }
0x7d: {  	_ =	shalt  }
0x7e: {  	_ =	shalt  }
0x7f: {  	_ =	shalt  }
0x80: {  	_ =	shalt  }
0x81: {  	_ =	shalt  }
0x82: {  	_ =	shalt  }
0x83: {  	_ =	shalt  }
0x84: {  	_ =	shalt  }
0x85: {  	_ =	shalt  }
0x86: {  	_ =	shalt  }
0x87: {  	_ =	shalt  }
.Lfunc_end0:
.L_simem_size_0:
called_computation.3_lowered:
.L_overlay_start_0:
0x88: {  	s2 =	sld [smem:$0x3FD9]  }
0x89: {  	s3 =	sld [smem:$0x3FFE];
	_ =	sdelay $0x1  }
0x8a: {  	s1 =	srdreg.scid  }
0x8b: {  	s0 =	sand.u32 $0x1, s1  }
0x8c: {  	s17 =	sshll.u32 s0, $0xA;
	s2 =	sadd.s32 s3, s2  }
0x8d: {  	s2 =	sadd.s32 s2, s17  }
0x8e: {  	[smem:$0x3FB8] =	sst s2  }
0x8f: {  	_ = 	snop  }
0x90: {  	s2 =	sld [smem:$0x3FD0];
	(tm) =	ssettm $0x1  }
0x91: {  	s18 =	sld [smem:$0x3FFB];
	_ =	sdelay $0x3  }
0x92: {  	_ =	strace s18  }
0x93: {  	s3 =	sld [smem:$0x3FFC];
	_ =	sdelay $0x3  }
0x94: {  	_ =	strace s3  }
0x95: {  	s3 =	sld [smem:$0x3FFD];
	_ =	sdelay $0x3  }
0x96: {  	_ =	strace s3  }
0x97: {  	_ =	strace $0x8FFFFFFF  }
0x98: {  	s19 =	sld [smem:$0x3FDB];
	_ =	sdelay $0x1  }
0x99: {  	s4 =	simm.s32 $_scs_section_size  }
0x9a: {  	s5 =	simm.s32 $_size__tile_overlayer_lowered;
	s6 =	simm.s32 $_tile_overlayer_lowered  }
0x9b: {  	s22 =	simm.s32 $0x1BFF;
	s21 =	sshll.u32 s6, $0x1;
	s3 =	sadd.s32 s4, s19  }
0x9c: {  	s7 =	simm.s32 $0x0;
	s20 =	sshll.u32 s5, $0x1;
	s5 =	sadd.s32 s21, s3  }
0x9d: {  	[timem:s7], [sflag:s22] =	dma.local [hbm:s5], s20  }
0x9e: {  	_ =	swait.ge [sflag:s22], s20  }
0x9f: {  	s4 =	ssub.s32 $0x0, s20;
	[sflag:s22] =	ssyncset.done $0x0  }
0xa0: {  	[sflag:s22] =	ssyncadd.s32 s4;
	_ =	sdelay $0x1  }
0xa1: {  	s23 =	simm.s32 $0x1B8B  }
0xa2: {  	_ =	swait.ge [sflag:s23], $0x1  }
0xa3: {  	[sflag:s23] =	ssyncset.done $0x0  }
0xa4: {  	s25 =	simm.s32 $0x1B8E;
	s24 =	sld [smem:$0x3FFE];
	[sflag:s23] =	ssyncadd.s32 $0xFFFFFFFF  }
0xa5: {  	s26 =	simm.s32 $execute0_lowered;
	[smem:$0x3FD2] =	sst s25  }
0xa6: {  	s5 =	sshll.u32 s26, $0x1;
	_ =	strace $0x8000004F;
	[dreg:$0x1] =	wrdreg $0xFFFFFFFF  }
0xa7: {  	s28 =	simm.s32 $_size_execute0_lowered;
	s3 =	sadd.s32 s3, s5;
	[dreg:$0x0] =	wrdreg $0x0  }
0xa8: {  	s5 =	sshll.u32 s28, $0x1;
	[dreg:$0x2] =	wrdreg s3  }
0xa9: {  	[dreg:$0x3] =	wrdreg s5  }
0xaa: {  	[dreg:$0x4] =	wrdreg $0xC0  }
0xab: {  	_ =	task [dreg:s7], $0x5FFFF  }
0xac: {  	[dreg:$0x1] =	wrdreg $0xFFFFFFFF  }
0xad: {  	[dreg:$0x0] =	wrdreg $0x60  }
0xae: {  	[dreg:$0x2] =	wrdreg s24  }
0xaf: {  	[dreg:$0x3] =	wrdreg s2  }
0xb0: {  	[dreg:$0x4] =	wrdreg $0xB4000  }
0xb1: {  	[dreg:$0x5] =	wrdreg $0x9  }
0xb2: {  	_ =	task.clear_ibuf [dreg:s7], $0x6FFFF;
	_ =	strace $0x9000004F  }
0xb3: {  	s29 =	simm.s32 $0x9;
	_ =	strace $0x80000051  }
0xb4: {  	_ =	swait.ge [sflag:s29], $0x1  }
0xb5: {  	[sflag:s29] =	ssyncadd.s32 $0xFFFFFFFF  }
0xb6: {  	_ =	strace $0x90000051  }
0xb7: {  	_ =	sfence  }
0xb8: {  	s30 =	sld [smem:$0x0];
	_ =	sdelay $0x2  }
0xb9: {  	s31 =	sshll.u32 s1, $0xD;
	s1 =	sshrl.u32 s1, $0x2  }
0xba: {  	s3 =	sand.u32 $0x4000, s31;
	s1 =	sadd.s32 s1, s30  }
0xbb: {  	s0 =	sor.u32 s3, s0;
	s1 =	sshll.u32 s1, $0x11  }
0xbc: {  	s0 =	sor.u32 s1, s0  }
0xbd: {  	s0 =	sadd.s32 $0x8F2B, s0  }
0xbe: {  	[sflag:s0] =	ssyncadd.remote.s32 $0x1  }
0xbf: {  	_ =	sfence.sel $0xFFFF  }
0xc0: {  	[dreg:$0x0] =	wrdreg $0xFFFFFFFF;
	(pc) =	sbr.abs _section_cstart, $3  }
0xc1: {  	[dreg:$0x1] =	wrdreg $0xFFFFFFFF  }
0xc2: {  	_ =	task.clear_ibuf [dreg:s7], $0x2FFFF;
	_ =	strace $0x9FFFFFFF  }
0xc3: {  	(tm) =	ssettm $0x7FFFFFFF  }
tec
execute0_lowered:
.L_overlay_start_1:
0x0: {  	(tag) =	ssettag $0x1  }
0x1: {  	s6 =	rddreg [dreg:$0x0]  }
0x2: {  	s2 =	rddreg [dreg:$0x1];
	s0 =	srdreg.scid  }
0x3: {  	s3 =	rddreg [dreg:$0x2];
	s1 =	stileid.u32  }
0x4: {  	s4 =	simm.s32 $0x0;
	s11 =	simm.s32 $0x2A00;
	s14 =	simm.s32 $0x180  }
0x5: {  	s15 =	simm.s32 $0x5400;
	s16 =	simm.s32 $0x1;
	s17 =	simm.s32 $0x8400  }
0x6: {  	s18 =	simm.s32 $0x2;
	s19 =	simm.s32 $0x3;
	s20 =	simm.s32 $0x300  }
0x7: {  	s21 =	simm.s32 $0x2B80;
	s22 =	simm.s32 $0x4;
	s23 =	simm.s32 $0x0  }
0x8: {  	s5 =	sand.u32 $0x1, s0;
	s0 =	rddreg [dreg:$0x3];
	s8 =	smul.u32 $0x5000, s1  }
0x9: {  	[smem:$0x7FF] =	sst s4;
	s12 =	sshll.u32 s1, $0x6;
	s7 =	sshll.u32 s5, $0x4  }
0xa: {  	s9 =	smul.u32 $0x50000, s5;
	_ =	strace $0x80000050;
	s7 =	sor.u32 s1, s7  }
0xb: {  	s10 =	ssub.s32 $0x2, s5;
	s5 =	sadd.s32 $0xD600, s6;
	s7 =	smul.u32 $0x540, s7  }
.Ltmp0:
0xc: {  	s12 =	sor.u32 $0x1C05, s12;
	s31 =	sshrl.u32 s10, $0x1;
	(pc) =	sbr.rel .LBB2_1-.Ltmp0, $4  }
0xd: {  	s13 =	sadd.s32 s8, s3;
	s9 =	sadd.s32 s8, s9;
	s10 =	ssub.s32 s10, s31  }
0xe: {  	s13 =	sshrl.u32 s13, $0x3;
	s9 =	sshrl.u32 s9, $0x3;
	s7 =	sadd.s32 s7, s6  }
0xf: {  	s9 =	sadd.s32 s9, s6;
	s6 =	sadd.s32 $0x17A00, s7;
	s7 =	sadd.s32 $0x2E00, s7  }
0x10: {  	s8 =	sadd.s32 $0x72200, s9;
	s9 =	smax.u32 s10, $0x1;
	s10 =	simm.s32 $0x5  }
.LBB2_4:
0x11: {  	[spmem:s3] =	stream.indirect.scatter.add.f32 [tilespmem:s17], [sflag:$0x4], $0x20, s26, s14, $0xb8;
	[tilespmem:$0x10400] =	vst v63  }
0x12: {  	_ =	swait.ge [sflag:s22], $0x3000  }
0x13: {  	s23 =	sadd.s32 $0x1, s23;
	[sflag:s22] =	ssyncset.done $0x0  }
0x14: {  	p0 =	sne.s32 s23, s9;
	[sflag:s22] =	ssyncadd.s32 $0xFFFFD000  }
.Ltmp1:
0x15: {  	[bflag:$0x0] =	sbarrier.arrive $0xFFFF;
	(pc) =	sbr.rel @!p0 .LBB2_5-.Ltmp1, $4  }
0x16: {  	[hbm:s8], [sflag:s12] =	dma.local [spmem:s13], $0xA00  }
0x17: {  	_ =	swait.ge [sflag:s10], $0xA00  }
0x18: {  	[sflag:s10] =	ssyncset.done $0x0  }
0x19: {  	[sflag:s10] =	ssyncadd.s32 $0xFFFFF600  }
.LBB2_1:
0x1a: {  	[tilespmem:s4], [sflag:$0x5] =	stream.linear.gather [hbm4b:s6+s4], $0x2A00, $0x38;
	[tilespmem:$0x10400] =	vst v63  }
0x1b: {  	_ =	swait.ge [sflag:s10], $0x2A00  }
0x1c: {  	[sflag:s10] =	ssyncset.done $0x0  }
0x1d: {  	[sflag:s10] =	ssyncadd.s32 $0xFFFFD600  }
0x1e: {  	[tilespmem:s11], [sflag:$0x5] =	stream.linear.gather [hbm4b:s7+s4], $0x2A00, $0x38;
	[tilespmem:$0x10400] =	vst v63  }
0x1f: {  	_ =	swait.ge [sflag:s10], $0x2A00  }
0x20: {  	[sflag:s10] =	ssyncset.done $0x0  }
0x21: {  	[sflag:s10] =	ssyncadd.s32 $0xFFFFD600  }
0x22: {  	[spmem:s13], [sflag:s12] =	dma.local [hbm:s5], $0xA00  }
0x23: {  	_ =	swait.ge [sflag:s10], $0xA00  }
0x24: {  	[sflag:s10] =	ssyncset.done $0x0  }
0x25: {  	[sflag:s10] =	ssyncadd.s32 $0xFFFFF600  }
0x26: {  	[bflag:$0x0] =	sbarrier.arrive $0xFFFF  }
0x27: {  	[tilespmem:s15], [sflag:$0x1] =	stream.indirect.gather [hbm4b:s2+s14], $0x20, s4, s14, $0xb8;
	[tilespmem:$0x10400] =	vst v63  }
0x28: {  	_ =	swait.ge [sflag:s16], $0x3000  }
0x29: {  	[sflag:s16] =	ssyncset.done $0x0  }
0x2a: {  	[sflag:s16] =	ssyncadd.s32 $0xFFFFD000  }
0x2b: {  	[tilespmem:s17], [sflag:$0x2] =	stream.indirect.gather [hbm4b:s2+s14], $0x20, s14, s14, $0xb8;
	[tilespmem:$0x10400] =	vst v63  }
0x2c: {  	_ = 	snop  }
0x2d: {  	[spmem:s3] =	stream.indirect.scatter.add.f32 [tilespmem:s15], [sflag:$0x3], $0x20, s11, s14, $0xb8;
	[tilespmem:$0x10400] =	vst v63  }
0x2e: {  	_ =	swait.ge [sflag:s18], $0x3000  }
0x2f: {  	[sflag:s18] =	ssyncset.done $0x0  }
0x30: {  	[sflag:s18] =	ssyncadd.s32 $0xFFFFD000  }
0x31: {  	_ =	swait.ge [sflag:s19], $0x3000  }
0x32: {  	[sflag:s19] =	ssyncset.done $0x0  }
0x33: {  	[sflag:s19] =	ssyncadd.s32 $0xFFFFD000  }
0x34: {  	[tilespmem:s15], [sflag:$0x1] =	stream.indirect.gather [hbm4b:s2+s14], $0x20, s20, s14, $0xb8;
	[tilespmem:$0x10400] =	vst v63  }
0x35: {  	s24 =	simm.s32 $0xFFFF7000  }
0x36: {  	[spmem:s3] =	stream.indirect.scatter.add.f32 [tilespmem:s17], [sflag:$0x4], $0x20, s21, s14, $0xb8;
	[tilespmem:$0x10400] =	vst v63  }
.LBB2_2:
0x37: {  	_ =	swait.ge [sflag:s16], $0x3000  }
0x38: {  	[sflag:s16] =	ssyncset.done $0x0  }
0x39: {  	[sflag:s16] =	ssyncadd.s32 $0xFFFFD000  }
0x3a: {  	_ =	swait.ge [sflag:s22], $0x3000  }
0x3b: {  	s25 =	sshra.s32 s24, $0x2;
	[sflag:s22] =	ssyncset.done $0x0  }
0x3c: {  	s26 =	sadd.s32 $0x2880, s25;
	[sflag:s22] =	ssyncadd.s32 $0xFFFFD000  }
0x3d: {  	[tilespmem:s17], [sflag:$0x2] =	stream.indirect.gather [hbm4b:s2+s14], $0x20, s26, s14, $0xb8;
	[tilespmem:$0x10400] =	vst v63  }
0x3e: {  	s31 =	sadd.s32 $0x5100, s25  }
0x3f: {  	[spmem:s3] =	stream.indirect.scatter.add.f32 [tilespmem:s15], [sflag:$0x3], $0x20, s31, s14, $0xb8;
	[tilespmem:$0x10400] =	vst v63  }
0x40: {  	p0 =	seq.s32 s24, $0x0;
	_ =	swait.ge [sflag:s18], $0x3000  }
.Ltmp2:
0x41: {  	[sflag:s18] =	ssyncset.done $0x0;
	(pc) =	sbr.rel @p0 .LBB2_4-.Ltmp2, $4  }
0x42: {  	[sflag:s18] =	ssyncadd.s32 $0xFFFFD000  }
0x43: {  	_ =	swait.ge [sflag:s19], $0x3000  }
0x44: {  	[sflag:s19] =	ssyncset.done $0x0  }
0x45: {  	s26 =	sadd.s32 $0x5280, s25;
	[sflag:s19] =	ssyncadd.s32 $0xFFFFD000  }
.Ltmp3:
0x46: {  	(pc) =	sbr.rel .LBB2_2-.Ltmp3, $4  }
0x47: {  	s25 =	sadd.s32 $0x2A00, s25  }
0x48: {  	[tilespmem:s15], [sflag:$0x1] =	stream.indirect.gather [hbm4b:s2+s14], $0x20, s25, s14, $0xb8;
	[tilespmem:$0x10400] =	vst v63  }
0x49: {  	s24 =	sadd.s32 $0xC00, s24  }
0x4a: {  	[spmem:s3] =	stream.indirect.scatter.add.f32 [tilespmem:s17], [sflag:$0x4], $0x20, s26, s14, $0xb8;
	[tilespmem:$0x10400] =	vst v63  }
.LBB2_5:
0x4b: {  	_ =	sfence.sel $0x180000  }
0x4c: {  	[bflag:$0x0] =	sbarrier.arrive $0xFFFF  }
0x4d: {  	p0 =	sne.s32 s1, $0x0;
	_ =	strace $0x90000050  }
0x4e: {  	s0 =	sadd.s32 @!p0 $0x100000, s0;
	[bflag:$0x2] =	sbarrier.arrive $0xFFFF  }
0x4f: {  	[sflag:s0] =	ssyncadd.tile.s32 @!p0 $0x1;
	_ =	shalt  }
.Lfunc_end2:
_tile_overlayer_lowered:
.L_overlay_start_2:
0x50: {  	(tag) =	ssettag $0x2  }
0x51: {  	s0 =	rddreg [dreg:$0x0];
	s2 =	stileid.u32  }
0x52: {  	s1 =	rddreg [dreg:$0x1];
	p0 =	sne.s32 s2, $0x0  }
0x53: {  	s3 =	rddreg [dreg:$0x2];
	[bflag:$0x3] =	sbarrier.arrive $0xFFFF;
	s2 =	simm.s32 @!p0 $0x1C05  }
0x54: {  	[timem:s3], [sflag:s2] =	dma.local @!p0 [hbm:s0], s1  }
0x55: {  	s0 =	simm.s32 @!p0 $0x5  }
0x56: {  	_ =	swait.ge @!p0 [sflag:s0], s1  }
0x57: {  	s1 =	ssub.s32 @!p0 $0x0, s1;
	[sflag:s0] =	ssyncset.done @!p0 $0x0  }
0x58: {  	[sflag:s0] =	ssyncadd.s32 @!p0 s1  }
0x59: {  	[bflag:$0x3] =	sbarrier.arrive $0xFFFF  }
0x5a: {  	_ =	shalt  }

</sc_bundles>
